<compile_context>
chip_gen: v7x
topology: tpu7x:2x2x1
jax: 0.10.2.dev20260603
libtpu: 0.0.44.dev20260713+nightly
codegen_flags: <defaults>
</compile_context>

<pallas_src>
import functools

import jax
import jax.numpy as jnp
from jax import lax
from jax.experimental import pallas as pl
from jax.experimental.pallas import tpu as pltpu
from jax.experimental.pallas import tpu_sc as plsc

F = 32
L = 16
CB = 16
GR = 80
UG = 128

_MESH = None


def _mesh():
    global _MESH
    if _MESH is None:
        _MESH = plsc.VectorSubcoreMesh(core_axis_name="c", subcore_axis_name="s")
    return _MESH


_PARAMS = None


def _params():
    global _PARAMS
    if _PARAMS is None:
        _PARAMS = pltpu.CompilerParams(
            needs_layout_passes=False, use_tc_tiling_on_sc=False)
    return _PARAMS


@functools.cache
def _build_rsum(B, H):
    info = plsc.get_sparse_core_info()
    NC, NS = info.num_cores, info.num_subcores
    NW = NC * NS
    BPW = B // NW
    n_chunks = BPW // CB
    CR = CB * H

    @functools.partial(
        pl.kernel,
        mesh=_mesh(),
        compiler_params=_params(),
        out_type=jax.ShapeDtypeStruct((B, F), jnp.float32),
        scratch_types=[
            pltpu.VMEM((CR,), jnp.int32),
            pltpu.VMEM((CR,), jnp.int32),
            pltpu.VMEM((CR, F), jnp.float32),
            pltpu.VMEM((CR, F), jnp.float32),
            pltpu.VMEM((BPW, F), jnp.float32),
            pltpu.SemaphoreType.DMA,
            pltpu.SemaphoreType.DMA,
        ],
    )
    def _k(rh_h, cx_h, out_h, cidx0, cidx1, rho0, rho1, rs_v, sem0, sem1):
        wid = lax.axis_index("s") * NC + lax.axis_index("c")
        base = pl.multiple_of(wid * BPW, BPW)

        def fire(c, cidx, rho, sem):
            gbc = pl.multiple_of((base + c * CB) * H, CR)
            pltpu.sync_copy(cx_h.at[pl.ds(gbc, CR)], cidx)
            for g in range(0, CR, GR):
                pltpu.async_copy(rh_h.at[cidx.at[pl.ds(g, GR)]],
                                 rho.at[pl.ds(g, GR)], sem)

        def drain(cidx, rho, sem):
            for g in range(0, CR, GR):
                pltpu.make_async_copy(rh_h.at[cidx.at[pl.ds(g, GR)]],
                                      rho.at[pl.ds(g, GR)], sem).wait()

        def compute(c, rho):
            def e_body(e, carry):
                acc0 = rho[e * H, pl.ds(0, L)]
                acc1 = rho[e * H, pl.ds(L, L)]
                for h in range(1, H):
                    acc0 = acc0 + rho[e * H + h, pl.ds(0, L)]
                    acc1 = acc1 + rho[e * H + h, pl.ds(L, L)]
                rs_v[c * CB + e, pl.ds(0, L)] = acc0
                rs_v[c * CB + e, pl.ds(L, L)] = acc1
                return carry

            lax.fori_loop(0, CB, e_body, 0)

        fire(0, cidx0, rho0, sem0)

        def pair_body(p, carry):
            c0 = p * 2
            pl.when(c0 + 1 < n_chunks)(
                lambda: fire(c0 + 1, cidx1, rho1, sem1))
            drain(cidx0, rho0, sem0)
            compute(c0, rho0)
            pl.when(c0 + 2 < n_chunks)(
                lambda: fire(c0 + 2, cidx0, rho0, sem0))
            drain(cidx1, rho1, sem1)
            compute(c0 + 1, rho1)
            return carry

        lax.fori_loop(0, n_chunks // 2, pair_body, 0)
        pltpu.sync_copy(rs_v, out_h.at[pl.ds(base, BPW)])

    return _k


@functools.cache
def _build_logit(B):
    info = plsc.get_sparse_core_info()
    NC, NS = info.num_cores, info.num_subcores
    NW = NC * NS
    BPW = B // NW
    n_chunks = BPW // CB

    @functools.partial(
        pl.kernel,
        mesh=_mesh(),
        compiler_params=_params(),
        out_type=jax.ShapeDtypeStruct((B,), jnp.float32),
        scratch_types=[
            pltpu.VMEM((BPW,), jnp.int32),
            pltpu.VMEM((BPW,), jnp.int32),
            pltpu.VMEM((BPW, F), jnp.float32),
            pltpu.VMEM((BPW, F), jnp.float32),
            pltpu.VMEM((BPW, F), jnp.float32),
            pltpu.VMEM((CB, L), jnp.float32),
            pltpu.VMEM((BPW,), jnp.float32),
            pltpu.SemaphoreType.DMA,
        ],
    )
    def _k(th_h, be_h, us_h, it_h, rs_h, out_h,
           uidx, iidx, th_v, be_v, rs_v, q_v, outb, sem):
        wid = lax.axis_index("s") * NC + lax.axis_index("c")
        base = pl.multiple_of(wid * BPW, BPW)

        pltpu.sync_copy(us_h.at[pl.ds(base, BPW)], uidx)
        pltpu.sync_copy(it_h.at[pl.ds(base, BPW)], iidx)
        cps = [pltpu.async_copy(rs_h.at[pl.ds(base, BPW)], rs_v, sem)]
        for g in range(0, BPW, UG):
            cps.append(pltpu.async_copy(th_h.at[uidx.at[pl.ds(g, UG)]],
                                        th_v.at[pl.ds(g, UG)], sem))
            cps.append(pltpu.async_copy(be_h.at[iidx.at[pl.ds(g, UG)]],
                                        be_v.at[pl.ds(g, UG)], sem))
        for cp in cps:
            cp.wait()

        lanes = lax.iota(jnp.int32, L)

        def chunk_body(c, carry):
            def e_body(e, carry2):
                ge = c * CB + e
                acc0 = th_v[ge, pl.ds(0, L)] + rs_v[ge, pl.ds(0, L)]
                acc1 = th_v[ge, pl.ds(L, L)] + rs_v[ge, pl.ds(L, L)]
                q_v[e, pl.ds(0, L)] = (be_v[ge, pl.ds(0, L)] * acc0
                                       + be_v[ge, pl.ds(L, L)] * acc1)
                return carry2

            lax.fori_loop(0, CB, e_body, 0)
            svec = jnp.zeros((L,), jnp.float32)
            for j in range(L):
                svec = svec + plsc.load_gather(
                    q_v, [lanes, jnp.full((L,), j, jnp.int32)])
            svec = 1.0 / (1.0 + jnp.exp(-svec))
            outb[pl.ds(pl.multiple_of(c * CB, CB), CB)] = svec
            return carry

        lax.fori_loop(0, n_chunks, chunk_body, 0)
        pltpu.sync_copy(outb, out_h.at[pl.ds(base, BPW)])

    return _k


def kernel(theta, beta, rho, user, item, contexts):
    B, H = contexts.shape
    rsum = _build_rsum(B, H)(rho, contexts.reshape(B * H))
    return _build_logit(B)(theta, beta, user, item, rsum)

# --- scband reference (transcript-rebuilt; emitter-appended) ---
"""Pipeline reference for scband-personalized-embedding-28647431864909 (READ-ONLY COPY).

The authoritative reference and input builder live on the scoring server;
editing this copy changes nothing except your own understanding.
"""

import jax, jax.numpy as jnp
import numpy as np

N_USERS = 1000000
N_ITEMS = 1000000
N_FACTORS = 32
BATCH = 16384
HIST = 50

def setup_inputs(seed: int = 0) -> dict:
    key = jax.random.key(seed)
    k1, k2, k3, k4, k5, k6 = jax.random.split(key, 6)
    user = jax.random.randint(k1, (BATCH,), 0, N_USERS, dtype=jnp.int64) if jax.config.jax_enable_x64 else jax.random.randint(k1, (BATCH,), 0, N_USERS).astype(jnp.int32)
    item = jax.random.randint(k2, (BATCH,), 0, N_ITEMS).astype(jnp.int32)
    contexts = jax.random.randint(k3, (BATCH, HIST), 0, N_ITEMS).astype(jnp.int32)
    user = user.astype(jnp.int32)
    theta = jax.random.normal(k4, (N_USERS, N_FACTORS), dtype=jnp.float32)
    beta = jax.random.normal(k5, (N_ITEMS, N_FACTORS), dtype=jnp.float32)
    rho = jax.random.normal(k6, (N_ITEMS, N_FACTORS), dtype=jnp.float32)
    return {"theta": theta, "beta": beta, "rho": rho, "user": user, "item": item, "contexts": contexts}

def reference(theta, beta, rho, user, item, contexts):
    # theta_u = self.theta(user)
    theta_u = jnp.take(theta, user, axis=0)            # [B, F]
    # beta_i = self.beta(item)
    beta_i = jnp.take(beta, item, axis=0)              # [B, F]
    # rho_ui = self.rho(contexts).sum(dim=1); squeeze
    rho_ui = jnp.take(rho, contexts, axis=0).sum(axis=1)  # [B, F]
    rho_ui = jnp.squeeze(rho_ui)
    user_item_prod = (theta_u * beta_i).sum(axis=1)    # [B]
    item_context_prod = (beta_i * rho_ui).sum(axis=1)  # [B]
    preds = jax.nn.sigmoid(user_item_prod + item_context_prod)
    return preds

if __name__ == "__main__":
    import jax
    _d = setup_inputs()
    print(jax.jit(kernel)(*tuple(_d.values())))

</pallas_src>

<mosaic_0001>
#map = affine_map<(d0, d1) -> (0, 0)>
#map1 = affine_map<(d0, d1) -> (0)>
module attributes {stable_mosaic.version = 14 : i64} {
  func.func @_k(%arg0: i32, %arg1: i32, %arg2: memref<1000000x32xf32, #tpu.memory_space<hbm>>, %arg3: memref<1000000x32xf32, #tpu.memory_space<hbm>>, %arg4: memref<16384xi32, #tpu.memory_space<hbm>>, %arg5: memref<16384xi32, #tpu.memory_space<hbm>>, %arg6: memref<16384x32xf32, #tpu.memory_space<hbm>>, %arg7: memref<16384xf32, #tpu.memory_space<hbm>>, %arg8: memref<512xi32, #tpu.memory_space<vmem>>, %arg9: memref<512xi32, #tpu.memory_space<vmem>>, %arg10: memref<512x32xf32, #tpu.memory_space<vmem>>, %arg11: memref<512x32xf32, #tpu.memory_space<vmem>>, %arg12: memref<512x32xf32, #tpu.memory_space<vmem>>, %arg13: memref<16x16xf32, #tpu.memory_space<vmem>>, %arg14: memref<512xf32, #tpu.memory_space<vmem>>, %arg15: memref<!tpu.dma_semaphore, #tpu.memory_space<semaphore_mem>>) attributes {dimension_semantics = [#tpu.dimension_semantics<core_parallel>, #tpu.dimension_semantics<subcore_parallel>], iteration_bounds = array<i64: 2, 16>, scalar_prefetch = 0 : i64, scratch_operands = 8 : i64, tpu.core_type = #tpu.core_type<sc_vector_subcore>, window_params = [{transform_indices = #map}, {transform_indices = #map}, {transform_indices = #map1}, {transform_indices = #map1}, {transform_indices = #map}, {transform_indices = #map1}]} {
    %mul3A = arith.constant 2 : i32
    %mul3A_0 = arith.muli %arg1, %mul3A : i32
    %add3A = arith.addi %mul3A_0, %arg0 : i32
    %mul3A_1 = arith.constant 512 : i32
    %mul3A_2 = arith.muli %add3A, %mul3A_1 : i32
    %multiple_of3A = tpu.assume_multiple %mul3A_2, 512 : i32
    "tpu.region"() ({
      %run_scoped3A = tpu.sem_alloc : memref<!tpu.dma_semaphore, #tpu.memory_space<semaphore_mem>>
      %dma_start3A_142 = tpu.memref_slice %arg4[%multiple_of3A] : memref<16384xi32, #tpu.memory_space<hbm>> -> memref<512xi32, #tpu.memory_space<hbm>>
      %dma_start3A_143 = tpu.memref_slice %arg4[%multiple_of3A] : memref<16384xi32, #tpu.memory_space<hbm>> -> memref<512xi32, #tpu.memory_space<hbm>>
      tpu.enqueue_dma source(%dma_start3A_143 : memref<512xi32, #tpu.memory_space<hbm>>) target(%arg8 : memref<512xi32, #tpu.memory_space<vmem>>) target_semaphore(%run_scoped3A : memref<!tpu.dma_semaphore, #tpu.memory_space<semaphore_mem>>)
      %dma_wait3A_144 = tpu.memref_slice %arg4[%multiple_of3A] : memref<16384xi32, #tpu.memory_space<hbm>> -> memref<512xi32, #tpu.memory_space<hbm>>
      %dma_wait3A_145 = tpu.memref_slice %arg4[%multiple_of3A] : memref<16384xi32, #tpu.memory_space<hbm>> -> memref<512xi32, #tpu.memory_space<hbm>>
      tpu.wait_dma2 semaphore(%run_scoped3A : memref<!tpu.dma_semaphore, #tpu.memory_space<semaphore_mem>>) src(%dma_wait3A_145 : memref<512xi32, #tpu.memory_space<hbm>>) dst(%arg8 : memref<512xi32, #tpu.memory_space<vmem>>)
      tpu.yield
    }) : () -> ()
    "tpu.region"() ({
      %run_scoped3A = tpu.sem_alloc : memref<!tpu.dma_semaphore, #tpu.memory_space<semaphore_mem>>
      %dma_start3A_142 = tpu.memref_slice %arg5[%multiple_of3A] : memref<16384xi32, #tpu.memory_space<hbm>> -> memref<512xi32, #tpu.memory_space<hbm>>
      %dma_start3A_143 = tpu.memref_slice %arg5[%multiple_of3A] : memref<16384xi32, #tpu.memory_space<hbm>> -> memref<512xi32, #tpu.memory_space<hbm>>
      tpu.enqueue_dma source(%dma_start3A_143 : memref<512xi32, #tpu.memory_space<hbm>>) target(%arg9 : memref<512xi32, #tpu.memory_space<vmem>>) target_semaphore(%run_scoped3A : memref<!tpu.dma_semaphore, #tpu.memory_space<semaphore_mem>>)
      %dma_wait3A_144 = tpu.memref_slice %arg5[%multiple_of3A] : memref<16384xi32, #tpu.memory_space<hbm>> -> memref<512xi32, #tpu.memory_space<hbm>>
      %dma_wait3A_145 = tpu.memref_slice %arg5[%multiple_of3A] : memref<16384xi32, #tpu.memory_space<hbm>> -> memref<512xi32, #tpu.memory_space<hbm>>
      tpu.wait_dma2 semaphore(%run_scoped3A : memref<!tpu.dma_semaphore, #tpu.memory_space<semaphore_mem>>) src(%dma_wait3A_145 : memref<512xi32, #tpu.memory_space<hbm>>) dst(%arg9 : memref<512xi32, #tpu.memory_space<vmem>>)
      tpu.yield
    }) : () -> ()
    %dma_start3A = arith.constant 0 : i32
    %dma_start3A_3 = tpu.memref_slice %arg6[%multiple_of3A, %dma_start3A] : memref<16384x32xf32, #tpu.memory_space<hbm>> -> memref<512x32xf32, #tpu.memory_space<hbm>>
    %dma_start3A_4 = arith.constant 0 : i32
    %dma_start3A_5 = tpu.memref_slice %arg6[%multiple_of3A, %dma_start3A_4] : memref<16384x32xf32, #tpu.memory_space<hbm>> -> memref<512x32xf32, #tpu.memory_space<hbm>>
    tpu.enqueue_dma source(%dma_start3A_5 : memref<512x32xf32, #tpu.memory_space<hbm>>) target(%arg12 : memref<512x32xf32, #tpu.memory_space<vmem>>) target_semaphore(%arg15 : memref<!tpu.dma_semaphore, #tpu.memory_space<semaphore_mem>>)
    %dma_start3A_6 = arith.constant 0 : i32
    %dma_start3A_7 = arith.constant 0 : i32
    %dma_start3A_8 = tpu.memref_slice %arg10[%dma_start3A_6, %dma_start3A_7] : memref<512x32xf32, #tpu.memory_space<vmem>> -> memref<128x32xf32, #tpu.memory_space<vmem>>
    %dma_start3A_9 = arith.constant 0 : i32
    %dma_start3A_10 = tpu.memref_slice %arg8[%dma_start3A_9] : memref<512xi32, #tpu.memory_space<vmem>> -> memref<128xi32, #tpu.memory_space<vmem>>
    %dma_start3A_11 = arith.constant 0 : i32
    %dma_start3A_12 = arith.constant 0 : i32
    %dma_start3A_13 = tpu.memref_slice %arg2[%dma_start3A_11, %dma_start3A_12] : memref<1000000x32xf32, #tpu.memory_space<hbm>> -> memref<1000000x32xf32, #tpu.memory_space<hbm>>
    tpu.enqueue_indirect_dma source(%dma_start3A_13 : memref<1000000x32xf32, #tpu.memory_space<hbm>>) target(%dma_start3A_8 : memref<128x32xf32, #tpu.memory_space<vmem>>) offsets(%dma_start3A_10 : memref<128xi32, #tpu.memory_space<vmem>>) semaphore(%arg15 : memref<!tpu.dma_semaphore, #tpu.memory_space<semaphore_mem>>)
    %dma_start3A_14 = arith.constant 0 : i32
    %dma_start3A_15 = arith.constant 0 : i32
    %dma_start3A_16 = tpu.memref_slice %arg11[%dma_start3A_14, %dma_start3A_15] : memref<512x32xf32, #tpu.memory_space<vmem>> -> memref<128x32xf32, #tpu.memory_space<vmem>>
    %dma_start3A_17 = arith.constant 0 : i32
    %dma_start3A_18 = tpu.memref_slice %arg9[%dma_start3A_17] : memref<512xi32, #tpu.memory_space<vmem>> -> memref<128xi32, #tpu.memory_space<vmem>>
    %dma_start3A_19 = arith.constant 0 : i32
    %dma_start3A_20 = arith.constant 0 : i32
    %dma_start3A_21 = tpu.memref_slice %arg3[%dma_start3A_19, %dma_start3A_20] : memref<1000000x32xf32, #tpu.memory_space<hbm>> -> memref<1000000x32xf32, #tpu.memory_space<hbm>>
    tpu.enqueue_indirect_dma source(%dma_start3A_21 : memref<1000000x32xf32, #tpu.memory_space<hbm>>) target(%dma_start3A_16 : memref<128x32xf32, #tpu.memory_space<vmem>>) offsets(%dma_start3A_18 : memref<128xi32, #tpu.memory_space<vmem>>) semaphore(%arg15 : memref<!tpu.dma_semaphore, #tpu.memory_space<semaphore_mem>>)
    %dma_start3A_22 = arith.constant 128 : i32
    %dma_start3A_23 = arith.constant 0 : i32
    %dma_start3A_24 = tpu.memref_slice %arg10[%dma_start3A_22, %dma_start3A_23] : memref<512x32xf32, #tpu.memory_space<vmem>> -> memref<128x32xf32, #tpu.memory_space<vmem>>
    %dma_start3A_25 = arith.constant 128 : i32
    %dma_start3A_26 = tpu.memref_slice %arg8[%dma_start3A_25] : memref<512xi32, #tpu.memory_space<vmem>> -> memref<128xi32, #tpu.memory_space<vmem>>
    %dma_start3A_27 = arith.constant 0 : i32
    %dma_start3A_28 = arith.constant 0 : i32
    %dma_start3A_29 = tpu.memref_slice %arg2[%dma_start3A_27, %dma_start3A_28] : memref<1000000x32xf32, #tpu.memory_space<hbm>> -> memref<1000000x32xf32, #tpu.memory_space<hbm>>
    tpu.enqueue_indirect_dma source(%dma_start3A_29 : memref<1000000x32xf32, #tpu.memory_space<hbm>>) target(%dma_start3A_24 : memref<128x32xf32, #tpu.memory_space<vmem>>) offsets(%dma_start3A_26 : memref<128xi32, #tpu.memory_space<vmem>>) semaphore(%arg15 : memref<!tpu.dma_semaphore, #tpu.memory_space<semaphore_mem>>)
    %dma_start3A_30 = arith.constant 128 : i32
    %dma_start3A_31 = arith.constant 0 : i32
    %dma_start3A_32 = tpu.memref_slice %arg11[%dma_start3A_30, %dma_start3A_31] : memref<512x32xf32, #tpu.memory_space<vmem>> -> memref<128x32xf32, #tpu.memory_space<vmem>>
    %dma_start3A_33 = arith.constant 128 : i32
    %dma_start3A_34 = tpu.memref_slice %arg9[%dma_start3A_33] : memref<512xi32, #tpu.memory_space<vmem>> -> memref<128xi32, #tpu.memory_space<vmem>>
    %dma_start3A_35 = arith.constant 0 : i32
    %dma_start3A_36 = arith.constant 0 : i32
    %dma_start3A_37 = tpu.memref_slice %arg3[%dma_start3A_35, %dma_start3A_36] : memref<1000000x32xf32, #tpu.memory_space<hbm>> -> memref<1000000x32xf32, #tpu.memory_space<hbm>>
    tpu.enqueue_indirect_dma source(%dma_start3A_37 : memref<1000000x32xf32, #tpu.memory_space<hbm>>) target(%dma_start3A_32 : memref<128x32xf32, #tpu.memory_space<vmem>>) offsets(%dma_start3A_34 : memref<128xi32, #tpu.memory_space<vmem>>) semaphore(%arg15 : memref<!tpu.dma_semaphore, #tpu.memory_space<semaphore_mem>>)
    %dma_start3A_38 = arith.constant 256 : i32
    %dma_start3A_39 = arith.constant 0 : i32
    %dma_start3A_40 = tpu.memref_slice %arg10[%dma_start3A_38, %dma_start3A_39] : memref<512x32xf32, #tpu.memory_space<vmem>> -> memref<128x32xf32, #tpu.memory_space<vmem>>
    %dma_start3A_41 = arith.constant 256 : i32
    %dma_start3A_42 = tpu.memref_slice %arg8[%dma_start3A_41] : memref<512xi32, #tpu.memory_space<vmem>> -> memref<128xi32, #tpu.memory_space<vmem>>
    %dma_start3A_43 = arith.constant 0 : i32
    %dma_start3A_44 = arith.constant 0 : i32
    %dma_start3A_45 = tpu.memref_slice %arg2[%dma_start3A_43, %dma_start3A_44] : memref<1000000x32xf32, #tpu.memory_space<hbm>> -> memref<1000000x32xf32, #tpu.memory_space<hbm>>
    tpu.enqueue_indirect_dma source(%dma_start3A_45 : memref<1000000x32xf32, #tpu.memory_space<hbm>>) target(%dma_start3A_40 : memref<128x32xf32, #tpu.memory_space<vmem>>) offsets(%dma_start3A_42 : memref<128xi32, #tpu.memory_space<vmem>>) semaphore(%arg15 : memref<!tpu.dma_semaphore, #tpu.memory_space<semaphore_mem>>)
    %dma_start3A_46 = arith.constant 256 : i32
    %dma_start3A_47 = arith.constant 0 : i32
    %dma_start3A_48 = tpu.memref_slice %arg11[%dma_start3A_46, %dma_start3A_47] : memref<512x32xf32, #tpu.memory_space<vmem>> -> memref<128x32xf32, #tpu.memory_space<vmem>>
    %dma_start3A_49 = arith.constant 256 : i32
    %dma_start3A_50 = tpu.memref_slice %arg9[%dma_start3A_49] : memref<512xi32, #tpu.memory_space<vmem>> -> memref<128xi32, #tpu.memory_space<vmem>>
    %dma_start3A_51 = arith.constant 0 : i32
    %dma_start3A_52 = arith.constant 0 : i32
    %dma_start3A_53 = tpu.memref_slice %arg3[%dma_start3A_51, %dma_start3A_52] : memref<1000000x32xf32, #tpu.memory_space<hbm>> -> memref<1000000x32xf32, #tpu.memory_space<hbm>>
    tpu.enqueue_indirect_dma source(%dma_start3A_53 : memref<1000000x32xf32, #tpu.memory_space<hbm>>) target(%dma_start3A_48 : memref<128x32xf32, #tpu.memory_space<vmem>>) offsets(%dma_start3A_50 : memref<128xi32, #tpu.memory_space<vmem>>) semaphore(%arg15 : memref<!tpu.dma_semaphore, #tpu.memory_space<semaphore_mem>>)
    %dma_start3A_54 = arith.constant 384 : i32
    %dma_start3A_55 = arith.constant 0 : i32
    %dma_start3A_56 = tpu.memref_slice %arg10[%dma_start3A_54, %dma_start3A_55] : memref<512x32xf32, #tpu.memory_space<vmem>> -> memref<128x32xf32, #tpu.memory_space<vmem>>
    %dma_start3A_57 = arith.constant 384 : i32
    %dma_start3A_58 = tpu.memref_slice %arg8[%dma_start3A_57] : memref<512xi32, #tpu.memory_space<vmem>> -> memref<128xi32, #tpu.memory_space<vmem>>
    %dma_start3A_59 = arith.constant 0 : i32
    %dma_start3A_60 = arith.constant 0 : i32
    %dma_start3A_61 = tpu.memref_slice %arg2[%dma_start3A_59, %dma_start3A_60] : memref<1000000x32xf32, #tpu.memory_space<hbm>> -> memref<1000000x32xf32, #tpu.memory_space<hbm>>
    tpu.enqueue_indirect_dma source(%dma_start3A_61 : memref<1000000x32xf32, #tpu.memory_space<hbm>>) target(%dma_start3A_56 : memref<128x32xf32, #tpu.memory_space<vmem>>) offsets(%dma_start3A_58 : memref<128xi32, #tpu.memory_space<vmem>>) semaphore(%arg15 : memref<!tpu.dma_semaphore, #tpu.memory_space<semaphore_mem>>)
    %dma_start3A_62 = arith.constant 384 : i32
    %dma_start3A_63 = arith.constant 0 : i32
    %dma_start3A_64 = tpu.memref_slice %arg11[%dma_start3A_62, %dma_start3A_63] : memref<512x32xf32, #tpu.memory_space<vmem>> -> memref<128x32xf32, #tpu.memory_space<vmem>>
    %dma_start3A_65 = arith.constant 384 : i32
    %dma_start3A_66 = tpu.memref_slice %arg9[%dma_start3A_65] : memref<512xi32, #tpu.memory_space<vmem>> -> memref<128xi32, #tpu.memory_space<vmem>>
    %dma_start3A_67 = arith.constant 0 : i32
    %dma_start3A_68 = arith.constant 0 : i32
    %dma_start3A_69 = tpu.memref_slice %arg3[%dma_start3A_67, %dma_start3A_68] : memref<1000000x32xf32, #tpu.memory_space<hbm>> -> memref<1000000x32xf32, #tpu.memory_space<hbm>>
    tpu.enqueue_indirect_dma source(%dma_start3A_69 : memref<1000000x32xf32, #tpu.memory_space<hbm>>) target(%dma_start3A_64 : memref<128x32xf32, #tpu.memory_space<vmem>>) offsets(%dma_start3A_66 : memref<128xi32, #tpu.memory_space<vmem>>) semaphore(%arg15 : memref<!tpu.dma_semaphore, #tpu.memory_space<semaphore_mem>>)
    %dma_wait3A = arith.constant 0 : i32
    %dma_wait3A_70 = tpu.memref_slice %arg6[%multiple_of3A, %dma_wait3A] : memref<16384x32xf32, #tpu.memory_space<hbm>> -> memref<512x32xf32, #tpu.memory_space<hbm>>
    %dma_wait3A_71 = arith.constant 0 : i32
    %dma_wait3A_72 = tpu.memref_slice %arg6[%multiple_of3A, %dma_wait3A_71] : memref<16384x32xf32, #tpu.memory_space<hbm>> -> memref<512x32xf32, #tpu.memory_space<hbm>>
    tpu.wait_dma2 semaphore(%arg15 : memref<!tpu.dma_semaphore, #tpu.memory_space<semaphore_mem>>) src(%dma_wait3A_72 : memref<512x32xf32, #tpu.memory_space<hbm>>) dst(%arg12 : memref<512x32xf32, #tpu.memory_space<vmem>>)
    %dma_wait3A_73 = arith.constant 0 : i32
    %dma_wait3A_74 = arith.constant 0 : i32
    %dma_wait3A_75 = tpu.memref_slice %arg10[%dma_wait3A_73, %dma_wait3A_74] : memref<512x32xf32, #tpu.memory_space<vmem>> -> memref<128x32xf32, #tpu.memory_space<vmem>>
    %dma_wait3A_76 = arith.constant 0 : i32
    %dma_wait3A_77 = tpu.memref_slice %arg8[%dma_wait3A_76] : memref<512xi32, #tpu.memory_space<vmem>> -> memref<128xi32, #tpu.memory_space<vmem>>
    %dma_wait3A_78 = arith.constant 0 : i32
    %dma_wait3A_79 = arith.constant 0 : i32
    %dma_wait3A_80 = tpu.memref_slice %arg2[%dma_wait3A_78, %dma_wait3A_79] : memref<1000000x32xf32, #tpu.memory_space<hbm>> -> memref<1000000x32xf32, #tpu.memory_space<hbm>>
    tpu.wait_indirect_dma semaphore(%arg15 : memref<!tpu.dma_semaphore, #tpu.memory_space<semaphore_mem>>) src(%dma_wait3A_80 : memref<1000000x32xf32, #tpu.memory_space<hbm>>) dst(%dma_wait3A_75 : memref<128x32xf32, #tpu.memory_space<vmem>>)
    %dma_wait3A_81 = arith.constant 0 : i32
    %dma_wait3A_82 = arith.constant 0 : i32
    %dma_wait3A_83 = tpu.memref_slice %arg11[%dma_wait3A_81, %dma_wait3A_82] : memref<512x32xf32, #tpu.memory_space<vmem>> -> memref<128x32xf32, #tpu.memory_space<vmem>>
    %dma_wait3A_84 = arith.constant 0 : i32
    %dma_wait3A_85 = tpu.memref_slice %arg9[%dma_wait3A_84] : memref<512xi32, #tpu.memory_space<vmem>> -> memref<128xi32, #tpu.memory_space<vmem>>
    %dma_wait3A_86 = arith.constant 0 : i32
    %dma_wait3A_87 = arith.constant 0 : i32
    %dma_wait3A_88 = tpu.memref_slice %arg3[%dma_wait3A_86, %dma_wait3A_87] : memref<1000000x32xf32, #tpu.memory_space<hbm>> -> memref<1000000x32xf32, #tpu.memory_space<hbm>>
    tpu.wait_indirect_dma semaphore(%arg15 : memref<!tpu.dma_semaphore, #tpu.memory_space<semaphore_mem>>) src(%dma_wait3A_88 : memref<1000000x32xf32, #tpu.memory_space<hbm>>) dst(%dma_wait3A_83 : memref<128x32xf32, #tpu.memory_space<vmem>>)
    %dma_wait3A_89 = arith.constant 128 : i32
    %dma_wait3A_90 = arith.constant 0 : i32
    %dma_wait3A_91 = tpu.memref_slice %arg10[%dma_wait3A_89, %dma_wait3A_90] : memref<512x32xf32, #tpu.memory_space<vmem>> -> memref<128x32xf32, #tpu.memory_space<vmem>>
    %dma_wait3A_92 = arith.constant 128 : i32
    %dma_wait3A_93 = tpu.memref_slice %arg8[%dma_wait3A_92] : memref<512xi32, #tpu.memory_space<vmem>> -> memref<128xi32, #tpu.memory_space<vmem>>
    %dma_wait3A_94 = arith.constant 0 : i32
    %dma_wait3A_95 = arith.constant 0 : i32
    %dma_wait3A_96 = tpu.memref_slice %arg2[%dma_wait3A_94, %dma_wait3A_95] : memref<1000000x32xf32, #tpu.memory_space<hbm>> -> memref<1000000x32xf32, #tpu.memory_space<hbm>>
    tpu.wait_indirect_dma semaphore(%arg15 : memref<!tpu.dma_semaphore, #tpu.memory_space<semaphore_mem>>) src(%dma_wait3A_96 : memref<1000000x32xf32, #tpu.memory_space<hbm>>) dst(%dma_wait3A_91 : memref<128x32xf32, #tpu.memory_space<vmem>>)
    %dma_wait3A_97 = arith.constant 128 : i32
    %dma_wait3A_98 = arith.constant 0 : i32
    %dma_wait3A_99 = tpu.memref_slice %arg11[%dma_wait3A_97, %dma_wait3A_98] : memref<512x32xf32, #tpu.memory_space<vmem>> -> memref<128x32xf32, #tpu.memory_space<vmem>>
    %dma_wait3A_100 = arith.constant 128 : i32
    %dma_wait3A_101 = tpu.memref_slice %arg9[%dma_wait3A_100] : memref<512xi32, #tpu.memory_space<vmem>> -> memref<128xi32, #tpu.memory_space<vmem>>
    %dma_wait3A_102 = arith.constant 0 : i32
    %dma_wait3A_103 = arith.constant 0 : i32
    %dma_wait3A_104 = tpu.memref_slice %arg3[%dma_wait3A_102, %dma_wait3A_103] : memref<1000000x32xf32, #tpu.memory_space<hbm>> -> memref<1000000x32xf32, #tpu.memory_space<hbm>>
    tpu.wait_indirect_dma semaphore(%arg15 : memref<!tpu.dma_semaphore, #tpu.memory_space<semaphore_mem>>) src(%dma_wait3A_104 : memref<1000000x32xf32, #tpu.memory_space<hbm>>) dst(%dma_wait3A_99 : memref<128x32xf32, #tpu.memory_space<vmem>>)
    %dma_wait3A_105 = arith.constant 256 : i32
    %dma_wait3A_106 = arith.constant 0 : i32
    %dma_wait3A_107 = tpu.memref_slice %arg10[%dma_wait3A_105, %dma_wait3A_106] : memref<512x32xf32, #tpu.memory_space<vmem>> -> memref<128x32xf32, #tpu.memory_space<vmem>>
    %dma_wait3A_108 = arith.constant 256 : i32
    %dma_wait3A_109 = tpu.memref_slice %arg8[%dma_wait3A_108] : memref<512xi32, #tpu.memory_space<vmem>> -> memref<128xi32, #tpu.memory_space<vmem>>
    %dma_wait3A_110 = arith.constant 0 : i32
    %dma_wait3A_111 = arith.constant 0 : i32
    %dma_wait3A_112 = tpu.memref_slice %arg2[%dma_wait3A_110, %dma_wait3A_111] : memref<1000000x32xf32, #tpu.memory_space<hbm>> -> memref<1000000x32xf32, #tpu.memory_space<hbm>>
    tpu.wait_indirect_dma semaphore(%arg15 : memref<!tpu.dma_semaphore, #tpu.memory_space<semaphore_mem>>) src(%dma_wait3A_112 : memref<1000000x32xf32, #tpu.memory_space<hbm>>) dst(%dma_wait3A_107 : memref<128x32xf32, #tpu.memory_space<vmem>>)
    %dma_wait3A_113 = arith.constant 256 : i32
    %dma_wait3A_114 = arith.constant 0 : i32
    %dma_wait3A_115 = tpu.memref_slice %arg11[%dma_wait3A_113, %dma_wait3A_114] : memref<512x32xf32, #tpu.memory_space<vmem>> -> memref<128x32xf32, #tpu.memory_space<vmem>>
    %dma_wait3A_116 = arith.constant 256 : i32
    %dma_wait3A_117 = tpu.memref_slice %arg9[%dma_wait3A_116] : memref<512xi32, #tpu.memory_space<vmem>> -> memref<128xi32, #tpu.memory_space<vmem>>
    %dma_wait3A_118 = arith.constant 0 : i32
    %dma_wait3A_119 = arith.constant 0 : i32
    %dma_wait3A_120 = tpu.memref_slice %arg3[%dma_wait3A_118, %dma_wait3A_119] : memref<1000000x32xf32, #tpu.memory_space<hbm>> -> memref<1000000x32xf32, #tpu.memory_space<hbm>>
    tpu.wait_indirect_dma semaphore(%arg15 : memref<!tpu.dma_semaphore, #tpu.memory_space<semaphore_mem>>) src(%dma_wait3A_120 : memref<1000000x32xf32, #tpu.memory_space<hbm>>) dst(%dma_wait3A_115 : memref<128x32xf32, #tpu.memory_space<vmem>>)
    %dma_wait3A_121 = arith.constant 384 : i32
    %dma_wait3A_122 = arith.constant 0 : i32
    %dma_wait3A_123 = tpu.memref_slice %arg10[%dma_wait3A_121, %dma_wait3A_122] : memref<512x32xf32, #tpu.memory_space<vmem>> -> memref<128x32xf32, #tpu.memory_space<vmem>>
    %dma_wait3A_124 = arith.constant 384 : i32
    %dma_wait3A_125 = tpu.memref_slice %arg8[%dma_wait3A_124] : memref<512xi32, #tpu.memory_space<vmem>> -> memref<128xi32, #tpu.memory_space<vmem>>
    %dma_wait3A_126 = arith.constant 0 : i32
    %dma_wait3A_127 = arith.constant 0 : i32
    %dma_wait3A_128 = tpu.memref_slice %arg2[%dma_wait3A_126, %dma_wait3A_127] : memref<1000000x32xf32, #tpu.memory_space<hbm>> -> memref<1000000x32xf32, #tpu.memory_space<hbm>>
    tpu.wait_indirect_dma semaphore(%arg15 : memref<!tpu.dma_semaphore, #tpu.memory_space<semaphore_mem>>) src(%dma_wait3A_128 : memref<1000000x32xf32, #tpu.memory_space<hbm>>) dst(%dma_wait3A_123 : memref<128x32xf32, #tpu.memory_space<vmem>>)
    %dma_wait3A_129 = arith.constant 384 : i32
    %dma_wait3A_130 = arith.constant 0 : i32
    %dma_wait3A_131 = tpu.memref_slice %arg11[%dma_wait3A_129, %dma_wait3A_130] : memref<512x32xf32, #tpu.memory_space<vmem>> -> memref<128x32xf32, #tpu.memory_space<vmem>>
    %dma_wait3A_132 = arith.constant 384 : i32
    %dma_wait3A_133 = tpu.memref_slice %arg9[%dma_wait3A_132] : memref<512xi32, #tpu.memory_space<vmem>> -> memref<128xi32, #tpu.memory_space<vmem>>
    %dma_wait3A_134 = arith.constant 0 : i32
    %dma_wait3A_135 = arith.constant 0 : i32
    %dma_wait3A_136 = tpu.memref_slice %arg3[%dma_wait3A_134, %dma_wait3A_135] : memref<1000000x32xf32, #tpu.memory_space<hbm>> -> memref<1000000x32xf32, #tpu.memory_space<hbm>>
    tpu.wait_indirect_dma semaphore(%arg15 : memref<!tpu.dma_semaphore, #tpu.memory_space<semaphore_mem>>) src(%dma_wait3A_136 : memref<1000000x32xf32, #tpu.memory_space<hbm>>) dst(%dma_wait3A_131 : memref<128x32xf32, #tpu.memory_space<vmem>>)
    %iota3A = tpu.iota {dimensions = array<i32: 0>} : vector<16xi32>
    %scan3A = arith.constant 0 : i32
    %scan3A_137 = arith.constant 0 : i32
    %scan3A_138 = arith.constant 32 : i32
    %scan3A_139 = arith.addi %scan3A_137, %scan3A_138 : i32
    %scan3A_140 = arith.constant 1 : i32
    scf.for %scan3A_142 = %scan3A_137 to %scan3A_139 step %scan3A_140  : i32 {
      %scan3A_143 = arith.constant 0 : i32
      %scan3A_144 = arith.constant 0 : i32
      %scan3A_145 = arith.constant 16 : i32
      %scan3A_146 = arith.addi %scan3A_144, %scan3A_145 : i32
      %scan3A_147 = arith.constant 1 : i32
      scf.for %scan3A_224 = %scan3A_144 to %scan3A_146 step %scan3A_147  : i32 {
        %mul3A_225 = arith.constant 16 : i32
        %mul3A_226 = arith.muli %scan3A_142, %mul3A_225 : i32
        %add3A_227 = arith.addi %mul3A_226, %scan3A_224 : i32
        %get3A = arith.index_cast %add3A_227 : i32 to index
        %get3A_228 = arith.constant 0 : index
        %get3A_229 = tpu.vector_load %arg10[%get3A, %get3A_228] {strides = array<i32>} : memref<512x32xf32, #tpu.memory_space<vmem>>, vector<16xf32>,
        %get3A_230 = arith.index_cast %add3A_227 : i32 to index
        %get3A_231 = arith.constant 0 : index
        %get3A_232 = tpu.vector_load %arg12[%get3A_230, %get3A_231] {strides = array<i32>} : memref<512x32xf32, #tpu.memory_space<vmem>>, vector<16xf32>,
        %add3A_233 = arith.addf %get3A_229, %get3A_232 : vector<16xf32>
        %get3A_234 = arith.index_cast %add3A_227 : i32 to index
        %get3A_235 = arith.constant 16 : index
        %get3A_236 = tpu.vector_load %arg10[%get3A_234, %get3A_235] {strides = array<i32>} : memref<512x32xf32, #tpu.memory_space<vmem>>, vector<16xf32>,
        %get3A_237 = arith.index_cast %add3A_227 : i32 to index
        %get3A_238 = arith.constant 16 : index
        %get3A_239 = tpu.vector_load %arg12[%get3A_237, %get3A_238] {strides = array<i32>} : memref<512x32xf32, #tpu.memory_space<vmem>>, vector<16xf32>,
        %add3A_240 = arith.addf %get3A_236, %get3A_239 : vector<16xf32>
        %get3A_241 = arith.index_cast %add3A_227 : i32 to index
        %get3A_242 = arith.constant 0 : index
        %get3A_243 = tpu.vector_load %arg11[%get3A_241, %get3A_242] {strides = array<i32>} : memref<512x32xf32, #tpu.memory_space<vmem>>, vector<16xf32>,
        %mul3A_244 = arith.mulf %get3A_243, %add3A_233 : vector<16xf32>
        %get3A_245 = arith.index_cast %add3A_227 : i32 to index
        %get3A_246 = arith.constant 16 : index
        %get3A_247 = tpu.vector_load %arg11[%get3A_245, %get3A_246] {strides = array<i32>} : memref<512x32xf32, #tpu.memory_space<vmem>>, vector<16xf32>,
        %mul3A_248 = arith.mulf %get3A_247, %add3A_240 : vector<16xf32>
        %add3A_249 = arith.addf %mul3A_244, %mul3A_248 : vector<16xf32>
        %swap3A_250 = arith.index_cast %scan3A_224 : i32 to index
        %swap3A_251 = arith.constant 0 : index
        %swap3A_252 = tpu.vector_load %arg13[%swap3A_250, %swap3A_251] {strides = array<i32>} : memref<16x16xf32, #tpu.memory_space<vmem>>, vector<16xf32>,
        tpu.vector_store %arg13[%swap3A_250, %swap3A_251], %add3A_249 {strides = array<i32>} : memref<16x16xf32, #tpu.memory_space<vmem>>, vector<16xf32>,
      }
      %scan3A_148 = arith.constant 16 : i32
      %broadcast_in_dim3A = arith.constant 0.000000e+00 : f32
      %broadcast_in_dim3A_149 = vector.broadcast %broadcast_in_dim3A : f32 to vector<16xf32>
      %broadcast_in_dim3A_150 = arith.constant 0 : i32
      %broadcast_in_dim3A_151 = vector.broadcast %broadcast_in_dim3A_150 : i32 to vector<16xi32>
      %gather3A = tpu.vector_load_idx %arg13[%iota3A, %broadcast_in_dim3A_151] : memref<16x16xf32, #tpu.memory_space<vmem>>[vector<16xi32>, vector<16xi32>], vector<16xf32>,
      %add3A_152 = arith.addf %broadcast_in_dim3A_149, %gather3A : vector<16xf32>
      %broadcast_in_dim3A_153 = arith.constant 1 : i32
      %broadcast_in_dim3A_154 = vector.broadcast %broadcast_in_dim3A_153 : i32 to vector<16xi32>
      %gather3A_155 = tpu.vector_load_idx %arg13[%iota3A, %broadcast_in_dim3A_154] : memref<16x16xf32, #tpu.memory_space<vmem>>[vector<16xi32>, vector<16xi32>], vector<16xf32>,
      %add3A_156 = arith.addf %add3A_152, %gather3A_155 : vector<16xf32>
      %broadcast_in_dim3A_157 = arith.constant 2 : i32
      %broadcast_in_dim3A_158 = vector.broadcast %broadcast_in_dim3A_157 : i32 to vector<16xi32>
      %gather3A_159 = tpu.vector_load_idx %arg13[%iota3A, %broadcast_in_dim3A_158] : memref<16x16xf32, #tpu.memory_space<vmem>>[vector<16xi32>, vector<16xi32>], vector<16xf32>,
      %add3A_160 = arith.addf %add3A_156, %gather3A_159 : vector<16xf32>
      %broadcast_in_dim3A_161 = arith.constant 3 : i32
      %broadcast_in_dim3A_162 = vector.broadcast %broadcast_in_dim3A_161 : i32 to vector<16xi32>
      %gather3A_163 = tpu.vector_load_idx %arg13[%iota3A, %broadcast_in_dim3A_162] : memref<16x16xf32, #tpu.memory_space<vmem>>[vector<16xi32>, vector<16xi32>], vector<16xf32>,
      %add3A_164 = arith.addf %add3A_160, %gather3A_163 : vector<16xf32>
      %broadcast_in_dim3A_165 = arith.constant 4 : i32
      %broadcast_in_dim3A_166 = vector.broadcast %broadcast_in_dim3A_165 : i32 to vector<16xi32>
      %gather3A_167 = tpu.vector_load_idx %arg13[%iota3A, %broadcast_in_dim3A_166] : memref<16x16xf32, #tpu.memory_space<vmem>>[vector<16xi32>, vector<16xi32>], vector<16xf32>,
      %add3A_168 = arith.addf %add3A_164, %gather3A_167 : vector<16xf32>
      %broadcast_in_dim3A_169 = arith.constant 5 : i32
      %broadcast_in_dim3A_170 = vector.broadcast %broadcast_in_dim3A_169 : i32 to vector<16xi32>
      %gather3A_171 = tpu.vector_load_idx %arg13[%iota3A, %broadcast_in_dim3A_170] : memref<16x16xf32, #tpu.memory_space<vmem>>[vector<16xi32>, vector<16xi32>], vector<16xf32>,
      %add3A_172 = arith.addf %add3A_168, %gather3A_171 : vector<16xf32>
      %broadcast_in_dim3A_173 = arith.constant 6 : i32
      %broadcast_in_dim3A_174 = vector.broadcast %broadcast_in_dim3A_173 : i32 to vector<16xi32>
      %gather3A_175 = tpu.vector_load_idx %arg13[%iota3A, %broadcast_in_dim3A_174] : memref<16x16xf32, #tpu.memory_space<vmem>>[vector<16xi32>, vector<16xi32>], vector<16xf32>,
      %add3A_176 = arith.addf %add3A_172, %gather3A_175 : vector<16xf32>
      %broadcast_in_dim3A_177 = arith.constant 7 : i32
      %broadcast_in_dim3A_178 = vector.broadcast %broadcast_in_dim3A_177 : i32 to vector<16xi32>
      %gather3A_179 = tpu.vector_load_idx %arg13[%iota3A, %broadcast_in_dim3A_178] : memref<16x16xf32, #tpu.memory_space<vmem>>[vector<16xi32>, vector<16xi32>], vector<16xf32>,
      %add3A_180 = arith.addf %add3A_176, %gather3A_179 : vector<16xf32>
      %broadcast_in_dim3A_181 = arith.constant 8 : i32
      %broadcast_in_dim3A_182 = vector.broadcast %broadcast_in_dim3A_181 : i32 to vector<16xi32>
      %gather3A_183 = tpu.vector_load_idx %arg13[%iota3A, %broadcast_in_dim3A_182] : memref<16x16xf32, #tpu.memory_space<vmem>>[vector<16xi32>, vector<16xi32>], vector<16xf32>,
      %add3A_184 = arith.addf %add3A_180, %gather3A_183 : vector<16xf32>
      %broadcast_in_dim3A_185 = arith.constant 9 : i32
      %broadcast_in_dim3A_186 = vector.broadcast %broadcast_in_dim3A_185 : i32 to vector<16xi32>
      %gather3A_187 = tpu.vector_load_idx %arg13[%iota3A, %broadcast_in_dim3A_186] : memref<16x16xf32, #tpu.memory_space<vmem>>[vector<16xi32>, vector<16xi32>], vector<16xf32>,
      %add3A_188 = arith.addf %add3A_184, %gather3A_187 : vector<16xf32>
      %broadcast_in_dim3A_189 = arith.constant 10 : i32
      %broadcast_in_dim3A_190 = vector.broadcast %broadcast_in_dim3A_189 : i32 to vector<16xi32>
      %gather3A_191 = tpu.vector_load_idx %arg13[%iota3A, %broadcast_in_dim3A_190] : memref<16x16xf32, #tpu.memory_space<vmem>>[vector<16xi32>, vector<16xi32>], vector<16xf32>,
      %add3A_192 = arith.addf %add3A_188, %gather3A_191 : vector<16xf32>
      %broadcast_in_dim3A_193 = arith.constant 11 : i32
      %broadcast_in_dim3A_194 = vector.broadcast %broadcast_in_dim3A_193 : i32 to vector<16xi32>
      %gather3A_195 = tpu.vector_load_idx %arg13[%iota3A, %broadcast_in_dim3A_194] : memref<16x16xf32, #tpu.memory_space<vmem>>[vector<16xi32>, vector<16xi32>], vector<16xf32>,
      %add3A_196 = arith.addf %add3A_192, %gather3A_195 : vector<16xf32>
      %broadcast_in_dim3A_197 = arith.constant 12 : i32
      %broadcast_in_dim3A_198 = vector.broadcast %broadcast_in_dim3A_197 : i32 to vector<16xi32>
      %gather3A_199 = tpu.vector_load_idx %arg13[%iota3A, %broadcast_in_dim3A_198] : memref<16x16xf32, #tpu.memory_space<vmem>>[vector<16xi32>, vector<16xi32>], vector<16xf32>,
      %add3A_200 = arith.addf %add3A_196, %gather3A_199 : vector<16xf32>
      %broadcast_in_dim3A_201 = arith.constant 13 : i32
      %broadcast_in_dim3A_202 = vector.broadcast %broadcast_in_dim3A_201 : i32 to vector<16xi32>
      %gather3A_203 = tpu.vector_load_idx %arg13[%iota3A, %broadcast_in_dim3A_202] : memref<16x16xf32, #tpu.memory_space<vmem>>[vector<16xi32>, vector<16xi32>], vector<16xf32>,
      %add3A_204 = arith.addf %add3A_200, %gather3A_203 : vector<16xf32>
      %broadcast_in_dim3A_205 = arith.constant 14 : i32
      %broadcast_in_dim3A_206 = vector.broadcast %broadcast_in_dim3A_205 : i32 to vector<16xi32>
      %gather3A_207 = tpu.vector_load_idx %arg13[%iota3A, %broadcast_in_dim3A_206] : memref<16x16xf32, #tpu.memory_space<vmem>>[vector<16xi32>, vector<16xi32>], vector<16xf32>,
      %add3A_208 = arith.addf %add3A_204, %gather3A_207 : vector<16xf32>
      %broadcast_in_dim3A_209 = arith.constant 15 : i32
      %broadcast_in_dim3A_210 = vector.broadcast %broadcast_in_dim3A_209 : i32 to vector<16xi32>
      %gather3A_211 = tpu.vector_load_idx %arg13[%iota3A, %broadcast_in_dim3A_210] : memref<16x16xf32, #tpu.memory_space<vmem>>[vector<16xi32>, vector<16xi32>], vector<16xf32>,
      %add3A_212 = arith.addf %add3A_208, %gather3A_211 : vector<16xf32>
      %neg3A = arith.constant 0.000000e+00 : f32
      %neg3A_213 = vector.broadcast %neg3A : f32 to vector<16xf32>
      %neg3A_214 = arith.subf %neg3A_213, %add3A_212 : vector<16xf32>
      %exp3A = math.exp %neg3A_214 : vector<16xf32>
      %add3A_215 = arith.constant 1.000000e+00 : f32
      %add3A_216 = vector.broadcast %add3A_215 : f32 to vector<16xf32>
      %add3A_217 = arith.addf %add3A_216, %exp3A : vector<16xf32>
      %div3A = arith.constant 1.000000e+00 : f32
      %div3A_218 = vector.broadcast %div3A : f32 to vector<16xf32>
      %div3A_219 = arith.divf %div3A_218, %add3A_217 : vector<16xf32>
      %mul3A_220 = arith.constant 16 : i32
      %mul3A_221 = arith.muli %scan3A_142, %mul3A_220 : i32
      %multiple_of3A_222 = tpu.assume_multiple %mul3A_221, 16 : i32
      %swap3A = arith.index_cast %multiple_of3A_222 : i32 to index
      %swap3A_223 = tpu.vector_load %arg14[%swap3A] {strides = array<i32>} : memref<512xf32, #tpu.memory_space<vmem>>, vector<16xf32>,
      tpu.vector_store %arg14[%swap3A], %div3A_219 {strides = array<i32>} : memref<512xf32, #tpu.memory_space<vmem>>, vector<16xf32>,
    }
    %scan3A_141 = arith.constant 32 : i32
    "tpu.region"() ({
      %run_scoped3A = tpu.sem_alloc : memref<!tpu.dma_semaphore, #tpu.memory_space<semaphore_mem>>
      %dma_start3A_142 = tpu.memref_slice %arg7[%multiple_of3A] : memref<16384xf32, #tpu.memory_space<hbm>> -> memref<512xf32, #tpu.memory_space<hbm>>
      %dma_start3A_143 = tpu.memref_slice %arg7[%multiple_of3A] : memref<16384xf32, #tpu.memory_space<hbm>> -> memref<512xf32, #tpu.memory_space<hbm>>
      tpu.enqueue_dma source(%arg14 : memref<512xf32, #tpu.memory_space<vmem>>) target(%dma_start3A_143 : memref<512xf32, #tpu.memory_space<hbm>>) target_semaphore(%run_scoped3A : memref<!tpu.dma_semaphore, #tpu.memory_space<semaphore_mem>>)
      %dma_wait3A_144 = tpu.memref_slice %arg7[%multiple_of3A] : memref<16384xf32, #tpu.memory_space<hbm>> -> memref<512xf32, #tpu.memory_space<hbm>>
      %dma_wait3A_145 = tpu.memref_slice %arg7[%multiple_of3A] : memref<16384xf32, #tpu.memory_space<hbm>> -> memref<512xf32, #tpu.memory_space<hbm>>
      tpu.wait_dma2 semaphore(%run_scoped3A : memref<!tpu.dma_semaphore, #tpu.memory_space<semaphore_mem>>) src(%arg14 : memref<512xf32, #tpu.memory_space<vmem>>) dst(%dma_wait3A_145 : memref<512xf32, #tpu.memory_space<hbm>>)
      tpu.yield
    }) : () -> ()
    return
  }
}

#map = affine_map<(d0, d1) -> (0, 0)>
#map1 = affine_map<(d0, d1) -> (0)>
module attributes {stable_mosaic.version = 14 : i64} {
  func.func @_k(%arg0: i32, %arg1: i32, %arg2: memref<1000000x32xf32, #tpu.memory_space<hbm>>, %arg3: memref<819200xi32, #tpu.memory_space<hbm>>, %arg4: memref<16384x32xf32, #tpu.memory_space<hbm>>, %arg5: memref<800xi32, #tpu.memory_space<vmem>>, %arg6: memref<800xi32, #tpu.memory_space<vmem>>, %arg7: memref<800x32xf32, #tpu.memory_space<vmem>>, %arg8: memref<800x32xf32, #tpu.memory_space<vmem>>, %arg9: memref<512x32xf32, #tpu.memory_space<vmem>>, %arg10: memref<!tpu.dma_semaphore, #tpu.memory_space<semaphore_mem>>, %arg11: memref<!tpu.dma_semaphore, #tpu.memory_space<semaphore_mem>>) attributes {dimension_semantics = [#tpu.dimension_semantics<core_parallel>, #tpu.dimension_semantics<subcore_parallel>], iteration_bounds = array<i64: 2, 16>, scalar_prefetch = 0 : i64, scratch_operands = 7 : i64, tpu.core_type = #tpu.core_type<sc_vector_subcore>, window_params = [{transform_indices = #map}, {transform_indices = #map1}, {transform_indices = #map}]} {
    %mul3A = arith.constant 2 : i32
    %mul3A_0 = arith.muli %arg1, %mul3A : i32
    %add3A = arith.addi %mul3A_0, %arg0 : i32
    %mul3A_1 = arith.constant 512 : i32
    %mul3A_2 = arith.muli %add3A, %mul3A_1 : i32
    %multiple_of3A = tpu.assume_multiple %mul3A_2, 512 : i32
    %add3A_3 = arith.constant 0 : i32
    %add3A_4 = arith.addi %multiple_of3A, %add3A_3 : i32
    %mul3A_5 = arith.constant 50 : i32
    %mul3A_6 = arith.muli %add3A_4, %mul3A_5 : i32
    %multiple_of3A_7 = tpu.assume_multiple %mul3A_6, 800 : i32
    "tpu.region"() ({
      %run_scoped3A = tpu.sem_alloc : memref<!tpu.dma_semaphore, #tpu.memory_space<semaphore_mem>>
      %dma_start3A_92 = tpu.memref_slice %arg3[%multiple_of3A_7] : memref<819200xi32, #tpu.memory_space<hbm>> -> memref<800xi32, #tpu.memory_space<hbm>>
      %dma_start3A_93 = tpu.memref_slice %arg3[%multiple_of3A_7] : memref<819200xi32, #tpu.memory_space<hbm>> -> memref<800xi32, #tpu.memory_space<hbm>>
      tpu.enqueue_dma source(%dma_start3A_93 : memref<800xi32, #tpu.memory_space<hbm>>) target(%arg5 : memref<800xi32, #tpu.memory_space<vmem>>) target_semaphore(%run_scoped3A : memref<!tpu.dma_semaphore, #tpu.memory_space<semaphore_mem>>)
      %dma_wait3A = tpu.memref_slice %arg3[%multiple_of3A_7] : memref<819200xi32, #tpu.memory_space<hbm>> -> memref<800xi32, #tpu.memory_space<hbm>>
      %dma_wait3A_94 = tpu.memref_slice %arg3[%multiple_of3A_7] : memref<819200xi32, #tpu.memory_space<hbm>> -> memref<800xi32, #tpu.memory_space<hbm>>
      tpu.wait_dma2 semaphore(%run_scoped3A : memref<!tpu.dma_semaphore, #tpu.memory_space<semaphore_mem>>) src(%dma_wait3A_94 : memref<800xi32, #tpu.memory_space<hbm>>) dst(%arg5 : memref<800xi32, #tpu.memory_space<vmem>>)
      tpu.yield
    }) : () -> ()
    %dma_start3A = arith.constant 0 : i32
    %dma_start3A_8 = arith.constant 0 : i32
    %dma_start3A_9 = tpu.memref_slice %arg7[%dma_start3A, %dma_start3A_8] : memref<800x32xf32, #tpu.memory_space<vmem>> -> memref<80x32xf32, #tpu.memory_space<vmem>>
    %dma_start3A_10 = arith.constant 0 : i32
    %dma_start3A_11 = tpu.memref_slice %arg5[%dma_start3A_10] : memref<800xi32, #tpu.memory_space<vmem>> -> memref<80xi32, #tpu.memory_space<vmem>>
    %dma_start3A_12 = arith.constant 0 : i32
    %dma_start3A_13 = arith.constant 0 : i32
    %dma_start3A_14 = tpu.memref_slice %arg2[%dma_start3A_12, %dma_start3A_13] : memref<1000000x32xf32, #tpu.memory_space<hbm>> -> memref<1000000x32xf32, #tpu.memory_space<hbm>>
    tpu.enqueue_indirect_dma source(%dma_start3A_14 : memref<1000000x32xf32, #tpu.memory_space<hbm>>) target(%dma_start3A_9 : memref<80x32xf32, #tpu.memory_space<vmem>>) offsets(%dma_start3A_11 : memref<80xi32, #tpu.memory_space<vmem>>) semaphore(%arg10 : memref<!tpu.dma_semaphore, #tpu.memory_space<semaphore_mem>>)
    %dma_start3A_15 = arith.constant 80 : i32
    %dma_start3A_16 = arith.constant 0 : i32
    %dma_start3A_17 = tpu.memref_slice %arg7[%dma_start3A_15, %dma_start3A_16] : memref<800x32xf32, #tpu.memory_space<vmem>> -> memref<80x32xf32, #tpu.memory_space<vmem>>
    %dma_start3A_18 = arith.constant 80 : i32
    %dma_start3A_19 = tpu.memref_slice %arg5[%dma_start3A_18] : memref<800xi32, #tpu.memory_space<vmem>> -> memref<80xi32, #tpu.memory_space<vmem>>
    %dma_start3A_20 = arith.constant 0 : i32
    %dma_start3A_21 = arith.constant 0 : i32
    %dma_start3A_22 = tpu.memref_slice %arg2[%dma_start3A_20, %dma_start3A_21] : memref<1000000x32xf32, #tpu.memory_space<hbm>> -> memref<1000000x32xf32, #tpu.memory_space<hbm>>
    tpu.enqueue_indirect_dma source(%dma_start3A_22 : memref<1000000x32xf32, #tpu.memory_space<hbm>>) target(%dma_start3A_17 : memref<80x32xf32, #tpu.memory_space<vmem>>) offsets(%dma_start3A_19 : memref<80xi32, #tpu.memory_space<vmem>>) semaphore(%arg10 : memref<!tpu.dma_semaphore, #tpu.memory_space<semaphore_mem>>)
    %dma_start3A_23 = arith.constant 160 : i32
    %dma_start3A_24 = arith.constant 0 : i32
    %dma_start3A_25 = tpu.memref_slice %arg7[%dma_start3A_23, %dma_start3A_24] : memref<800x32xf32, #tpu.memory_space<vmem>> -> memref<80x32xf32, #tpu.memory_space<vmem>>
    %dma_start3A_26 = arith.constant 160 : i32
    %dma_start3A_27 = tpu.memref_slice %arg5[%dma_start3A_26] : memref<800xi32, #tpu.memory_space<vmem>> -> memref<80xi32, #tpu.memory_space<vmem>>
    %dma_start3A_28 = arith.constant 0 : i32
    %dma_start3A_29 = arith.constant 0 : i32
    %dma_start3A_30 = tpu.memref_slice %arg2[%dma_start3A_28, %dma_start3A_29] : memref<1000000x32xf32, #tpu.memory_space<hbm>> -> memref<1000000x32xf32, #tpu.memory_space<hbm>>
    tpu.enqueue_indirect_dma source(%dma_start3A_30 : memref<1000000x32xf32, #tpu.memory_space<hbm>>) target(%dma_start3A_25 : memref<80x32xf32, #tpu.memory_space<vmem>>) offsets(%dma_start3A_27 : memref<80xi32, #tpu.memory_space<vmem>>) semaphore(%arg10 : memref<!tpu.dma_semaphore, #tpu.memory_space<semaphore_mem>>)
    %dma_start3A_31 = arith.constant 240 : i32
    %dma_start3A_32 = arith.constant 0 : i32
    %dma_start3A_33 = tpu.memref_slice %arg7[%dma_start3A_31, %dma_start3A_32] : memref<800x32xf32, #tpu.memory_space<vmem>> -> memref<80x32xf32, #tpu.memory_space<vmem>>
    %dma_start3A_34 = arith.constant 240 : i32
    %dma_start3A_35 = tpu.memref_slice %arg5[%dma_start3A_34] : memref<800xi32, #tpu.memory_space<vmem>> -> memref<80xi32, #tpu.memory_space<vmem>>
    %dma_start3A_36 = arith.constant 0 : i32
    %dma_start3A_37 = arith.constant 0 : i32
    %dma_start3A_38 = tpu.memref_slice %arg2[%dma_start3A_36, %dma_start3A_37] : memref<1000000x32xf32, #tpu.memory_space<hbm>> -> memref<1000000x32xf32, #tpu.memory_space<hbm>>
    tpu.enqueue_indirect_dma source(%dma_start3A_38 : memref<1000000x32xf32, #tpu.memory_space<hbm>>) target(%dma_start3A_33 : memref<80x32xf32, #tpu.memory_space<vmem>>) offsets(%dma_start3A_35 : memref<80xi32, #tpu.memory_space<vmem>>) semaphore(%arg10 : memref<!tpu.dma_semaphore, #tpu.memory_space<semaphore_mem>>)
    %dma_start3A_39 = arith.constant 320 : i32
    %dma_start3A_40 = arith.constant 0 : i32
    %dma_start3A_41 = tpu.memref_slice %arg7[%dma_start3A_39, %dma_start3A_40] : memref<800x32xf32, #tpu.memory_space<vmem>> -> memref<80x32xf32, #tpu.memory_space<vmem>>
    %dma_start3A_42 = arith.constant 320 : i32
    %dma_start3A_43 = tpu.memref_slice %arg5[%dma_start3A_42] : memref<800xi32, #tpu.memory_space<vmem>> -> memref<80xi32, #tpu.memory_space<vmem>>
    %dma_start3A_44 = arith.constant 0 : i32
    %dma_start3A_45 = arith.constant 0 : i32
    %dma_start3A_46 = tpu.memref_slice %arg2[%dma_start3A_44, %dma_start3A_45] : memref<1000000x32xf32, #tpu.memory_space<hbm>> -> memref<1000000x32xf32, #tpu.memory_space<hbm>>
    tpu.enqueue_indirect_dma source(%dma_start3A_46 : memref<1000000x32xf32, #tpu.memory_space<hbm>>) target(%dma_start3A_41 : memref<80x32xf32, #tpu.memory_space<vmem>>) offsets(%dma_start3A_43 : memref<80xi32, #tpu.memory_space<vmem>>) semaphore(%arg10 : memref<!tpu.dma_semaphore, #tpu.memory_space<semaphore_mem>>)
    %dma_start3A_47 = arith.constant 400 : i32
    %dma_start3A_48 = arith.constant 0 : i32
    %dma_start3A_49 = tpu.memref_slice %arg7[%dma_start3A_47, %dma_start3A_48] : memref<800x32xf32, #tpu.memory_space<vmem>> -> memref<80x32xf32, #tpu.memory_space<vmem>>
    %dma_start3A_50 = arith.constant 400 : i32
    %dma_start3A_51 = tpu.memref_slice %arg5[%dma_start3A_50] : memref<800xi32, #tpu.memory_space<vmem>> -> memref<80xi32, #tpu.memory_space<vmem>>
    %dma_start3A_52 = arith.constant 0 : i32
    %dma_start3A_53 = arith.constant 0 : i32
    %dma_start3A_54 = tpu.memref_slice %arg2[%dma_start3A_52, %dma_start3A_53] : memref<1000000x32xf32, #tpu.memory_space<hbm>> -> memref<1000000x32xf32, #tpu.memory_space<hbm>>
    tpu.enqueue_indirect_dma source(%dma_start3A_54 : memref<1000000x32xf32, #tpu.memory_space<hbm>>) target(%dma_start3A_49 : memref<80x32xf32, #tpu.memory_space<vmem>>) offsets(%dma_start3A_51 : memref<80xi32, #tpu.memory_space<vmem>>) semaphore(%arg10 : memref<!tpu.dma_semaphore, #tpu.memory_space<semaphore_mem>>)
    %dma_start3A_55 = arith.constant 480 : i32
    %dma_start3A_56 = arith.constant 0 : i32
    %dma_start3A_57 = tpu.memref_slice %arg7[%dma_start3A_55, %dma_start3A_56] : memref<800x32xf32, #tpu.memory_space<vmem>> -> memref<80x32xf32, #tpu.memory_space<vmem>>
    %dma_start3A_58 = arith.constant 480 : i32
    %dma_start3A_59 = tpu.memref_slice %arg5[%dma_start3A_58] : memref<800xi32, #tpu.memory_space<vmem>> -> memref<80xi32, #tpu.memory_space<vmem>>
    %dma_start3A_60 = arith.constant 0 : i32
    %dma_start3A_61 = arith.constant 0 : i32
    %dma_start3A_62 = tpu.memref_slice %arg2[%dma_start3A_60, %dma_start3A_61] : memref<1000000x32xf32, #tpu.memory_space<hbm>> -> memref<1000000x32xf32, #tpu.memory_space<hbm>>
    tpu.enqueue_indirect_dma source(%dma_start3A_62 : memref<1000000x32xf32, #tpu.memory_space<hbm>>) target(%dma_start3A_57 : memref<80x32xf32, #tpu.memory_space<vmem>>) offsets(%dma_start3A_59 : memref<80xi32, #tpu.memory_space<vmem>>) semaphore(%arg10 : memref<!tpu.dma_semaphore, #tpu.memory_space<semaphore_mem>>)
    %dma_start3A_63 = arith.constant 560 : i32
    %dma_start3A_64 = arith.constant 0 : i32
    %dma_start3A_65 = tpu.memref_slice %arg7[%dma_start3A_63, %dma_start3A_64] : memref<800x32xf32, #tpu.memory_space<vmem>> -> memref<80x32xf32, #tpu.memory_space<vmem>>
    %dma_start3A_66 = arith.constant 560 : i32
    %dma_start3A_67 = tpu.memref_slice %arg5[%dma_start3A_66] : memref<800xi32, #tpu.memory_space<vmem>> -> memref<80xi32, #tpu.memory_space<vmem>>
    %dma_start3A_68 = arith.constant 0 : i32
    %dma_start3A_69 = arith.constant 0 : i32
    %dma_start3A_70 = tpu.memref_slice %arg2[%dma_start3A_68, %dma_start3A_69] : memref<1000000x32xf32, #tpu.memory_space<hbm>> -> memref<1000000x32xf32, #tpu.memory_space<hbm>>
    tpu.enqueue_indirect_dma source(%dma_start3A_70 : memref<1000000x32xf32, #tpu.memory_space<hbm>>) target(%dma_start3A_65 : memref<80x32xf32, #tpu.memory_space<vmem>>) offsets(%dma_start3A_67 : memref<80xi32, #tpu.memory_space<vmem>>) semaphore(%arg10 : memref<!tpu.dma_semaphore, #tpu.memory_space<semaphore_mem>>)
    %dma_start3A_71 = arith.constant 640 : i32
    %dma_start3A_72 = arith.constant 0 : i32
    %dma_start3A_73 = tpu.memref_slice %arg7[%dma_start3A_71, %dma_start3A_72] : memref<800x32xf32, #tpu.memory_space<vmem>> -> memref<80x32xf32, #tpu.memory_space<vmem>>
    %dma_start3A_74 = arith.constant 640 : i32
    %dma_start3A_75 = tpu.memref_slice %arg5[%dma_start3A_74] : memref<800xi32, #tpu.memory_space<vmem>> -> memref<80xi32, #tpu.memory_space<vmem>>
    %dma_start3A_76 = arith.constant 0 : i32
    %dma_start3A_77 = arith.constant 0 : i32
    %dma_start3A_78 = tpu.memref_slice %arg2[%dma_start3A_76, %dma_start3A_77] : memref<1000000x32xf32, #tpu.memory_space<hbm>> -> memref<1000000x32xf32, #tpu.memory_space<hbm>>
    tpu.enqueue_indirect_dma source(%dma_start3A_78 : memref<1000000x32xf32, #tpu.memory_space<hbm>>) target(%dma_start3A_73 : memref<80x32xf32, #tpu.memory_space<vmem>>) offsets(%dma_start3A_75 : memref<80xi32, #tpu.memory_space<vmem>>) semaphore(%arg10 : memref<!tpu.dma_semaphore, #tpu.memory_space<semaphore_mem>>)
    %dma_start3A_79 = arith.constant 720 : i32
    %dma_start3A_80 = arith.constant 0 : i32
    %dma_start3A_81 = tpu.memref_slice %arg7[%dma_start3A_79, %dma_start3A_80] : memref<800x32xf32, #tpu.memory_space<vmem>> -> memref<80x32xf32, #tpu.memory_space<vmem>>
    %dma_start3A_82 = arith.constant 720 : i32
    %dma_start3A_83 = tpu.memref_slice %arg5[%dma_start3A_82] : memref<800xi32, #tpu.memory_space<vmem>> -> memref<80xi32, #tpu.memory_space<vmem>>
    %dma_start3A_84 = arith.constant 0 : i32
    %dma_start3A_85 = arith.constant 0 : i32
    %dma_start3A_86 = tpu.memref_slice %arg2[%dma_start3A_84, %dma_start3A_85] : memref<1000000x32xf32, #tpu.memory_space<hbm>> -> memref<1000000x32xf32, #tpu.memory_space<hbm>>
    tpu.enqueue_indirect_dma source(%dma_start3A_86 : memref<1000000x32xf32, #tpu.memory_space<hbm>>) target(%dma_start3A_81 : memref<80x32xf32, #tpu.memory_space<vmem>>) offsets(%dma_start3A_83 : memref<80xi32, #tpu.memory_space<vmem>>) semaphore(%arg10 : memref<!tpu.dma_semaphore, #tpu.memory_space<semaphore_mem>>)
    %scan3A = arith.constant 0 : i32
    %scan3A_87 = arith.constant 0 : i32
    %scan3A_88 = arith.constant 16 : i32
    %scan3A_89 = arith.addi %scan3A_87, %scan3A_88 : i32
    %scan3A_90 = arith.constant 1 : i32
    scf.for %scan3A_92 = %scan3A_87 to %scan3A_89 step %scan3A_90  : i32 {
      %mul3A_93 = arith.constant 2 : i32
      %mul3A_94 = arith.muli %scan3A_92, %mul3A_93 : i32
      %add3A_95 = arith.constant 1 : i32
      %add3A_96 = arith.addi %mul3A_94, %add3A_95 : i32
      %lt3A = arith.constant 32 : i32
      %lt3A_97 = arith.cmpi slt, %add3A_96, %lt3A : i32
      %convert_element_type3A = arith.extui %lt3A_97 : i1 to i32
      %cond3A = arith.constant 0 : i32
      %cond3A_98 = arith.cmpi ne, %convert_element_type3A, %cond3A : i32
      scf.if %cond3A_98 {
        %add3A_279 = arith.constant 1 : i32
        %add3A_280 = arith.addi %mul3A_94, %add3A_279 : i32
        %mul3A_281 = arith.constant 16 : i32
        %mul3A_282 = arith.muli %add3A_280, %mul3A_281 : i32
        %add3A_283 = arith.addi %multiple_of3A, %mul3A_282 : i32
        %mul3A_284 = arith.constant 50 : i32
        %mul3A_285 = arith.muli %add3A_283, %mul3A_284 : i32
        %multiple_of3A_286 = tpu.assume_multiple %mul3A_285, 800 : i32
        "tpu.region"() ({
          %run_scoped3A = tpu.sem_alloc : memref<!tpu.dma_semaphore, #tpu.memory_space<semaphore_mem>>
          %dma_start3A_367 = tpu.memref_slice %arg3[%multiple_of3A_286] : memref<819200xi32, #tpu.memory_space<hbm>> -> memref<800xi32, #tpu.memory_space<hbm>>
          %dma_start3A_368 = tpu.memref_slice %arg3[%multiple_of3A_286] : memref<819200xi32, #tpu.memory_space<hbm>> -> memref<800xi32, #tpu.memory_space<hbm>>
          tpu.enqueue_dma source(%dma_start3A_368 : memref<800xi32, #tpu.memory_space<hbm>>) target(%arg6 : memref<800xi32, #tpu.memory_space<vmem>>) target_semaphore(%run_scoped3A : memref<!tpu.dma_semaphore, #tpu.memory_space<semaphore_mem>>)
          %dma_wait3A_369 = tpu.memref_slice %arg3[%multiple_of3A_286] : memref<819200xi32, #tpu.memory_space<hbm>> -> memref<800xi32, #tpu.memory_space<hbm>>
          %dma_wait3A_370 = tpu.memref_slice %arg3[%multiple_of3A_286] : memref<819200xi32, #tpu.memory_space<hbm>> -> memref<800xi32, #tpu.memory_space<hbm>>
          tpu.wait_dma2 semaphore(%run_scoped3A : memref<!tpu.dma_semaphore, #tpu.memory_space<semaphore_mem>>) src(%dma_wait3A_370 : memref<800xi32, #tpu.memory_space<hbm>>) dst(%arg6 : memref<800xi32, #tpu.memory_space<vmem>>)
          tpu.yield
        }) : () -> ()
        %dma_start3A_287 = arith.constant 0 : i32
        %dma_start3A_288 = arith.constant 0 : i32
        %dma_start3A_289 = tpu.memref_slice %arg8[%dma_start3A_287, %dma_start3A_288] : memref<800x32xf32, #tpu.memory_space<vmem>> -> memref<80x32xf32, #tpu.memory_space<vmem>>
        %dma_start3A_290 = arith.constant 0 : i32
        %dma_start3A_291 = tpu.memref_slice %arg6[%dma_start3A_290] : memref<800xi32, #tpu.memory_space<vmem>> -> memref<80xi32, #tpu.memory_space<vmem>>
        %dma_start3A_292 = arith.constant 0 : i32
        %dma_start3A_293 = arith.constant 0 : i32
        %dma_start3A_294 = tpu.memref_slice %arg2[%dma_start3A_292, %dma_start3A_293] : memref<1000000x32xf32, #tpu.memory_space<hbm>> -> memref<1000000x32xf32, #tpu.memory_space<hbm>>
        tpu.enqueue_indirect_dma source(%dma_start3A_294 : memref<1000000x32xf32, #tpu.memory_space<hbm>>) target(%dma_start3A_289 : memref<80x32xf32, #tpu.memory_space<vmem>>) offsets(%dma_start3A_291 : memref<80xi32, #tpu.memory_space<vmem>>) semaphore(%arg11 : memref<!tpu.dma_semaphore, #tpu.memory_space<semaphore_mem>>)
        %dma_start3A_295 = arith.constant 80 : i32
        %dma_start3A_296 = arith.constant 0 : i32
        %dma_start3A_297 = tpu.memref_slice %arg8[%dma_start3A_295, %dma_start3A_296] : memref<800x32xf32, #tpu.memory_space<vmem>> -> memref<80x32xf32, #tpu.memory_space<vmem>>
        %dma_start3A_298 = arith.constant 80 : i32
        %dma_start3A_299 = tpu.memref_slice %arg6[%dma_start3A_298] : memref<800xi32, #tpu.memory_space<vmem>> -> memref<80xi32, #tpu.memory_space<vmem>>
        %dma_start3A_300 = arith.constant 0 : i32
        %dma_start3A_301 = arith.constant 0 : i32
        %dma_start3A_302 = tpu.memref_slice %arg2[%dma_start3A_300, %dma_start3A_301] : memref<1000000x32xf32, #tpu.memory_space<hbm>> -> memref<1000000x32xf32, #tpu.memory_space<hbm>>
        tpu.enqueue_indirect_dma source(%dma_start3A_302 : memref<1000000x32xf32, #tpu.memory_space<hbm>>) target(%dma_start3A_297 : memref<80x32xf32, #tpu.memory_space<vmem>>) offsets(%dma_start3A_299 : memref<80xi32, #tpu.memory_space<vmem>>) semaphore(%arg11 : memref<!tpu.dma_semaphore, #tpu.memory_space<semaphore_mem>>)
        %dma_start3A_303 = arith.constant 160 : i32
        %dma_start3A_304 = arith.constant 0 : i32
        %dma_start3A_305 = tpu.memref_slice %arg8[%dma_start3A_303, %dma_start3A_304] : memref<800x32xf32, #tpu.memory_space<vmem>> -> memref<80x32xf32, #tpu.memory_space<vmem>>
        %dma_start3A_306 = arith.constant 160 : i32
        %dma_start3A_307 = tpu.memref_slice %arg6[%dma_start3A_306] : memref<800xi32, #tpu.memory_space<vmem>> -> memref<80xi32, #tpu.memory_space<vmem>>
        %dma_start3A_308 = arith.constant 0 : i32
        %dma_start3A_309 = arith.constant 0 : i32
        %dma_start3A_310 = tpu.memref_slice %arg2[%dma_start3A_308, %dma_start3A_309] : memref<1000000x32xf32, #tpu.memory_space<hbm>> -> memref<1000000x32xf32, #tpu.memory_space<hbm>>
        tpu.enqueue_indirect_dma source(%dma_start3A_310 : memref<1000000x32xf32, #tpu.memory_space<hbm>>) target(%dma_start3A_305 : memref<80x32xf32, #tpu.memory_space<vmem>>) offsets(%dma_start3A_307 : memref<80xi32, #tpu.memory_space<vmem>>) semaphore(%arg11 : memref<!tpu.dma_semaphore, #tpu.memory_space<semaphore_mem>>)
        %dma_start3A_311 = arith.constant 240 : i32
        %dma_start3A_312 = arith.constant 0 : i32
        %dma_start3A_313 = tpu.memref_slice %arg8[%dma_start3A_311, %dma_start3A_312] : memref<800x32xf32, #tpu.memory_space<vmem>> -> memref<80x32xf32, #tpu.memory_space<vmem>>
        %dma_start3A_314 = arith.constant 240 : i32
        %dma_start3A_315 = tpu.memref_slice %arg6[%dma_start3A_314] : memref<800xi32, #tpu.memory_space<vmem>> -> memref<80xi32, #tpu.memory_space<vmem>>
        %dma_start3A_316 = arith.constant 0 : i32
        %dma_start3A_317 = arith.constant 0 : i32
        %dma_start3A_318 = tpu.memref_slice %arg2[%dma_start3A_316, %dma_start3A_317] : memref<1000000x32xf32, #tpu.memory_space<hbm>> -> memref<1000000x32xf32, #tpu.memory_space<hbm>>
        tpu.enqueue_indirect_dma source(%dma_start3A_318 : memref<1000000x32xf32, #tpu.memory_space<hbm>>) target(%dma_start3A_313 : memref<80x32xf32, #tpu.memory_space<vmem>>) offsets(%dma_start3A_315 : memref<80xi32, #tpu.memory_space<vmem>>) semaphore(%arg11 : memref<!tpu.dma_semaphore, #tpu.memory_space<semaphore_mem>>)
        %dma_start3A_319 = arith.constant 320 : i32
        %dma_start3A_320 = arith.constant 0 : i32
        %dma_start3A_321 = tpu.memref_slice %arg8[%dma_start3A_319, %dma_start3A_320] : memref<800x32xf32, #tpu.memory_space<vmem>> -> memref<80x32xf32, #tpu.memory_space<vmem>>
        %dma_start3A_322 = arith.constant 320 : i32
        %dma_start3A_323 = tpu.memref_slice %arg6[%dma_start3A_322] : memref<800xi32, #tpu.memory_space<vmem>> -> memref<80xi32, #tpu.memory_space<vmem>>
        %dma_start3A_324 = arith.constant 0 : i32
        %dma_start3A_325 = arith.constant 0 : i32
        %dma_start3A_326 = tpu.memref_slice %arg2[%dma_start3A_324, %dma_start3A_325] : memref<1000000x32xf32, #tpu.memory_space<hbm>> -> memref<1000000x32xf32, #tpu.memory_space<hbm>>
        tpu.enqueue_indirect_dma source(%dma_start3A_326 : memref<1000000x32xf32, #tpu.memory_space<hbm>>) target(%dma_start3A_321 : memref<80x32xf32, #tpu.memory_space<vmem>>) offsets(%dma_start3A_323 : memref<80xi32, #tpu.memory_space<vmem>>) semaphore(%arg11 : memref<!tpu.dma_semaphore, #tpu.memory_space<semaphore_mem>>)
        %dma_start3A_327 = arith.constant 400 : i32
        %dma_start3A_328 = arith.constant 0 : i32
        %dma_start3A_329 = tpu.memref_slice %arg8[%dma_start3A_327, %dma_start3A_328] : memref<800x32xf32, #tpu.memory_space<vmem>> -> memref<80x32xf32, #tpu.memory_space<vmem>>
        %dma_start3A_330 = arith.constant 400 : i32
        %dma_start3A_331 = tpu.memref_slice %arg6[%dma_start3A_330] : memref<800xi32, #tpu.memory_space<vmem>> -> memref<80xi32, #tpu.memory_space<vmem>>
        %dma_start3A_332 = arith.constant 0 : i32
        %dma_start3A_333 = arith.constant 0 : i32
        %dma_start3A_334 = tpu.memref_slice %arg2[%dma_start3A_332, %dma_start3A_333] : memref<1000000x32xf32, #tpu.memory_space<hbm>> -> memref<1000000x32xf32, #tpu.memory_space<hbm>>
        tpu.enqueue_indirect_dma source(%dma_start3A_334 : memref<1000000x32xf32, #tpu.memory_space<hbm>>) target(%dma_start3A_329 : memref<80x32xf32, #tpu.memory_space<vmem>>) offsets(%dma_start3A_331 : memref<80xi32, #tpu.memory_space<vmem>>) semaphore(%arg11 : memref<!tpu.dma_semaphore, #tpu.memory_space<semaphore_mem>>)
        %dma_start3A_335 = arith.constant 480 : i32
        %dma_start3A_336 = arith.constant 0 : i32
        %dma_start3A_337 = tpu.memref_slice %arg8[%dma_start3A_335, %dma_start3A_336] : memref<800x32xf32, #tpu.memory_space<vmem>> -> memref<80x32xf32, #tpu.memory_space<vmem>>
        %dma_start3A_338 = arith.constant 480 : i32
        %dma_start3A_339 = tpu.memref_slice %arg6[%dma_start3A_338] : memref<800xi32, #tpu.memory_space<vmem>> -> memref<80xi32, #tpu.memory_space<vmem>>
        %dma_start3A_340 = arith.constant 0 : i32
        %dma_start3A_341 = arith.constant 0 : i32
        %dma_start3A_342 = tpu.memref_slice %arg2[%dma_start3A_340, %dma_start3A_341] : memref<1000000x32xf32, #tpu.memory_space<hbm>> -> memref<1000000x32xf32, #tpu.memory_space<hbm>>
        tpu.enqueue_indirect_dma source(%dma_start3A_342 : memref<1000000x32xf32, #tpu.memory_space<hbm>>) target(%dma_start3A_337 : memref<80x32xf32, #tpu.memory_space<vmem>>) offsets(%dma_start3A_339 : memref<80xi32, #tpu.memory_space<vmem>>) semaphore(%arg11 : memref<!tpu.dma_semaphore, #tpu.memory_space<semaphore_mem>>)
        %dma_start3A_343 = arith.constant 560 : i32
        %dma_start3A_344 = arith.constant 0 : i32
        %dma_start3A_345 = tpu.memref_slice %arg8[%dma_start3A_343, %dma_start3A_344] : memref<800x32xf32, #tpu.memory_space<vmem>> -> memref<80x32xf32, #tpu.memory_space<vmem>>
        %dma_start3A_346 = arith.constant 560 : i32
        %dma_start3A_347 = tpu.memref_slice %arg6[%dma_start3A_346] : memref<800xi32, #tpu.memory_space<vmem>> -> memref<80xi32, #tpu.memory_space<vmem>>
        %dma_start3A_348 = arith.constant 0 : i32
        %dma_start3A_349 = arith.constant 0 : i32
        %dma_start3A_350 = tpu.memref_slice %arg2[%dma_start3A_348, %dma_start3A_349] : memref<1000000x32xf32, #tpu.memory_space<hbm>> -> memref<1000000x32xf32, #tpu.memory_space<hbm>>
        tpu.enqueue_indirect_dma source(%dma_start3A_350 : memref<1000000x32xf32, #tpu.memory_space<hbm>>) target(%dma_start3A_345 : memref<80x32xf32, #tpu.memory_space<vmem>>) offsets(%dma_start3A_347 : memref<80xi32, #tpu.memory_space<vmem>>) semaphore(%arg11 : memref<!tpu.dma_semaphore, #tpu.memory_space<semaphore_mem>>)
        %dma_start3A_351 = arith.constant 640 : i32
        %dma_start3A_352 = arith.constant 0 : i32
        %dma_start3A_353 = tpu.memref_slice %arg8[%dma_start3A_351, %dma_start3A_352] : memref<800x32xf32, #tpu.memory_space<vmem>> -> memref<80x32xf32, #tpu.memory_space<vmem>>
        %dma_start3A_354 = arith.constant 640 : i32
        %dma_start3A_355 = tpu.memref_slice %arg6[%dma_start3A_354] : memref<800xi32, #tpu.memory_space<vmem>> -> memref<80xi32, #tpu.memory_space<vmem>>
        %dma_start3A_356 = arith.constant 0 : i32
        %dma_start3A_357 = arith.constant 0 : i32
        %dma_start3A_358 = tpu.memref_slice %arg2[%dma_start3A_356, %dma_start3A_357] : memref<1000000x32xf32, #tpu.memory_space<hbm>> -> memref<1000000x32xf32, #tpu.memory_space<hbm>>
        tpu.enqueue_indirect_dma source(%dma_start3A_358 : memref<1000000x32xf32, #tpu.memory_space<hbm>>) target(%dma_start3A_353 : memref<80x32xf32, #tpu.memory_space<vmem>>) offsets(%dma_start3A_355 : memref<80xi32, #tpu.memory_space<vmem>>) semaphore(%arg11 : memref<!tpu.dma_semaphore, #tpu.memory_space<semaphore_mem>>)
        %dma_start3A_359 = arith.constant 720 : i32
        %dma_start3A_360 = arith.constant 0 : i32
        %dma_start3A_361 = tpu.memref_slice %arg8[%dma_start3A_359, %dma_start3A_360] : memref<800x32xf32, #tpu.memory_space<vmem>> -> memref<80x32xf32, #tpu.memory_space<vmem>>
        %dma_start3A_362 = arith.constant 720 : i32
        %dma_start3A_363 = tpu.memref_slice %arg6[%dma_start3A_362] : memref<800xi32, #tpu.memory_space<vmem>> -> memref<80xi32, #tpu.memory_space<vmem>>
        %dma_start3A_364 = arith.constant 0 : i32
        %dma_start3A_365 = arith.constant 0 : i32
        %dma_start3A_366 = tpu.memref_slice %arg2[%dma_start3A_364, %dma_start3A_365] : memref<1000000x32xf32, #tpu.memory_space<hbm>> -> memref<1000000x32xf32, #tpu.memory_space<hbm>>
        tpu.enqueue_indirect_dma source(%dma_start3A_366 : memref<1000000x32xf32, #tpu.memory_space<hbm>>) target(%dma_start3A_361 : memref<80x32xf32, #tpu.memory_space<vmem>>) offsets(%dma_start3A_363 : memref<80xi32, #tpu.memory_space<vmem>>) semaphore(%arg11 : memref<!tpu.dma_semaphore, #tpu.memory_space<semaphore_mem>>)
      } else {
      }
      %dma_wait3A = arith.constant 0 : i32
      %dma_wait3A_99 = arith.constant 0 : i32
      %dma_wait3A_100 = tpu.memref_slice %arg7[%dma_wait3A, %dma_wait3A_99] : memref<800x32xf32, #tpu.memory_space<vmem>> -> memref<80x32xf32, #tpu.memory_space<vmem>>
      %dma_wait3A_101 = arith.constant 0 : i32
      %dma_wait3A_102 = tpu.memref_slice %arg5[%dma_wait3A_101] : memref<800xi32, #tpu.memory_space<vmem>> -> memref<80xi32, #tpu.memory_space<vmem>>
      %dma_wait3A_103 = arith.constant 0 : i32
      %dma_wait3A_104 = arith.constant 0 : i32
      %dma_wait3A_105 = tpu.memref_slice %arg2[%dma_wait3A_103, %dma_wait3A_104] : memref<1000000x32xf32, #tpu.memory_space<hbm>> -> memref<1000000x32xf32, #tpu.memory_space<hbm>>
      tpu.wait_indirect_dma semaphore(%arg10 : memref<!tpu.dma_semaphore, #tpu.memory_space<semaphore_mem>>) src(%dma_wait3A_105 : memref<1000000x32xf32, #tpu.memory_space<hbm>>) dst(%dma_wait3A_100 : memref<80x32xf32, #tpu.memory_space<vmem>>)
      %dma_wait3A_106 = arith.constant 80 : i32
      %dma_wait3A_107 = arith.constant 0 : i32
      %dma_wait3A_108 = tpu.memref_slice %arg7[%dma_wait3A_106, %dma_wait3A_107] : memref<800x32xf32, #tpu.memory_space<vmem>> -> memref<80x32xf32, #tpu.memory_space<vmem>>
      %dma_wait3A_109 = arith.constant 80 : i32
      %dma_wait3A_110 = tpu.memref_slice %arg5[%dma_wait3A_109] : memref<800xi32, #tpu.memory_space<vmem>> -> memref<80xi32, #tpu.memory_space<vmem>>
      %dma_wait3A_111 = arith.constant 0 : i32
      %dma_wait3A_112 = arith.constant 0 : i32
      %dma_wait3A_113 = tpu.memref_slice %arg2[%dma_wait3A_111, %dma_wait3A_112] : memref<1000000x32xf32, #tpu.memory_space<hbm>> -> memref<1000000x32xf32, #tpu.memory_space<hbm>>
      tpu.wait_indirect_dma semaphore(%arg10 : memref<!tpu.dma_semaphore, #tpu.memory_space<semaphore_mem>>) src(%dma_wait3A_113 : memref<1000000x32xf32, #tpu.memory_space<hbm>>) dst(%dma_wait3A_108 : memref<80x32xf32, #tpu.memory_space<vmem>>)
      %dma_wait3A_114 = arith.constant 160 : i32
      %dma_wait3A_115 = arith.constant 0 : i32
      %dma_wait3A_116 = tpu.memref_slice %arg7[%dma_wait3A_114, %dma_wait3A_115] : memref<800x32xf32, #tpu.memory_space<vmem>> -> memref<80x32xf32, #tpu.memory_space<vmem>>
      %dma_wait3A_117 = arith.constant 160 : i32
      %dma_wait3A_118 = tpu.memref_slice %arg5[%dma_wait3A_117] : memref<800xi32, #tpu.memory_space<vmem>> -> memref<80xi32, #tpu.memory_space<vmem>>
      %dma_wait3A_119 = arith.constant 0 : i32
      %dma_wait3A_120 = arith.constant 0 : i32
      %dma_wait3A_121 = tpu.memref_slice %arg2[%dma_wait3A_119, %dma_wait3A_120] : memref<1000000x32xf32, #tpu.memory_space<hbm>> -> memref<1000000x32xf32, #tpu.memory_space<hbm>>
      tpu.wait_indirect_dma semaphore(%arg10 : memref<!tpu.dma_semaphore, #tpu.memory_space<semaphore_mem>>) src(%dma_wait3A_121 : memref<1000000x32xf32, #tpu.memory_space<hbm>>) dst(%dma_wait3A_116 : memref<80x32xf32, #tpu.memory_space<vmem>>)
      %dma_wait3A_122 = arith.constant 240 : i32
      %dma_wait3A_123 = arith.constant 0 : i32
      %dma_wait3A_124 = tpu.memref_slice %arg7[%dma_wait3A_122, %dma_wait3A_123] : memref<800x32xf32, #tpu.memory_space<vmem>> -> memref<80x32xf32, #tpu.memory_space<vmem>>
      %dma_wait3A_125 = arith.constant 240 : i32
      %dma_wait3A_126 = tpu.memref_slice %arg5[%dma_wait3A_125] : memref<800xi32, #tpu.memory_space<vmem>> -> memref<80xi32, #tpu.memory_space<vmem>>
      %dma_wait3A_127 = arith.constant 0 : i32
      %dma_wait3A_128 = arith.constant 0 : i32
      %dma_wait3A_129 = tpu.memref_slice %arg2[%dma_wait3A_127, %dma_wait3A_128] : memref<1000000x32xf32, #tpu.memory_space<hbm>> -> memref<1000000x32xf32, #tpu.memory_space<hbm>>
      tpu.wait_indirect_dma semaphore(%arg10 : memref<!tpu.dma_semaphore, #tpu.memory_space<semaphore_mem>>) src(%dma_wait3A_129 : memref<1000000x32xf32, #tpu.memory_space<hbm>>) dst(%dma_wait3A_124 : memref<80x32xf32, #tpu.memory_space<vmem>>)
      %dma_wait3A_130 = arith.constant 320 : i32
      %dma_wait3A_131 = arith.constant 0 : i32
      %dma_wait3A_132 = tpu.memref_slice %arg7[%dma_wait3A_130, %dma_wait3A_131] : memref<800x32xf32, #tpu.memory_space<vmem>> -> memref<80x32xf32, #tpu.memory_space<vmem>>
      %dma_wait3A_133 = arith.constant 320 : i32
      %dma_wait3A_134 = tpu.memref_slice %arg5[%dma_wait3A_133] : memref<800xi32, #tpu.memory_space<vmem>> -> memref<80xi32, #tpu.memory_space<vmem>>
      %dma_wait3A_135 = arith.constant 0 : i32
      %dma_wait3A_136 = arith.constant 0 : i32
      %dma_wait3A_137 = tpu.memref_slice %arg2[%dma_wait3A_135, %dma_wait3A_136] : memref<1000000x32xf32, #tpu.memory_space<hbm>> -> memref<1000000x32xf32, #tpu.memory_space<hbm>>
      tpu.wait_indirect_dma semaphore(%arg10 : memref<!tpu.dma_semaphore, #tpu.memory_space<semaphore_mem>>) src(%dma_wait3A_137 : memref<1000000x32xf32, #tpu.memory_space<hbm>>) dst(%dma_wait3A_132 : memref<80x32xf32, #tpu.memory_space<vmem>>)
      %dma_wait3A_138 = arith.constant 400 : i32
      %dma_wait3A_139 = arith.constant 0 : i32
      %dma_wait3A_140 = tpu.memref_slice %arg7[%dma_wait3A_138, %dma_wait3A_139] : memref<800x32xf32, #tpu.memory_space<vmem>> -> memref<80x32xf32, #tpu.memory_space<vmem>>
      %dma_wait3A_141 = arith.constant 400 : i32
      %dma_wait3A_142 = tpu.memref_slice %arg5[%dma_wait3A_141] : memref<800xi32, #tpu.memory_space<vmem>> -> memref<80xi32, #tpu.memory_space<vmem>>
      %dma_wait3A_143 = arith.constant 0 : i32
      %dma_wait3A_144 = arith.constant 0 : i32
      %dma_wait3A_145 = tpu.memref_slice %arg2[%dma_wait3A_143, %dma_wait3A_144] : memref<1000000x32xf32, #tpu.memory_space<hbm>> -> memref<1000000x32xf32, #tpu.memory_space<hbm>>
      tpu.wait_indirect_dma semaphore(%arg10 : memref<!tpu.dma_semaphore, #tpu.memory_space<semaphore_mem>>) src(%dma_wait3A_145 : memref<1000000x32xf32, #tpu.memory_space<hbm>>) dst(%dma_wait3A_140 : memref<80x32xf32, #tpu.memory_space<vmem>>)
      %dma_wait3A_146 = arith.constant 480 : i32
      %dma_wait3A_147 = arith.constant 0 : i32
      %dma_wait3A_148 = tpu.memref_slice %arg7[%dma_wait3A_146, %dma_wait3A_147] : memref<800x32xf32, #tpu.memory_space<vmem>> -> memref<80x32xf32, #tpu.memory_space<vmem>>
      %dma_wait3A_149 = arith.constant 480 : i32
      %dma_wait3A_150 = tpu.memref_slice %arg5[%dma_wait3A_149] : memref<800xi32, #tpu.memory_space<vmem>> -> memref<80xi32, #tpu.memory_space<vmem>>
      %dma_wait3A_151 = arith.constant 0 : i32
      %dma_wait3A_152 = arith.constant 0 : i32
      %dma_wait3A_153 = tpu.memref_slice %arg2[%dma_wait3A_151, %dma_wait3A_152] : memref<1000000x32xf32, #tpu.memory_space<hbm>> -> memref<1000000x32xf32, #tpu.memory_space<hbm>>
      tpu.wait_indirect_dma semaphore(%arg10 : memref<!tpu.dma_semaphore, #tpu.memory_space<semaphore_mem>>) src(%dma_wait3A_153 : memref<1000000x32xf32, #tpu.memory_space<hbm>>) dst(%dma_wait3A_148 : memref<80x32xf32, #tpu.memory_space<vmem>>)
      %dma_wait3A_154 = arith.constant 560 : i32
      %dma_wait3A_155 = arith.constant 0 : i32
      %dma_wait3A_156 = tpu.memref_slice %arg7[%dma_wait3A_154, %dma_wait3A_155] : memref<800x32xf32, #tpu.memory_space<vmem>> -> memref<80x32xf32, #tpu.memory_space<vmem>>
      %dma_wait3A_157 = arith.constant 560 : i32
      %dma_wait3A_158 = tpu.memref_slice %arg5[%dma_wait3A_157] : memref<800xi32, #tpu.memory_space<vmem>> -> memref<80xi32, #tpu.memory_space<vmem>>
      %dma_wait3A_159 = arith.constant 0 : i32
      %dma_wait3A_160 = arith.constant 0 : i32
      %dma_wait3A_161 = tpu.memref_slice %arg2[%dma_wait3A_159, %dma_wait3A_160] : memref<1000000x32xf32, #tpu.memory_space<hbm>> -> memref<1000000x32xf32, #tpu.memory_space<hbm>>
      tpu.wait_indirect_dma semaphore(%arg10 : memref<!tpu.dma_semaphore, #tpu.memory_space<semaphore_mem>>) src(%dma_wait3A_161 : memref<1000000x32xf32, #tpu.memory_space<hbm>>) dst(%dma_wait3A_156 : memref<80x32xf32, #tpu.memory_space<vmem>>)
      %dma_wait3A_162 = arith.constant 640 : i32
      %dma_wait3A_163 = arith.constant 0 : i32
      %dma_wait3A_164 = tpu.memref_slice %arg7[%dma_wait3A_162, %dma_wait3A_163] : memref<800x32xf32, #tpu.memory_space<vmem>> -> memref<80x32xf32, #tpu.memory_space<vmem>>
      %dma_wait3A_165 = arith.constant 640 : i32
      %dma_wait3A_166 = tpu.memref_slice %arg5[%dma_wait3A_165] : memref<800xi32, #tpu.memory_space<vmem>> -> memref<80xi32, #tpu.memory_space<vmem>>
      %dma_wait3A_167 = arith.constant 0 : i32
      %dma_wait3A_168 = arith.constant 0 : i32
      %dma_wait3A_169 = tpu.memref_slice %arg2[%dma_wait3A_167, %dma_wait3A_168] : memref<1000000x32xf32, #tpu.memory_space<hbm>> -> memref<1000000x32xf32, #tpu.memory_space<hbm>>
      tpu.wait_indirect_dma semaphore(%arg10 : memref<!tpu.dma_semaphore, #tpu.memory_space<semaphore_mem>>) src(%dma_wait3A_169 : memref<1000000x32xf32, #tpu.memory_space<hbm>>) dst(%dma_wait3A_164 : memref<80x32xf32, #tpu.memory_space<vmem>>)
      %dma_wait3A_170 = arith.constant 720 : i32
      %dma_wait3A_171 = arith.constant 0 : i32
      %dma_wait3A_172 = tpu.memref_slice %arg7[%dma_wait3A_170, %dma_wait3A_171] : memref<800x32xf32, #tpu.memory_space<vmem>> -> memref<80x32xf32, #tpu.memory_space<vmem>>
      %dma_wait3A_173 = arith.constant 720 : i32
      %dma_wait3A_174 = tpu.memref_slice %arg5[%dma_wait3A_173] : memref<800xi32, #tpu.memory_space<vmem>> -> memref<80xi32, #tpu.memory_space<vmem>>
      %dma_wait3A_175 = arith.constant 0 : i32
      %dma_wait3A_176 = arith.constant 0 : i32
      %dma_wait3A_177 = tpu.memref_slice %arg2[%dma_wait3A_175, %dma_wait3A_176] : memref<1000000x32xf32, #tpu.memory_space<hbm>> -> memref<1000000x32xf32, #tpu.memory_space<hbm>>
      tpu.wait_indirect_dma semaphore(%arg10 : memref<!tpu.dma_semaphore, #tpu.memory_space<semaphore_mem>>) src(%dma_wait3A_177 : memref<1000000x32xf32, #tpu.memory_space<hbm>>) dst(%dma_wait3A_172 : memref<80x32xf32, #tpu.memory_space<vmem>>)
      %scan3A_178 = arith.constant 0 : i32
      %scan3A_179 = arith.constant 0 : i32
      %scan3A_180 = arith.constant 16 : i32
      %scan3A_181 = arith.addi %scan3A_179, %scan3A_180 : i32
      %scan3A_182 = arith.constant 1 : i32
      scf.for %scan3A_279 = %scan3A_179 to %scan3A_181 step %scan3A_182  : i32 {
        %mul3A_280 = arith.constant 50 : i32
        %mul3A_281 = arith.muli %scan3A_279, %mul3A_280 : i32
        %get3A = arith.index_cast %mul3A_281 : i32 to index
        %get3A_282 = arith.constant 0 : index
        %get3A_283 = tpu.vector_load %arg7[%get3A, %get3A_282] {strides = array<i32>} : memref<800x32xf32, #tpu.memory_space<vmem>>, vector<16xf32>,
        %mul3A_284 = arith.constant 50 : i32
        %mul3A_285 = arith.muli %scan3A_279, %mul3A_284 : i32
        %get3A_286 = arith.index_cast %mul3A_285 : i32 to index
        %get3A_287 = arith.constant 16 : index
        %get3A_288 = tpu.vector_load %arg7[%get3A_286, %get3A_287] {strides = array<i32>} : memref<800x32xf32, #tpu.memory_space<vmem>>, vector<16xf32>,
        %mul3A_289 = arith.constant 50 : i32
        %mul3A_290 = arith.muli %scan3A_279, %mul3A_289 : i32
        %add3A_291 = arith.constant 1 : i32
        %add3A_292 = arith.addi %mul3A_290, %add3A_291 : i32
        %get3A_293 = arith.index_cast %add3A_292 : i32 to index
        %get3A_294 = arith.constant 0 : index
        %get3A_295 = tpu.vector_load %arg7[%get3A_293, %get3A_294] {strides = array<i32>} : memref<800x32xf32, #tpu.memory_space<vmem>>, vector<16xf32>,
        %add3A_296 = arith.addf %get3A_283, %get3A_295 : vector<16xf32>
        %mul3A_297 = arith.constant 50 : i32
        %mul3A_298 = arith.muli %scan3A_279, %mul3A_297 : i32
        %add3A_299 = arith.constant 1 : i32
        %add3A_300 = arith.addi %mul3A_298, %add3A_299 : i32
        %get3A_301 = arith.index_cast %add3A_300 : i32 to index
        %get3A_302 = arith.constant 16 : index
        %get3A_303 = tpu.vector_load %arg7[%get3A_301, %get3A_302] {strides = array<i32>} : memref<800x32xf32, #tpu.memory_space<vmem>>, vector<16xf32>,
        %add3A_304 = arith.addf %get3A_288, %get3A_303 : vector<16xf32>
        %mul3A_305 = arith.constant 50 : i32
        %mul3A_306 = arith.muli %scan3A_279, %mul3A_305 : i32
        %add3A_307 = arith.constant 2 : i32
        %add3A_308 = arith.addi %mul3A_306, %add3A_307 : i32
        %get3A_309 = arith.index_cast %add3A_308 : i32 to index
        %get3A_310 = arith.constant 0 : index
        %get3A_311 = tpu.vector_load %arg7[%get3A_309, %get3A_310] {strides = array<i32>} : memref<800x32xf32, #tpu.memory_space<vmem>>, vector<16xf32>,
        %add3A_312 = arith.addf %add3A_296, %get3A_311 : vector<16xf32>
        %mul3A_313 = arith.constant 50 : i32
        %mul3A_314 = arith.muli %scan3A_279, %mul3A_313 : i32
        %add3A_315 = arith.constant 2 : i32
        %add3A_316 = arith.addi %mul3A_314, %add3A_315 : i32
        %get3A_317 = arith.index_cast %add3A_316 : i32 to index
        %get3A_318 = arith.constant 16 : index
        %get3A_319 = tpu.vector_load %arg7[%get3A_317, %get3A_318] {strides = array<i32>} : memref<800x32xf32, #tpu.memory_space<vmem>>, vector<16xf32>,
        %add3A_320 = arith.addf %add3A_304, %get3A_319 : vector<16xf32>
        %mul3A_321 = arith.constant 50 : i32
        %mul3A_322 = arith.muli %scan3A_279, %mul3A_321 : i32
        %add3A_323 = arith.constant 3 : i32
        %add3A_324 = arith.addi %mul3A_322, %add3A_323 : i32
        %get3A_325 = arith.index_cast %add3A_324 : i32 to index
        %get3A_326 = arith.constant 0 : index
        %get3A_327 = tpu.vector_load %arg7[%get3A_325, %get3A_326] {strides = array<i32>} : memref<800x32xf32, #tpu.memory_space<vmem>>, vector<16xf32>,
        %add3A_328 = arith.addf %add3A_312, %get3A_327 : vector<16xf32>
        %mul3A_329 = arith.constant 50 : i32
        %mul3A_330 = arith.muli %scan3A_279, %mul3A_329 : i32
        %add3A_331 = arith.constant 3 : i32
        %add3A_332 = arith.addi %mul3A_330, %add3A_331 : i32
        %get3A_333 = arith.index_cast %add3A_332 : i32 to index
        %get3A_334 = arith.constant 16 : index
        %get3A_335 = tpu.vector_load %arg7[%get3A_333, %get3A_334] {strides = array<i32>} : memref<800x32xf32, #tpu.memory_space<vmem>>, vector<16xf32>,
        %add3A_336 = arith.addf %add3A_320, %get3A_335 : vector<16xf32>
        %mul3A_337 = arith.constant 50 : i32
        %mul3A_338 = arith.muli %scan3A_279, %mul3A_337 : i32
        %add3A_339 = arith.constant 4 : i32
        %add3A_340 = arith.addi %mul3A_338, %add3A_339 : i32
        %get3A_341 = arith.index_cast %add3A_340 : i32 to index
        %get3A_342 = arith.constant 0 : index
        %get3A_343 = tpu.vector_load %arg7[%get3A_341, %get3A_342] {strides = array<i32>} : memref<800x32xf32, #tpu.memory_space<vmem>>, vector<16xf32>,
        %add3A_344 = arith.addf %add3A_328, %get3A_343 : vector<16xf32>
        %mul3A_345 = arith.constant 50 : i32
        %mul3A_346 = arith.muli %scan3A_279, %mul3A_345 : i32
        %add3A_347 = arith.constant 4 : i32
        %add3A_348 = arith.addi %mul3A_346, %add3A_347 : i32
        %get3A_349 = arith.index_cast %add3A_348 : i32 to index
        %get3A_350 = arith.constant 16 : index
        %get3A_351 = tpu.vector_load %arg7[%get3A_349, %get3A_350] {strides = array<i32>} : memref<800x32xf32, #tpu.memory_space<vmem>>, vector<16xf32>,
        %add3A_352 = arith.addf %add3A_336, %get3A_351 : vector<16xf32>
        %mul3A_353 = arith.constant 50 : i32
        %mul3A_354 = arith.muli %scan3A_279, %mul3A_353 : i32
        %add3A_355 = arith.constant 5 : i32
        %add3A_356 = arith.addi %mul3A_354, %add3A_355 : i32
        %get3A_357 = arith.index_cast %add3A_356 : i32 to index
        %get3A_358 = arith.constant 0 : index
        %get3A_359 = tpu.vector_load %arg7[%get3A_357, %get3A_358] {strides = array<i32>} : memref<800x32xf32, #tpu.memory_space<vmem>>, vector<16xf32>,
        %add3A_360 = arith.addf %add3A_344, %get3A_359 : vector<16xf32>
        %mul3A_361 = arith.constant 50 : i32
        %mul3A_362 = arith.muli %scan3A_279, %mul3A_361 : i32
        %add3A_363 = arith.constant 5 : i32
        %add3A_364 = arith.addi %mul3A_362, %add3A_363 : i32
        %get3A_365 = arith.index_cast %add3A_364 : i32 to index
        %get3A_366 = arith.constant 16 : index
        %get3A_367 = tpu.vector_load %arg7[%get3A_365, %get3A_366] {strides = array<i32>} : memref<800x32xf32, #tpu.memory_space<vmem>>, vector<16xf32>,
        %add3A_368 = arith.addf %add3A_352, %get3A_367 : vector<16xf32>
        %mul3A_369 = arith.constant 50 : i32
        %mul3A_370 = arith.muli %scan3A_279, %mul3A_369 : i32
        %add3A_371 = arith.constant 6 : i32
        %add3A_372 = arith.addi %mul3A_370, %add3A_371 : i32
        %get3A_373 = arith.index_cast %add3A_372 : i32 to index
        %get3A_374 = arith.constant 0 : index
        %get3A_375 = tpu.vector_load %arg7[%get3A_373, %get3A_374] {strides = array<i32>} : memref<800x32xf32, #tpu.memory_space<vmem>>, vector<16xf32>,
        %add3A_376 = arith.addf %add3A_360, %get3A_375 : vector<16xf32>
        %mul3A_377 = arith.constant 50 : i32
        %mul3A_378 = arith.muli %scan3A_279, %mul3A_377 : i32
        %add3A_379 = arith.constant 6 : i32
        %add3A_380 = arith.addi %mul3A_378, %add3A_379 : i32
        %get3A_381 = arith.index_cast %add3A_380 : i32 to index
        %get3A_382 = arith.constant 16 : index
        %get3A_383 = tpu.vector_load %arg7[%get3A_381, %get3A_382] {strides = array<i32>} : memref<800x32xf32, #tpu.memory_space<vmem>>, vector<16xf32>,
        %add3A_384 = arith.addf %add3A_368, %get3A_383 : vector<16xf32>
        %mul3A_385 = arith.constant 50 : i32
        %mul3A_386 = arith.muli %scan3A_279, %mul3A_385 : i32
        %add3A_387 = arith.constant 7 : i32
        %add3A_388 = arith.addi %mul3A_386, %add3A_387 : i32
        %get3A_389 = arith.index_cast %add3A_388 : i32 to index
        %get3A_390 = arith.constant 0 : index
        %get3A_391 = tpu.vector_load %arg7[%get3A_389, %get3A_390] {strides = array<i32>} : memref<800x32xf32, #tpu.memory_space<vmem>>, vector<16xf32>,
        %add3A_392 = arith.addf %add3A_376, %get3A_391 : vector<16xf32>
        %mul3A_393 = arith.constant 50 : i32
        %mul3A_394 = arith.muli %scan3A_279, %mul3A_393 : i32
        %add3A_395 = arith.constant 7 : i32
        %add3A_396 = arith.addi %mul3A_394, %add3A_395 : i32
        %get3A_397 = arith.index_cast %add3A_396 : i32 to index
        %get3A_398 = arith.constant 16 : index
        %get3A_399 = tpu.vector_load %arg7[%get3A_397, %get3A_398] {strides = array<i32>} : memref<800x32xf32, #tpu.memory_space<vmem>>, vector<16xf32>,
        %add3A_400 = arith.addf %add3A_384, %get3A_399 : vector<16xf32>
        %mul3A_401 = arith.constant 50 : i32
        %mul3A_402 = arith.muli %scan3A_279, %mul3A_401 : i32
        %add3A_403 = arith.constant 8 : i32
        %add3A_404 = arith.addi %mul3A_402, %add3A_403 : i32
        %get3A_405 = arith.index_cast %add3A_404 : i32 to index
        %get3A_406 = arith.constant 0 : index
        %get3A_407 = tpu.vector_load %arg7[%get3A_405, %get3A_406] {strides = array<i32>} : memref<800x32xf32, #tpu.memory_space<vmem>>, vector<16xf32>,
        %add3A_408 = arith.addf %add3A_392, %get3A_407 : vector<16xf32>
        %mul3A_409 = arith.constant 50 : i32
        %mul3A_410 = arith.muli %scan3A_279, %mul3A_409 : i32
        %add3A_411 = arith.constant 8 : i32
        %add3A_412 = arith.addi %mul3A_410, %add3A_411 : i32
        %get3A_413 = arith.index_cast %add3A_412 : i32 to index
        %get3A_414 = arith.constant 16 : index
        %get3A_415 = tpu.vector_load %arg7[%get3A_413, %get3A_414] {strides = array<i32>} : memref<800x32xf32, #tpu.memory_space<vmem>>, vector<16xf32>,
        %add3A_416 = arith.addf %add3A_400, %get3A_415 : vector<16xf32>
        %mul3A_417 = arith.constant 50 : i32
        %mul3A_418 = arith.muli %scan3A_279, %mul3A_417 : i32
        %add3A_419 = arith.constant 9 : i32
        %add3A_420 = arith.addi %mul3A_418, %add3A_419 : i32
        %get3A_421 = arith.index_cast %add3A_420 : i32 to index
        %get3A_422 = arith.constant 0 : index
        %get3A_423 = tpu.vector_load %arg7[%get3A_421, %get3A_422] {strides = array<i32>} : memref<800x32xf32, #tpu.memory_space<vmem>>, vector<16xf32>,
        %add3A_424 = arith.addf %add3A_408, %get3A_423 : vector<16xf32>
        %mul3A_425 = arith.constant 50 : i32
        %mul3A_426 = arith.muli %scan3A_279, %mul3A_425 : i32
        %add3A_427 = arith.constant 9 : i32
        %add3A_428 = arith.addi %mul3A_426, %add3A_427 : i32
        %get3A_429 = arith.index_cast %add3A_428 : i32 to index
        %get3A_430 = arith.constant 16 : index
        %get3A_431 = tpu.vector_load %arg7[%get3A_429, %get3A_430] {strides = array<i32>} : memref<800x32xf32, #tpu.memory_space<vmem>>, vector<16xf32>,
        %add3A_432 = arith.addf %add3A_416, %get3A_431 : vector<16xf32>
        %mul3A_433 = arith.constant 50 : i32
        %mul3A_434 = arith.muli %scan3A_279, %mul3A_433 : i32
        %add3A_435 = arith.constant 10 : i32
        %add3A_436 = arith.addi %mul3A_434, %add3A_435 : i32
        %get3A_437 = arith.index_cast %add3A_436 : i32 to index
        %get3A_438 = arith.constant 0 : index
        %get3A_439 = tpu.vector_load %arg7[%get3A_437, %get3A_438] {strides = array<i32>} : memref<800x32xf32, #tpu.memory_space<vmem>>, vector<16xf32>,
        %add3A_440 = arith.addf %add3A_424, %get3A_439 : vector<16xf32>
        %mul3A_441 = arith.constant 50 : i32
        %mul3A_442 = arith.muli %scan3A_279, %mul3A_441 : i32
        %add3A_443 = arith.constant 10 : i32
        %add3A_444 = arith.addi %mul3A_442, %add3A_443 : i32
        %get3A_445 = arith.index_cast %add3A_444 : i32 to index
        %get3A_446 = arith.constant 16 : index
        %get3A_447 = tpu.vector_load %arg7[%get3A_445, %get3A_446] {strides = array<i32>} : memref<800x32xf32, #tpu.memory_space<vmem>>, vector<16xf32>,
        %add3A_448 = arith.addf %add3A_432, %get3A_447 : vector<16xf32>
        %mul3A_449 = arith.constant 50 : i32
        %mul3A_450 = arith.muli %scan3A_279, %mul3A_449 : i32
        %add3A_451 = arith.constant 11 : i32
        %add3A_452 = arith.addi %mul3A_450, %add3A_451 : i32
        %get3A_453 = arith.index_cast %add3A_452 : i32 to index
        %get3A_454 = arith.constant 0 : index
        %get3A_455 = tpu.vector_load %arg7[%get3A_453, %get3A_454] {strides = array<i32>} : memref<800x32xf32, #tpu.memory_space<vmem>>, vector<16xf32>,
        %add3A_456 = arith.addf %add3A_440, %get3A_455 : vector<16xf32>
        %mul3A_457 = arith.constant 50 : i32
        %mul3A_458 = arith.muli %scan3A_279, %mul3A_457 : i32
        %add3A_459 = arith.constant 11 : i32
        %add3A_460 = arith.addi %mul3A_458, %add3A_459 : i32
        %get3A_461 = arith.index_cast %add3A_460 : i32 to index
        %get3A_462 = arith.constant 16 : index
        %get3A_463 = tpu.vector_load %arg7[%get3A_461, %get3A_462] {strides = array<i32>} : memref<800x32xf32, #tpu.memory_space<vmem>>, vector<16xf32>,
        %add3A_464 = arith.addf %add3A_448, %get3A_463 : vector<16xf32>
        %mul3A_465 = arith.constant 50 : i32
        %mul3A_466 = arith.muli %scan3A_279, %mul3A_465 : i32
        %add3A_467 = arith.constant 12 : i32
        %add3A_468 = arith.addi %mul3A_466, %add3A_467 : i32
        %get3A_469 = arith.index_cast %add3A_468 : i32 to index
        %get3A_470 = arith.constant 0 : index
        %get3A_471 = tpu.vector_load %arg7[%get3A_469, %get3A_470] {strides = array<i32>} : memref<800x32xf32, #tpu.memory_space<vmem>>, vector<16xf32>,
        %add3A_472 = arith.addf %add3A_456, %get3A_471 : vector<16xf32>
        %mul3A_473 = arith.constant 50 : i32
        %mul3A_474 = arith.muli %scan3A_279, %mul3A_473 : i32
        %add3A_475 = arith.constant 12 : i32
        %add3A_476 = arith.addi %mul3A_474, %add3A_475 : i32
        %get3A_477 = arith.index_cast %add3A_476 : i32 to index
        %get3A_478 = arith.constant 16 : index
        %get3A_479 = tpu.vector_load %arg7[%get3A_477, %get3A_478] {strides = array<i32>} : memref<800x32xf32, #tpu.memory_space<vmem>>, vector<16xf32>,
        %add3A_480 = arith.addf %add3A_464, %get3A_479 : vector<16xf32>
        %mul3A_481 = arith.constant 50 : i32
        %mul3A_482 = arith.muli %scan3A_279, %mul3A_481 : i32
        %add3A_483 = arith.constant 13 : i32
        %add3A_484 = arith.addi %mul3A_482, %add3A_483 : i32
        %get3A_485 = arith.index_cast %add3A_484 : i32 to index
        %get3A_486 = arith.constant 0 : index
        %get3A_487 = tpu.vector_load %arg7[%get3A_485, %get3A_486] {strides = array<i32>} : memref<800x32xf32, #tpu.memory_space<vmem>>, vector<16xf32>,
        %add3A_488 = arith.addf %add3A_472, %get3A_487 : vector<16xf32>
        %mul3A_489 = arith.constant 50 : i32
        %mul3A_490 = arith.muli %scan3A_279, %mul3A_489 : i32
        %add3A_491 = arith.constant 13 : i32
        %add3A_492 = arith.addi %mul3A_490, %add3A_491 : i32
        %get3A_493 = arith.index_cast %add3A_492 : i32 to index
        %get3A_494 = arith.constant 16 : index
        %get3A_495 = tpu.vector_load %arg7[%get3A_493, %get3A_494] {strides = array<i32>} : memref<800x32xf32, #tpu.memory_space<vmem>>, vector<16xf32>,
        %add3A_496 = arith.addf %add3A_480, %get3A_495 : vector<16xf32>
        %mul3A_497 = arith.constant 50 : i32
        %mul3A_498 = arith.muli %scan3A_279, %mul3A_497 : i32
        %add3A_499 = arith.constant 14 : i32
        %add3A_500 = arith.addi %mul3A_498, %add3A_499 : i32
        %get3A_501 = arith.index_cast %add3A_500 : i32 to index
        %get3A_502 = arith.constant 0 : index
        %get3A_503 = tpu.vector_load %arg7[%get3A_501, %get3A_502] {strides = array<i32>} : memref<800x32xf32, #tpu.memory_space<vmem>>, vector<16xf32>,
        %add3A_504 = arith.addf %add3A_488, %get3A_503 : vector<16xf32>
        %mul3A_505 = arith.constant 50 : i32
        %mul3A_506 = arith.muli %scan3A_279, %mul3A_505 : i32
        %add3A_507 = arith.constant 14 : i32
        %add3A_508 = arith.addi %mul3A_506, %add3A_507 : i32
        %get3A_509 = arith.index_cast %add3A_508 : i32 to index
        %get3A_510 = arith.constant 16 : index
        %get3A_511 = tpu.vector_load %arg7[%get3A_509, %get3A_510] {strides = array<i32>} : memref<800x32xf32, #tpu.memory_space<vmem>>, vector<16xf32>,
        %add3A_512 = arith.addf %add3A_496, %get3A_511 : vector<16xf32>
        %mul3A_513 = arith.constant 50 : i32
        %mul3A_514 = arith.muli %scan3A_279, %mul3A_513 : i32
        %add3A_515 = arith.constant 15 : i32
        %add3A_516 = arith.addi %mul3A_514, %add3A_515 : i32
        %get3A_517 = arith.index_cast %add3A_516 : i32 to index
        %get3A_518 = arith.constant 0 : index
        %get3A_519 = tpu.vector_load %arg7[%get3A_517, %get3A_518] {strides = array<i32>} : memref<800x32xf32, #tpu.memory_space<vmem>>, vector<16xf32>,
        %add3A_520 = arith.addf %add3A_504, %get3A_519 : vector<16xf32>
        %mul3A_521 = arith.constant 50 : i32
        %mul3A_522 = arith.muli %scan3A_279, %mul3A_521 : i32
        %add3A_523 = arith.constant 15 : i32
        %add3A_524 = arith.addi %mul3A_522, %add3A_523 : i32
        %get3A_525 = arith.index_cast %add3A_524 : i32 to index
        %get3A_526 = arith.constant 16 : index
        %get3A_527 = tpu.vector_load %arg7[%get3A_525, %get3A_526] {strides = array<i32>} : memref<800x32xf32, #tpu.memory_space<vmem>>, vector<16xf32>,
        %add3A_528 = arith.addf %add3A_512, %get3A_527 : vector<16xf32>
        %mul3A_529 = arith.constant 50 : i32
        %mul3A_530 = arith.muli %scan3A_279, %mul3A_529 : i32
        %add3A_531 = arith.constant 16 : i32
        %add3A_532 = arith.addi %mul3A_530, %add3A_531 : i32
        %get3A_533 = arith.index_cast %add3A_532 : i32 to index
        %get3A_534 = arith.constant 0 : index
        %get3A_535 = tpu.vector_load %arg7[%get3A_533, %get3A_534] {strides = array<i32>} : memref<800x32xf32, #tpu.memory_space<vmem>>, vector<16xf32>,
        %add3A_536 = arith.addf %add3A_520, %get3A_535 : vector<16xf32>
        %mul3A_537 = arith.constant 50 : i32
        %mul3A_538 = arith.muli %scan3A_279, %mul3A_537 : i32
        %add3A_539 = arith.constant 16 : i32
        %add3A_540 = arith.addi %mul3A_538, %add3A_539 : i32
        %get3A_541 = arith.index_cast %add3A_540 : i32 to index
        %get3A_542 = arith.constant 16 : index
        %get3A_543 = tpu.vector_load %arg7[%get3A_541, %get3A_542] {strides = array<i32>} : memref<800x32xf32, #tpu.memory_space<vmem>>, vector<16xf32>,
        %add3A_544 = arith.addf %add3A_528, %get3A_543 : vector<16xf32>
        %mul3A_545 = arith.constant 50 : i32
        %mul3A_546 = arith.muli %scan3A_279, %mul3A_545 : i32
        %add3A_547 = arith.constant 17 : i32
        %add3A_548 = arith.addi %mul3A_546, %add3A_547 : i32
        %get3A_549 = arith.index_cast %add3A_548 : i32 to index
        %get3A_550 = arith.constant 0 : index
        %get3A_551 = tpu.vector_load %arg7[%get3A_549, %get3A_550] {strides = array<i32>} : memref<800x32xf32, #tpu.memory_space<vmem>>, vector<16xf32>,
        %add3A_552 = arith.addf %add3A_536, %get3A_551 : vector<16xf32>
        %mul3A_553 = arith.constant 50 : i32
        %mul3A_554 = arith.muli %scan3A_279, %mul3A_553 : i32
        %add3A_555 = arith.constant 17 : i32
        %add3A_556 = arith.addi %mul3A_554, %add3A_555 : i32
        %get3A_557 = arith.index_cast %add3A_556 : i32 to index
        %get3A_558 = arith.constant 16 : index
        %get3A_559 = tpu.vector_load %arg7[%get3A_557, %get3A_558] {strides = array<i32>} : memref<800x32xf32, #tpu.memory_space<vmem>>, vector<16xf32>,
        %add3A_560 = arith.addf %add3A_544, %get3A_559 : vector<16xf32>
        %mul3A_561 = arith.constant 50 : i32
        %mul3A_562 = arith.muli %scan3A_279, %mul3A_561 : i32
        %add3A_563 = arith.constant 18 : i32
        %add3A_564 = arith.addi %mul3A_562, %add3A_563 : i32
        %get3A_565 = arith.index_cast %add3A_564 : i32 to index
        %get3A_566 = arith.constant 0 : index
        %get3A_567 = tpu.vector_load %arg7[%get3A_565, %get3A_566] {strides = array<i32>} : memref<800x32xf32, #tpu.memory_space<vmem>>, vector<16xf32>,
        %add3A_568 = arith.addf %add3A_552, %get3A_567 : vector<16xf32>
        %mul3A_569 = arith.constant 50 : i32
        %mul3A_570 = arith.muli %scan3A_279, %mul3A_569 : i32
        %add3A_571 = arith.constant 18 : i32
        %add3A_572 = arith.addi %mul3A_570, %add3A_571 : i32
        %get3A_573 = arith.index_cast %add3A_572 : i32 to index
        %get3A_574 = arith.constant 16 : index
        %get3A_575 = tpu.vector_load %arg7[%get3A_573, %get3A_574] {strides = array<i32>} : memref<800x32xf32, #tpu.memory_space<vmem>>, vector<16xf32>,
        %add3A_576 = arith.addf %add3A_560, %get3A_575 : vector<16xf32>
        %mul3A_577 = arith.constant 50 : i32
        %mul3A_578 = arith.muli %scan3A_279, %mul3A_577 : i32
        %add3A_579 = arith.constant 19 : i32
        %add3A_580 = arith.addi %mul3A_578, %add3A_579 : i32
        %get3A_581 = arith.index_cast %add3A_580 : i32 to index
        %get3A_582 = arith.constant 0 : index
        %get3A_583 = tpu.vector_load %arg7[%get3A_581, %get3A_582] {strides = array<i32>} : memref<800x32xf32, #tpu.memory_space<vmem>>, vector<16xf32>,
        %add3A_584 = arith.addf %add3A_568, %get3A_583 : vector<16xf32>
        %mul3A_585 = arith.constant 50 : i32
        %mul3A_586 = arith.muli %scan3A_279, %mul3A_585 : i32
        %add3A_587 = arith.constant 19 : i32
        %add3A_588 = arith.addi %mul3A_586, %add3A_587 : i32
        %get3A_589 = arith.index_cast %add3A_588 : i32 to index
        %get3A_590 = arith.constant 16 : index
        %get3A_591 = tpu.vector_load %arg7[%get3A_589, %get3A_590] {strides = array<i32>} : memref<800x32xf32, #tpu.memory_space<vmem>>, vector<16xf32>,
        %add3A_592 = arith.addf %add3A_576, %get3A_591 : vector<16xf32>
        %mul3A_593 = arith.constant 50 : i32
        %mul3A_594 = arith.muli %scan3A_279, %mul3A_593 : i32
        %add3A_595 = arith.constant 20 : i32
        %add3A_596 = arith.addi %mul3A_594, %add3A_595 : i32
        %get3A_597 = arith.index_cast %add3A_596 : i32 to index
        %get3A_598 = arith.constant 0 : index
        %get3A_599 = tpu.vector_load %arg7[%get3A_597, %get3A_598] {strides = array<i32>} : memref<800x32xf32, #tpu.memory_space<vmem>>, vector<16xf32>,
        %add3A_600 = arith.addf %add3A_584, %get3A_599 : vector<16xf32>
        %mul3A_601 = arith.constant 50 : i32
        %mul3A_602 = arith.muli %scan3A_279, %mul3A_601 : i32
        %add3A_603 = arith.constant 20 : i32
        %add3A_604 = arith.addi %mul3A_602, %add3A_603 : i32
        %get3A_605 = arith.index_cast %add3A_604 : i32 to index
        %get3A_606 = arith.constant 16 : index
        %get3A_607 = tpu.vector_load %arg7[%get3A_605, %get3A_606] {strides = array<i32>} : memref<800x32xf32, #tpu.memory_space<vmem>>, vector<16xf32>,
        %add3A_608 = arith.addf %add3A_592, %get3A_607 : vector<16xf32>
        %mul3A_609 = arith.constant 50 : i32
        %mul3A_610 = arith.muli %scan3A_279, %mul3A_609 : i32
        %add3A_611 = arith.constant 21 : i32
        %add3A_612 = arith.addi %mul3A_610, %add3A_611 : i32
        %get3A_613 = arith.index_cast %add3A_612 : i32 to index
        %get3A_614 = arith.constant 0 : index
        %get3A_615 = tpu.vector_load %arg7[%get3A_613, %get3A_614] {strides = array<i32>} : memref<800x32xf32, #tpu.memory_space<vmem>>, vector<16xf32>,
        %add3A_616 = arith.addf %add3A_600, %get3A_615 : vector<16xf32>
        %mul3A_617 = arith.constant 50 : i32
        %mul3A_618 = arith.muli %scan3A_279, %mul3A_617 : i32
        %add3A_619 = arith.constant 21 : i32
        %add3A_620 = arith.addi %mul3A_618, %add3A_619 : i32
        %get3A_621 = arith.index_cast %add3A_620 : i32 to index
        %get3A_622 = arith.constant 16 : index
        %get3A_623 = tpu.vector_load %arg7[%get3A_621, %get3A_622] {strides = array<i32>} : memref<800x32xf32, #tpu.memory_space<vmem>>, vector<16xf32>,
        %add3A_624 = arith.addf %add3A_608, %get3A_623 : vector<16xf32>
        %mul3A_625 = arith.constant 50 : i32
        %mul3A_626 = arith.muli %scan3A_279, %mul3A_625 : i32
        %add3A_627 = arith.constant 22 : i32
        %add3A_628 = arith.addi %mul3A_626, %add3A_627 : i32
        %get3A_629 = arith.index_cast %add3A_628 : i32 to index
        %get3A_630 = arith.constant 0 : index
        %get3A_631 = tpu.vector_load %arg7[%get3A_629, %get3A_630] {strides = array<i32>} : memref<800x32xf32, #tpu.memory_space<vmem>>, vector<16xf32>,
        %add3A_632 = arith.addf %add3A_616, %get3A_631 : vector<16xf32>
        %mul3A_633 = arith.constant 50 : i32
        %mul3A_634 = arith.muli %scan3A_279, %mul3A_633 : i32
        %add3A_635 = arith.constant 22 : i32
        %add3A_636 = arith.addi %mul3A_634, %add3A_635 : i32
        %get3A_637 = arith.index_cast %add3A_636 : i32 to index
        %get3A_638 = arith.constant 16 : index
        %get3A_639 = tpu.vector_load %arg7[%get3A_637, %get3A_638] {strides = array<i32>} : memref<800x32xf32, #tpu.memory_space<vmem>>, vector<16xf32>,
        %add3A_640 = arith.addf %add3A_624, %get3A_639 : vector<16xf32>
        %mul3A_641 = arith.constant 50 : i32
        %mul3A_642 = arith.muli %scan3A_279, %mul3A_641 : i32
        %add3A_643 = arith.constant 23 : i32
        %add3A_644 = arith.addi %mul3A_642, %add3A_643 : i32
        %get3A_645 = arith.index_cast %add3A_644 : i32 to index
        %get3A_646 = arith.constant 0 : index
        %get3A_647 = tpu.vector_load %arg7[%get3A_645, %get3A_646] {strides = array<i32>} : memref<800x32xf32, #tpu.memory_space<vmem>>, vector<16xf32>,
        %add3A_648 = arith.addf %add3A_632, %get3A_647 : vector<16xf32>
        %mul3A_649 = arith.constant 50 : i32
        %mul3A_650 = arith.muli %scan3A_279, %mul3A_649 : i32
        %add3A_651 = arith.constant 23 : i32
        %add3A_652 = arith.addi %mul3A_650, %add3A_651 : i32
        %get3A_653 = arith.index_cast %add3A_652 : i32 to index
        %get3A_654 = arith.constant 16 : index
        %get3A_655 = tpu.vector_load %arg7[%get3A_653, %get3A_654] {strides = array<i32>} : memref<800x32xf32, #tpu.memory_space<vmem>>, vector<16xf32>,
        %add3A_656 = arith.addf %add3A_640, %get3A_655 : vector<16xf32>
        %mul3A_657 = arith.constant 50 : i32
        %mul3A_658 = arith.muli %scan3A_279, %mul3A_657 : i32
        %add3A_659 = arith.constant 24 : i32
        %add3A_660 = arith.addi %mul3A_658, %add3A_659 : i32
        %get3A_661 = arith.index_cast %add3A_660 : i32 to index
        %get3A_662 = arith.constant 0 : index
        %get3A_663 = tpu.vector_load %arg7[%get3A_661, %get3A_662] {strides = array<i32>} : memref<800x32xf32, #tpu.memory_space<vmem>>, vector<16xf32>,
        %add3A_664 = arith.addf %add3A_648, %get3A_663 : vector<16xf32>
        %mul3A_665 = arith.constant 50 : i32
        %mul3A_666 = arith.muli %scan3A_279, %mul3A_665 : i32
        %add3A_667 = arith.constant 24 : i32
        %add3A_668 = arith.addi %mul3A_666, %add3A_667 : i32
        %get3A_669 = arith.index_cast %add3A_668 : i32 to index
        %get3A_670 = arith.constant 16 : index
        %get3A_671 = tpu.vector_load %arg7[%get3A_669, %get3A_670] {strides = array<i32>} : memref<800x32xf32, #tpu.memory_space<vmem>>, vector<16xf32>,
        %add3A_672 = arith.addf %add3A_656, %get3A_671 : vector<16xf32>
        %mul3A_673 = arith.constant 50 : i32
        %mul3A_674 = arith.muli %scan3A_279, %mul3A_673 : i32
        %add3A_675 = arith.constant 25 : i32
        %add3A_676 = arith.addi %mul3A_674, %add3A_675 : i32
        %get3A_677 = arith.index_cast %add3A_676 : i32 to index
        %get3A_678 = arith.constant 0 : index
        %get3A_679 = tpu.vector_load %arg7[%get3A_677, %get3A_678] {strides = array<i32>} : memref<800x32xf32, #tpu.memory_space<vmem>>, vector<16xf32>,
        %add3A_680 = arith.addf %add3A_664, %get3A_679 : vector<16xf32>
        %mul3A_681 = arith.constant 50 : i32
        %mul3A_682 = arith.muli %scan3A_279, %mul3A_681 : i32
        %add3A_683 = arith.constant 25 : i32
        %add3A_684 = arith.addi %mul3A_682, %add3A_683 : i32
        %get3A_685 = arith.index_cast %add3A_684 : i32 to index
        %get3A_686 = arith.constant 16 : index
        %get3A_687 = tpu.vector_load %arg7[%get3A_685, %get3A_686] {strides = array<i32>} : memref<800x32xf32, #tpu.memory_space<vmem>>, vector<16xf32>,
        %add3A_688 = arith.addf %add3A_672, %get3A_687 : vector<16xf32>
        %mul3A_689 = arith.constant 50 : i32
        %mul3A_690 = arith.muli %scan3A_279, %mul3A_689 : i32
        %add3A_691 = arith.constant 26 : i32
        %add3A_692 = arith.addi %mul3A_690, %add3A_691 : i32
        %get3A_693 = arith.index_cast %add3A_692 : i32 to index
        %get3A_694 = arith.constant 0 : index
        %get3A_695 = tpu.vector_load %arg7[%get3A_693, %get3A_694] {strides = array<i32>} : memref<800x32xf32, #tpu.memory_space<vmem>>, vector<16xf32>,
        %add3A_696 = arith.addf %add3A_680, %get3A_695 : vector<16xf32>
        %mul3A_697 = arith.constant 50 : i32
        %mul3A_698 = arith.muli %scan3A_279, %mul3A_697 : i32
        %add3A_699 = arith.constant 26 : i32
        %add3A_700 = arith.addi %mul3A_698, %add3A_699 : i32
        %get3A_701 = arith.index_cast %add3A_700 : i32 to index
        %get3A_702 = arith.constant 16 : index
        %get3A_703 = tpu.vector_load %arg7[%get3A_701, %get3A_702] {strides = array<i32>} : memref<800x32xf32, #tpu.memory_space<vmem>>, vector<16xf32>,
        %add3A_704 = arith.addf %add3A_688, %get3A_703 : vector<16xf32>
        %mul3A_705 = arith.constant 50 : i32
        %mul3A_706 = arith.muli %scan3A_279, %mul3A_705 : i32
        %add3A_707 = arith.constant 27 : i32
        %add3A_708 = arith.addi %mul3A_706, %add3A_707 : i32
        %get3A_709 = arith.index_cast %add3A_708 : i32 to index
        %get3A_710 = arith.constant 0 : index
        %get3A_711 = tpu.vector_load %arg7[%get3A_709, %get3A_710] {strides = array<i32>} : memref<800x32xf32, #tpu.memory_space<vmem>>, vector<16xf32>,
        %add3A_712 = arith.addf %add3A_696, %get3A_711 : vector<16xf32>
        %mul3A_713 = arith.constant 50 : i32
        %mul3A_714 = arith.muli %scan3A_279, %mul3A_713 : i32
        %add3A_715 = arith.constant 27 : i32
        %add3A_716 = arith.addi %mul3A_714, %add3A_715 : i32
        %get3A_717 = arith.index_cast %add3A_716 : i32 to index
        %get3A_718 = arith.constant 16 : index
        %get3A_719 = tpu.vector_load %arg7[%get3A_717, %get3A_718] {strides = array<i32>} : memref<800x32xf32, #tpu.memory_space<vmem>>, vector<16xf32>,
        %add3A_720 = arith.addf %add3A_704, %get3A_719 : vector<16xf32>
        %mul3A_721 = arith.constant 50 : i32
        %mul3A_722 = arith.muli %scan3A_279, %mul3A_721 : i32
        %add3A_723 = arith.constant 28 : i32
        %add3A_724 = arith.addi %mul3A_722, %add3A_723 : i32
        %get3A_725 = arith.index_cast %add3A_724 : i32 to index
        %get3A_726 = arith.constant 0 : index
        %get3A_727 = tpu.vector_load %arg7[%get3A_725, %get3A_726] {strides = array<i32>} : memref<800x32xf32, #tpu.memory_space<vmem>>, vector<16xf32>,
        %add3A_728 = arith.addf %add3A_712, %get3A_727 : vector<16xf32>
        %mul3A_729 = arith.constant 50 : i32
        %mul3A_730 = arith.muli %scan3A_279, %mul3A_729 : i32
        %add3A_731 = arith.constant 28 : i32
        %add3A_732 = arith.addi %mul3A_730, %add3A_731 : i32
        %get3A_733 = arith.index_cast %add3A_732 : i32 to index
        %get3A_734 = arith.constant 16 : index
        %get3A_735 = tpu.vector_load %arg7[%get3A_733, %get3A_734] {strides = array<i32>} : memref<800x32xf32, #tpu.memory_space<vmem>>, vector<16xf32>,
        %add3A_736 = arith.addf %add3A_720, %get3A_735 : vector<16xf32>
        %mul3A_737 = arith.constant 50 : i32
        %mul3A_738 = arith.muli %scan3A_279, %mul3A_737 : i32
        %add3A_739 = arith.constant 29 : i32
        %add3A_740 = arith.addi %mul3A_738, %add3A_739 : i32
        %get3A_741 = arith.index_cast %add3A_740 : i32 to index
        %get3A_742 = arith.constant 0 : index
        %get3A_743 = tpu.vector_load %arg7[%get3A_741, %get3A_742] {strides = array<i32>} : memref<800x32xf32, #tpu.memory_space<vmem>>, vector<16xf32>,
        %add3A_744 = arith.addf %add3A_728, %get3A_743 : vector<16xf32>
        %mul3A_745 = arith.constant 50 : i32
        %mul3A_746 = arith.muli %scan3A_279, %mul3A_745 : i32
        %add3A_747 = arith.constant 29 : i32
        %add3A_748 = arith.addi %mul3A_746, %add3A_747 : i32
        %get3A_749 = arith.index_cast %add3A_748 : i32 to index
        %get3A_750 = arith.constant 16 : index
        %get3A_751 = tpu.vector_load %arg7[%get3A_749, %get3A_750] {strides = array<i32>} : memref<800x32xf32, #tpu.memory_space<vmem>>, vector<16xf32>,
        %add3A_752 = arith.addf %add3A_736, %get3A_751 : vector<16xf32>
        %mul3A_753 = arith.constant 50 : i32
        %mul3A_754 = arith.muli %scan3A_279, %mul3A_753 : i32
        %add3A_755 = arith.constant 30 : i32
        %add3A_756 = arith.addi %mul3A_754, %add3A_755 : i32
        %get3A_757 = arith.index_cast %add3A_756 : i32 to index
        %get3A_758 = arith.constant 0 : index
        %get3A_759 = tpu.vector_load %arg7[%get3A_757, %get3A_758] {strides = array<i32>} : memref<800x32xf32, #tpu.memory_space<vmem>>, vector<16xf32>,
        %add3A_760 = arith.addf %add3A_744, %get3A_759 : vector<16xf32>
        %mul3A_761 = arith.constant 50 : i32
        %mul3A_762 = arith.muli %scan3A_279, %mul3A_761 : i32
        %add3A_763 = arith.constant 30 : i32
        %add3A_764 = arith.addi %mul3A_762, %add3A_763 : i32
        %get3A_765 = arith.index_cast %add3A_764 : i32 to index
        %get3A_766 = arith.constant 16 : index
        %get3A_767 = tpu.vector_load %arg7[%get3A_765, %get3A_766] {strides = array<i32>} : memref<800x32xf32, #tpu.memory_space<vmem>>, vector<16xf32>,
        %add3A_768 = arith.addf %add3A_752, %get3A_767 : vector<16xf32>
        %mul3A_769 = arith.constant 50 : i32
        %mul3A_770 = arith.muli %scan3A_279, %mul3A_769 : i32
        %add3A_771 = arith.constant 31 : i32
        %add3A_772 = arith.addi %mul3A_770, %add3A_771 : i32
        %get3A_773 = arith.index_cast %add3A_772 : i32 to index
        %get3A_774 = arith.constant 0 : index
        %get3A_775 = tpu.vector_load %arg7[%get3A_773, %get3A_774] {strides = array<i32>} : memref<800x32xf32, #tpu.memory_space<vmem>>, vector<16xf32>,
        %add3A_776 = arith.addf %add3A_760, %get3A_775 : vector<16xf32>
        %mul3A_777 = arith.constant 50 : i32
        %mul3A_778 = arith.muli %scan3A_279, %mul3A_777 : i32
        %add3A_779 = arith.constant 31 : i32
        %add3A_780 = arith.addi %mul3A_778, %add3A_779 : i32
        %get3A_781 = arith.index_cast %add3A_780 : i32 to index
        %get3A_782 = arith.constant 16 : index
        %get3A_783 = tpu.vector_load %arg7[%get3A_781, %get3A_782] {strides = array<i32>} : memref<800x32xf32, #tpu.memory_space<vmem>>, vector<16xf32>,
        %add3A_784 = arith.addf %add3A_768, %get3A_783 : vector<16xf32>
        %mul3A_785 = arith.constant 50 : i32
        %mul3A_786 = arith.muli %scan3A_279, %mul3A_785 : i32
        %add3A_787 = arith.constant 32 : i32
        %add3A_788 = arith.addi %mul3A_786, %add3A_787 : i32
        %get3A_789 = arith.index_cast %add3A_788 : i32 to index
        %get3A_790 = arith.constant 0 : index
        %get3A_791 = tpu.vector_load %arg7[%get3A_789, %get3A_790] {strides = array<i32>} : memref<800x32xf32, #tpu.memory_space<vmem>>, vector<16xf32>,
        %add3A_792 = arith.addf %add3A_776, %get3A_791 : vector<16xf32>
        %mul3A_793 = arith.constant 50 : i32
        %mul3A_794 = arith.muli %scan3A_279, %mul3A_793 : i32
        %add3A_795 = arith.constant 32 : i32
        %add3A_796 = arith.addi %mul3A_794, %add3A_795 : i32
        %get3A_797 = arith.index_cast %add3A_796 : i32 to index
        %get3A_798 = arith.constant 16 : index
        %get3A_799 = tpu.vector_load %arg7[%get3A_797, %get3A_798] {strides = array<i32>} : memref<800x32xf32, #tpu.memory_space<vmem>>, vector<16xf32>,
        %add3A_800 = arith.addf %add3A_784, %get3A_799 : vector<16xf32>
        %mul3A_801 = arith.constant 50 : i32
        %mul3A_802 = arith.muli %scan3A_279, %mul3A_801 : i32
        %add3A_803 = arith.constant 33 : i32
        %add3A_804 = arith.addi %mul3A_802, %add3A_803 : i32
        %get3A_805 = arith.index_cast %add3A_804 : i32 to index
        %get3A_806 = arith.constant 0 : index
        %get3A_807 = tpu.vector_load %arg7[%get3A_805, %get3A_806] {strides = array<i32>} : memref<800x32xf32, #tpu.memory_space<vmem>>, vector<16xf32>,
        %add3A_808 = arith.addf %add3A_792, %get3A_807 : vector<16xf32>
        %mul3A_809 = arith.constant 50 : i32
        %mul3A_810 = arith.muli %scan3A_279, %mul3A_809 : i32
        %add3A_811 = arith.constant 33 : i32
        %add3A_812 = arith.addi %mul3A_810, %add3A_811 : i32
        %get3A_813 = arith.index_cast %add3A_812 : i32 to index
        %get3A_814 = arith.constant 16 : index
        %get3A_815 = tpu.vector_load %arg7[%get3A_813, %get3A_814] {strides = array<i32>} : memref<800x32xf32, #tpu.memory_space<vmem>>, vector<16xf32>,
        %add3A_816 = arith.addf %add3A_800, %get3A_815 : vector<16xf32>
        %mul3A_817 = arith.constant 50 : i32
        %mul3A_818 = arith.muli %scan3A_279, %mul3A_817 : i32
        %add3A_819 = arith.constant 34 : i32
        %add3A_820 = arith.addi %mul3A_818, %add3A_819 : i32
        %get3A_821 = arith.index_cast %add3A_820 : i32 to index
        %get3A_822 = arith.constant 0 : index
        %get3A_823 = tpu.vector_load %arg7[%get3A_821, %get3A_822] {strides = array<i32>} : memref<800x32xf32, #tpu.memory_space<vmem>>, vector<16xf32>,
        %add3A_824 = arith.addf %add3A_808, %get3A_823 : vector<16xf32>
        %mul3A_825 = arith.constant 50 : i32
        %mul3A_826 = arith.muli %scan3A_279, %mul3A_825 : i32
        %add3A_827 = arith.constant 34 : i32
        %add3A_828 = arith.addi %mul3A_826, %add3A_827 : i32
        %get3A_829 = arith.index_cast %add3A_828 : i32 to index
        %get3A_830 = arith.constant 16 : index
        %get3A_831 = tpu.vector_load %arg7[%get3A_829, %get3A_830] {strides = array<i32>} : memref<800x32xf32, #tpu.memory_space<vmem>>, vector<16xf32>,
        %add3A_832 = arith.addf %add3A_816, %get3A_831 : vector<16xf32>
        %mul3A_833 = arith.constant 50 : i32
        %mul3A_834 = arith.muli %scan3A_279, %mul3A_833 : i32
        %add3A_835 = arith.constant 35 : i32
        %add3A_836 = arith.addi %mul3A_834, %add3A_835 : i32
        %get3A_837 = arith.index_cast %add3A_836 : i32 to index
        %get3A_838 = arith.constant 0 : index
        %get3A_839 = tpu.vector_load %arg7[%get3A_837, %get3A_838] {strides = array<i32>} : memref<800x32xf32, #tpu.memory_space<vmem>>, vector<16xf32>,
        %add3A_840 = arith.addf %add3A_824, %get3A_839 : vector<16xf32>
        %mul3A_841 = arith.constant 50 : i32
        %mul3A_842 = arith.muli %scan3A_279, %mul3A_841 : i32
        %add3A_843 = arith.constant 35 : i32
        %add3A_844 = arith.addi %mul3A_842, %add3A_843 : i32
        %get3A_845 = arith.index_cast %add3A_844 : i32 to index
        %get3A_846 = arith.constant 16 : index
        %get3A_847 = tpu.vector_load %arg7[%get3A_845, %get3A_846] {strides = array<i32>} : memref<800x32xf32, #tpu.memory_space<vmem>>, vector<16xf32>,
        %add3A_848 = arith.addf %add3A_832, %get3A_847 : vector<16xf32>
        %mul3A_849 = arith.constant 50 : i32
        %mul3A_850 = arith.muli %scan3A_279, %mul3A_849 : i32
        %add3A_851 = arith.constant 36 : i32
        %add3A_852 = arith.addi %mul3A_850, %add3A_851 : i32
        %get3A_853 = arith.index_cast %add3A_852 : i32 to index
        %get3A_854 = arith.constant 0 : index
        %get3A_855 = tpu.vector_load %arg7[%get3A_853, %get3A_854] {strides = array<i32>} : memref<800x32xf32, #tpu.memory_space<vmem>>, vector<16xf32>,
        %add3A_856 = arith.addf %add3A_840, %get3A_855 : vector<16xf32>
        %mul3A_857 = arith.constant 50 : i32
        %mul3A_858 = arith.muli %scan3A_279, %mul3A_857 : i32
        %add3A_859 = arith.constant 36 : i32
        %add3A_860 = arith.addi %mul3A_858, %add3A_859 : i32
        %get3A_861 = arith.index_cast %add3A_860 : i32 to index
        %get3A_862 = arith.constant 16 : index
        %get3A_863 = tpu.vector_load %arg7[%get3A_861, %get3A_862] {strides = array<i32>} : memref<800x32xf32, #tpu.memory_space<vmem>>, vector<16xf32>,
        %add3A_864 = arith.addf %add3A_848, %get3A_863 : vector<16xf32>
        %mul3A_865 = arith.constant 50 : i32
        %mul3A_866 = arith.muli %scan3A_279, %mul3A_865 : i32
        %add3A_867 = arith.constant 37 : i32
        %add3A_868 = arith.addi %mul3A_866, %add3A_867 : i32
        %get3A_869 = arith.index_cast %add3A_868 : i32 to index
        %get3A_870 = arith.constant 0 : index
        %get3A_871 = tpu.vector_load %arg7[%get3A_869, %get3A_870] {strides = array<i32>} : memref<800x32xf32, #tpu.memory_space<vmem>>, vector<16xf32>,
        %add3A_872 = arith.addf %add3A_856, %get3A_871 : vector<16xf32>
        %mul3A_873 = arith.constant 50 : i32
        %mul3A_874 = arith.muli %scan3A_279, %mul3A_873 : i32
        %add3A_875 = arith.constant 37 : i32
        %add3A_876 = arith.addi %mul3A_874, %add3A_875 : i32
        %get3A_877 = arith.index_cast %add3A_876 : i32 to index
        %get3A_878 = arith.constant 16 : index
        %get3A_879 = tpu.vector_load %arg7[%get3A_877, %get3A_878] {strides = array<i32>} : memref<800x32xf32, #tpu.memory_space<vmem>>, vector<16xf32>,
        %add3A_880 = arith.addf %add3A_864, %get3A_879 : vector<16xf32>
        %mul3A_881 = arith.constant 50 : i32
        %mul3A_882 = arith.muli %scan3A_279, %mul3A_881 : i32
        %add3A_883 = arith.constant 38 : i32
        %add3A_884 = arith.addi %mul3A_882, %add3A_883 : i32
        %get3A_885 = arith.index_cast %add3A_884 : i32 to index
        %get3A_886 = arith.constant 0 : index
        %get3A_887 = tpu.vector_load %arg7[%get3A_885, %get3A_886] {strides = array<i32>} : memref<800x32xf32, #tpu.memory_space<vmem>>, vector<16xf32>,
        %add3A_888 = arith.addf %add3A_872, %get3A_887 : vector<16xf32>
        %mul3A_889 = arith.constant 50 : i32
        %mul3A_890 = arith.muli %scan3A_279, %mul3A_889 : i32
        %add3A_891 = arith.constant 38 : i32
        %add3A_892 = arith.addi %mul3A_890, %add3A_891 : i32
        %get3A_893 = arith.index_cast %add3A_892 : i32 to index
        %get3A_894 = arith.constant 16 : index
        %get3A_895 = tpu.vector_load %arg7[%get3A_893, %get3A_894] {strides = array<i32>} : memref<800x32xf32, #tpu.memory_space<vmem>>, vector<16xf32>,
        %add3A_896 = arith.addf %add3A_880, %get3A_895 : vector<16xf32>
        %mul3A_897 = arith.constant 50 : i32
        %mul3A_898 = arith.muli %scan3A_279, %mul3A_897 : i32
        %add3A_899 = arith.constant 39 : i32
        %add3A_900 = arith.addi %mul3A_898, %add3A_899 : i32
        %get3A_901 = arith.index_cast %add3A_900 : i32 to index
        %get3A_902 = arith.constant 0 : index
        %get3A_903 = tpu.vector_load %arg7[%get3A_901, %get3A_902] {strides = array<i32>} : memref<800x32xf32, #tpu.memory_space<vmem>>, vector<16xf32>,
        %add3A_904 = arith.addf %add3A_888, %get3A_903 : vector<16xf32>
        %mul3A_905 = arith.constant 50 : i32
        %mul3A_906 = arith.muli %scan3A_279, %mul3A_905 : i32
        %add3A_907 = arith.constant 39 : i32
        %add3A_908 = arith.addi %mul3A_906, %add3A_907 : i32
        %get3A_909 = arith.index_cast %add3A_908 : i32 to index
        %get3A_910 = arith.constant 16 : index
        %get3A_911 = tpu.vector_load %arg7[%get3A_909, %get3A_910] {strides = array<i32>} : memref<800x32xf32, #tpu.memory_space<vmem>>, vector<16xf32>,
        %add3A_912 = arith.addf %add3A_896, %get3A_911 : vector<16xf32>
        %mul3A_913 = arith.constant 50 : i32
        %mul3A_914 = arith.muli %scan3A_279, %mul3A_913 : i32
        %add3A_915 = arith.constant 40 : i32
        %add3A_916 = arith.addi %mul3A_914, %add3A_915 : i32
        %get3A_917 = arith.index_cast %add3A_916 : i32 to index
        %get3A_918 = arith.constant 0 : index
        %get3A_919 = tpu.vector_load %arg7[%get3A_917, %get3A_918] {strides = array<i32>} : memref<800x32xf32, #tpu.memory_space<vmem>>, vector<16xf32>,
        %add3A_920 = arith.addf %add3A_904, %get3A_919 : vector<16xf32>
        %mul3A_921 = arith.constant 50 : i32
        %mul3A_922 = arith.muli %scan3A_279, %mul3A_921 : i32
        %add3A_923 = arith.constant 40 : i32
        %add3A_924 = arith.addi %mul3A_922, %add3A_923 : i32
        %get3A_925 = arith.index_cast %add3A_924 : i32 to index
        %get3A_926 = arith.constant 16 : index
        %get3A_927 = tpu.vector_load %arg7[%get3A_925, %get3A_926] {strides = array<i32>} : memref<800x32xf32, #tpu.memory_space<vmem>>, vector<16xf32>,
        %add3A_928 = arith.addf %add3A_912, %get3A_927 : vector<16xf32>
        %mul3A_929 = arith.constant 50 : i32
        %mul3A_930 = arith.muli %scan3A_279, %mul3A_929 : i32
        %add3A_931 = arith.constant 41 : i32
        %add3A_932 = arith.addi %mul3A_930, %add3A_931 : i32
        %get3A_933 = arith.index_cast %add3A_932 : i32 to index
        %get3A_934 = arith.constant 0 : index
        %get3A_935 = tpu.vector_load %arg7[%get3A_933, %get3A_934] {strides = array<i32>} : memref<800x32xf32, #tpu.memory_space<vmem>>, vector<16xf32>,
        %add3A_936 = arith.addf %add3A_920, %get3A_935 : vector<16xf32>
        %mul3A_937 = arith.constant 50 : i32
        %mul3A_938 = arith.muli %scan3A_279, %mul3A_937 : i32
        %add3A_939 = arith.constant 41 : i32
        %add3A_940 = arith.addi %mul3A_938, %add3A_939 : i32
        %get3A_941 = arith.index_cast %add3A_940 : i32 to index
        %get3A_942 = arith.constant 16 : index
        %get3A_943 = tpu.vector_load %arg7[%get3A_941, %get3A_942] {strides = array<i32>} : memref<800x32xf32, #tpu.memory_space<vmem>>, vector<16xf32>,
        %add3A_944 = arith.addf %add3A_928, %get3A_943 : vector<16xf32>
        %mul3A_945 = arith.constant 50 : i32
        %mul3A_946 = arith.muli %scan3A_279, %mul3A_945 : i32
        %add3A_947 = arith.constant 42 : i32
        %add3A_948 = arith.addi %mul3A_946, %add3A_947 : i32
        %get3A_949 = arith.index_cast %add3A_948 : i32 to index
        %get3A_950 = arith.constant 0 : index
        %get3A_951 = tpu.vector_load %arg7[%get3A_949, %get3A_950] {strides = array<i32>} : memref<800x32xf32, #tpu.memory_space<vmem>>, vector<16xf32>,
        %add3A_952 = arith.addf %add3A_936, %get3A_951 : vector<16xf32>
        %mul3A_953 = arith.constant 50 : i32
        %mul3A_954 = arith.muli %scan3A_279, %mul3A_953 : i32
        %add3A_955 = arith.constant 42 : i32
        %add3A_956 = arith.addi %mul3A_954, %add3A_955 : i32
        %get3A_957 = arith.index_cast %add3A_956 : i32 to index
        %get3A_958 = arith.constant 16 : index
        %get3A_959 = tpu.vector_load %arg7[%get3A_957, %get3A_958] {strides = array<i32>} : memref<800x32xf32, #tpu.memory_space<vmem>>, vector<16xf32>,
        %add3A_960 = arith.addf %add3A_944, %get3A_959 : vector<16xf32>
        %mul3A_961 = arith.constant 50 : i32
        %mul3A_962 = arith.muli %scan3A_279, %mul3A_961 : i32
        %add3A_963 = arith.constant 43 : i32
        %add3A_964 = arith.addi %mul3A_962, %add3A_963 : i32
        %get3A_965 = arith.index_cast %add3A_964 : i32 to index
        %get3A_966 = arith.constant 0 : index
        %get3A_967 = tpu.vector_load %arg7[%get3A_965, %get3A_966] {strides = array<i32>} : memref<800x32xf32, #tpu.memory_space<vmem>>, vector<16xf32>,
        %add3A_968 = arith.addf %add3A_952, %get3A_967 : vector<16xf32>
        %mul3A_969 = arith.constant 50 : i32
        %mul3A_970 = arith.muli %scan3A_279, %mul3A_969 : i32
        %add3A_971 = arith.constant 43 : i32
        %add3A_972 = arith.addi %mul3A_970, %add3A_971 : i32
        %get3A_973 = arith.index_cast %add3A_972 : i32 to index
        %get3A_974 = arith.constant 16 : index
        %get3A_975 = tpu.vector_load %arg7[%get3A_973, %get3A_974] {strides = array<i32>} : memref<800x32xf32, #tpu.memory_space<vmem>>, vector<16xf32>,
        %add3A_976 = arith.addf %add3A_960, %get3A_975 : vector<16xf32>
        %mul3A_977 = arith.constant 50 : i32
        %mul3A_978 = arith.muli %scan3A_279, %mul3A_977 : i32
        %add3A_979 = arith.constant 44 : i32
        %add3A_980 = arith.addi %mul3A_978, %add3A_979 : i32
        %get3A_981 = arith.index_cast %add3A_980 : i32 to index
        %get3A_982 = arith.constant 0 : index
        %get3A_983 = tpu.vector_load %arg7[%get3A_981, %get3A_982] {strides = array<i32>} : memref<800x32xf32, #tpu.memory_space<vmem>>, vector<16xf32>,
        %add3A_984 = arith.addf %add3A_968, %get3A_983 : vector<16xf32>
        %mul3A_985 = arith.constant 50 : i32
        %mul3A_986 = arith.muli %scan3A_279, %mul3A_985 : i32
        %add3A_987 = arith.constant 44 : i32
        %add3A_988 = arith.addi %mul3A_986, %add3A_987 : i32
        %get3A_989 = arith.index_cast %add3A_988 : i32 to index
        %get3A_990 = arith.constant 16 : index
        %get3A_991 = tpu.vector_load %arg7[%get3A_989, %get3A_990] {strides = array<i32>} : memref<800x32xf32, #tpu.memory_space<vmem>>, vector<16xf32>,
        %add3A_992 = arith.addf %add3A_976, %get3A_991 : vector<16xf32>
        %mul3A_993 = arith.constant 50 : i32
        %mul3A_994 = arith.muli %scan3A_279, %mul3A_993 : i32
        %add3A_995 = arith.constant 45 : i32
        %add3A_996 = arith.addi %mul3A_994, %add3A_995 : i32
        %get3A_997 = arith.index_cast %add3A_996 : i32 to index
        %get3A_998 = arith.constant 0 : index
        %get3A_999 = tpu.vector_load %arg7[%get3A_997, %get3A_998] {strides = array<i32>} : memref<800x32xf32, #tpu.memory_space<vmem>>, vector<16xf32>,
        %add3A_1000 = arith.addf %add3A_984, %get3A_999 : vector<16xf32>
        %mul3A_1001 = arith.constant 50 : i32
        %mul3A_1002 = arith.muli %scan3A_279, %mul3A_1001 : i32
        %add3A_1003 = arith.constant 45 : i32
        %add3A_1004 = arith.addi %mul3A_1002, %add3A_1003 : i32
        %get3A_1005 = arith.index_cast %add3A_1004 : i32 to index
        %get3A_1006 = arith.constant 16 : index
        %get3A_1007 = tpu.vector_load %arg7[%get3A_1005, %get3A_1006] {strides = array<i32>} : memref<800x32xf32, #tpu.memory_space<vmem>>, vector<16xf32>,
        %add3A_1008 = arith.addf %add3A_992, %get3A_1007 : vector<16xf32>
        %mul3A_1009 = arith.constant 50 : i32
        %mul3A_1010 = arith.muli %scan3A_279, %mul3A_1009 : i32
        %add3A_1011 = arith.constant 46 : i32
        %add3A_1012 = arith.addi %mul3A_1010, %add3A_1011 : i32
        %get3A_1013 = arith.index_cast %add3A_1012 : i32 to index
        %get3A_1014 = arith.constant 0 : index
        %get3A_1015 = tpu.vector_load %arg7[%get3A_1013, %get3A_1014] {strides = array<i32>} : memref<800x32xf32, #tpu.memory_space<vmem>>, vector<16xf32>,
        %add3A_1016 = arith.addf %add3A_1000, %get3A_1015 : vector<16xf32>
        %mul3A_1017 = arith.constant 50 : i32
        %mul3A_1018 = arith.muli %scan3A_279, %mul3A_1017 : i32
        %add3A_1019 = arith.constant 46 : i32
        %add3A_1020 = arith.addi %mul3A_1018, %add3A_1019 : i32
        %get3A_1021 = arith.index_cast %add3A_1020 : i32 to index
        %get3A_1022 = arith.constant 16 : index
        %get3A_1023 = tpu.vector_load %arg7[%get3A_1021, %get3A_1022] {strides = array<i32>} : memref<800x32xf32, #tpu.memory_space<vmem>>, vector<16xf32>,
        %add3A_1024 = arith.addf %add3A_1008, %get3A_1023 : vector<16xf32>
        %mul3A_1025 = arith.constant 50 : i32
        %mul3A_1026 = arith.muli %scan3A_279, %mul3A_1025 : i32
        %add3A_1027 = arith.constant 47 : i32
        %add3A_1028 = arith.addi %mul3A_1026, %add3A_1027 : i32
        %get3A_1029 = arith.index_cast %add3A_1028 : i32 to index
        %get3A_1030 = arith.constant 0 : index
        %get3A_1031 = tpu.vector_load %arg7[%get3A_1029, %get3A_1030] {strides = array<i32>} : memref<800x32xf32, #tpu.memory_space<vmem>>, vector<16xf32>,
        %add3A_1032 = arith.addf %add3A_1016, %get3A_1031 : vector<16xf32>
        %mul3A_1033 = arith.constant 50 : i32
        %mul3A_1034 = arith.muli %scan3A_279, %mul3A_1033 : i32
        %add3A_1035 = arith.constant 47 : i32
        %add3A_1036 = arith.addi %mul3A_1034, %add3A_1035 : i32
        %get3A_1037 = arith.index_cast %add3A_1036 : i32 to index
        %get3A_1038 = arith.constant 16 : index
        %get3A_1039 = tpu.vector_load %arg7[%get3A_1037, %get3A_1038] {strides = array<i32>} : memref<800x32xf32, #tpu.memory_space<vmem>>, vector<16xf32>,
        %add3A_1040 = arith.addf %add3A_1024, %get3A_1039 : vector<16xf32>
        %mul3A_1041 = arith.constant 50 : i32
        %mul3A_1042 = arith.muli %scan3A_279, %mul3A_1041 : i32
        %add3A_1043 = arith.constant 48 : i32
        %add3A_1044 = arith.addi %mul3A_1042, %add3A_1043 : i32
        %get3A_1045 = arith.index_cast %add3A_1044 : i32 to index
        %get3A_1046 = arith.constant 0 : index
        %get3A_1047 = tpu.vector_load %arg7[%get3A_1045, %get3A_1046] {strides = array<i32>} : memref<800x32xf32, #tpu.memory_space<vmem>>, vector<16xf32>,
        %add3A_1048 = arith.addf %add3A_1032, %get3A_1047 : vector<16xf32>
        %mul3A_1049 = arith.constant 50 : i32
        %mul3A_1050 = arith.muli %scan3A_279, %mul3A_1049 : i32
        %add3A_1051 = arith.constant 48 : i32
        %add3A_1052 = arith.addi %mul3A_1050, %add3A_1051 : i32
        %get3A_1053 = arith.index_cast %add3A_1052 : i32 to index
        %get3A_1054 = arith.constant 16 : index
        %get3A_1055 = tpu.vector_load %arg7[%get3A_1053, %get3A_1054] {strides = array<i32>} : memref<800x32xf32, #tpu.memory_space<vmem>>, vector<16xf32>,
        %add3A_1056 = arith.addf %add3A_1040, %get3A_1055 : vector<16xf32>
        %mul3A_1057 = arith.constant 50 : i32
        %mul3A_1058 = arith.muli %scan3A_279, %mul3A_1057 : i32
        %add3A_1059 = arith.constant 49 : i32
        %add3A_1060 = arith.addi %mul3A_1058, %add3A_1059 : i32
        %get3A_1061 = arith.index_cast %add3A_1060 : i32 to index
        %get3A_1062 = arith.constant 0 : index
        %get3A_1063 = tpu.vector_load %arg7[%get3A_1061, %get3A_1062] {strides = array<i32>} : memref<800x32xf32, #tpu.memory_space<vmem>>, vector<16xf32>,
        %add3A_1064 = arith.addf %add3A_1048, %get3A_1063 : vector<16xf32>
        %mul3A_1065 = arith.constant 50 : i32
        %mul3A_1066 = arith.muli %scan3A_279, %mul3A_1065 : i32
        %add3A_1067 = arith.constant 49 : i32
        %add3A_1068 = arith.addi %mul3A_1066, %add3A_1067 : i32
        %get3A_1069 = arith.index_cast %add3A_1068 : i32 to index
        %get3A_1070 = arith.constant 16 : index
        %get3A_1071 = tpu.vector_load %arg7[%get3A_1069, %get3A_1070] {strides = array<i32>} : memref<800x32xf32, #tpu.memory_space<vmem>>, vector<16xf32>,
        %add3A_1072 = arith.addf %add3A_1056, %get3A_1071 : vector<16xf32>
        %mul3A_1073 = arith.constant 16 : i32
        %mul3A_1074 = arith.muli %mul3A_94, %mul3A_1073 : i32
        %add3A_1075 = arith.addi %mul3A_1074, %scan3A_279 : i32
        %swap3A = arith.index_cast %add3A_1075 : i32 to index
        %swap3A_1076 = arith.constant 0 : index
        %swap3A_1077 = tpu.vector_load %arg9[%swap3A, %swap3A_1076] {strides = array<i32>} : memref<512x32xf32, #tpu.memory_space<vmem>>, vector<16xf32>,
        tpu.vector_store %arg9[%swap3A, %swap3A_1076], %add3A_1064 {strides = array<i32>} : memref<512x32xf32, #tpu.memory_space<vmem>>, vector<16xf32>,
        %mul3A_1078 = arith.constant 16 : i32
        %mul3A_1079 = arith.muli %mul3A_94, %mul3A_1078 : i32
        %add3A_1080 = arith.addi %mul3A_1079, %scan3A_279 : i32
        %swap3A_1081 = arith.index_cast %add3A_1080 : i32 to index
        %swap3A_1082 = arith.constant 16 : index
        %swap3A_1083 = tpu.vector_load %arg9[%swap3A_1081, %swap3A_1082] {strides = array<i32>} : memref<512x32xf32, #tpu.memory_space<vmem>>, vector<16xf32>,
        tpu.vector_store %arg9[%swap3A_1081, %swap3A_1082], %add3A_1072 {strides = array<i32>} : memref<512x32xf32, #tpu.memory_space<vmem>>, vector<16xf32>,
      }
      %scan3A_183 = arith.constant 16 : i32
      %add3A_184 = arith.constant 2 : i32
      %add3A_185 = arith.addi %mul3A_94, %add3A_184 : i32
      %lt3A_186 = arith.constant 32 : i32
      %lt3A_187 = arith.cmpi slt, %add3A_185, %lt3A_186 : i32
      %convert_element_type3A_188 = arith.extui %lt3A_187 : i1 to i32
      %cond3A_189 = arith.constant 0 : i32
      %cond3A_190 = arith.cmpi ne, %convert_element_type3A_188, %cond3A_189 : i32
      scf.if %cond3A_190 {
        %add3A_279 = arith.constant 2 : i32
        %add3A_280 = arith.addi %mul3A_94, %add3A_279 : i32
        %mul3A_281 = arith.constant 16 : i32
        %mul3A_282 = arith.muli %add3A_280, %mul3A_281 : i32
        %add3A_283 = arith.addi %multiple_of3A, %mul3A_282 : i32
        %mul3A_284 = arith.constant 50 : i32
        %mul3A_285 = arith.muli %add3A_283, %mul3A_284 : i32
        %multiple_of3A_286 = tpu.assume_multiple %mul3A_285, 800 : i32
        "tpu.region"() ({
          %run_scoped3A = tpu.sem_alloc : memref<!tpu.dma_semaphore, #tpu.memory_space<semaphore_mem>>
          %dma_start3A_367 = tpu.memref_slice %arg3[%multiple_of3A_286] : memref<819200xi32, #tpu.memory_space<hbm>> -> memref<800xi32, #tpu.memory_space<hbm>>
          %dma_start3A_368 = tpu.memref_slice %arg3[%multiple_of3A_286] : memref<819200xi32, #tpu.memory_space<hbm>> -> memref<800xi32, #tpu.memory_space<hbm>>
          tpu.enqueue_dma source(%dma_start3A_368 : memref<800xi32, #tpu.memory_space<hbm>>) target(%arg5 : memref<800xi32, #tpu.memory_space<vmem>>) target_semaphore(%run_scoped3A : memref<!tpu.dma_semaphore, #tpu.memory_space<semaphore_mem>>)
          %dma_wait3A_369 = tpu.memref_slice %arg3[%multiple_of3A_286] : memref<819200xi32, #tpu.memory_space<hbm>> -> memref<800xi32, #tpu.memory_space<hbm>>
          %dma_wait3A_370 = tpu.memref_slice %arg3[%multiple_of3A_286] : memref<819200xi32, #tpu.memory_space<hbm>> -> memref<800xi32, #tpu.memory_space<hbm>>
          tpu.wait_dma2 semaphore(%run_scoped3A : memref<!tpu.dma_semaphore, #tpu.memory_space<semaphore_mem>>) src(%dma_wait3A_370 : memref<800xi32, #tpu.memory_space<hbm>>) dst(%arg5 : memref<800xi32, #tpu.memory_space<vmem>>)
          tpu.yield
        }) : () -> ()
        %dma_start3A_287 = arith.constant 0 : i32
        %dma_start3A_288 = arith.constant 0 : i32
        %dma_start3A_289 = tpu.memref_slice %arg7[%dma_start3A_287, %dma_start3A_288] : memref<800x32xf32, #tpu.memory_space<vmem>> -> memref<80x32xf32, #tpu.memory_space<vmem>>
        %dma_start3A_290 = arith.constant 0 : i32
        %dma_start3A_291 = tpu.memref_slice %arg5[%dma_start3A_290] : memref<800xi32, #tpu.memory_space<vmem>> -> memref<80xi32, #tpu.memory_space<vmem>>
        %dma_start3A_292 = arith.constant 0 : i32
        %dma_start3A_293 = arith.constant 0 : i32
        %dma_start3A_294 = tpu.memref_slice %arg2[%dma_start3A_292, %dma_start3A_293] : memref<1000000x32xf32, #tpu.memory_space<hbm>> -> memref<1000000x32xf32, #tpu.memory_space<hbm>>
        tpu.enqueue_indirect_dma source(%dma_start3A_294 : memref<1000000x32xf32, #tpu.memory_space<hbm>>) target(%dma_start3A_289 : memref<80x32xf32, #tpu.memory_space<vmem>>) offsets(%dma_start3A_291 : memref<80xi32, #tpu.memory_space<vmem>>) semaphore(%arg10 : memref<!tpu.dma_semaphore, #tpu.memory_space<semaphore_mem>>)
        %dma_start3A_295 = arith.constant 80 : i32
        %dma_start3A_296 = arith.constant 0 : i32
        %dma_start3A_297 = tpu.memref_slice %arg7[%dma_start3A_295, %dma_start3A_296] : memref<800x32xf32, #tpu.memory_space<vmem>> -> memref<80x32xf32, #tpu.memory_space<vmem>>
        %dma_start3A_298 = arith.constant 80 : i32
        %dma_start3A_299 = tpu.memref_slice %arg5[%dma_start3A_298] : memref<800xi32, #tpu.memory_space<vmem>> -> memref<80xi32, #tpu.memory_space<vmem>>
        %dma_start3A_300 = arith.constant 0 : i32
        %dma_start3A_301 = arith.constant 0 : i32
        %dma_start3A_302 = tpu.memref_slice %arg2[%dma_start3A_300, %dma_start3A_301] : memref<1000000x32xf32, #tpu.memory_space<hbm>> -> memref<1000000x32xf32, #tpu.memory_space<hbm>>
        tpu.enqueue_indirect_dma source(%dma_start3A_302 : memref<1000000x32xf32, #tpu.memory_space<hbm>>) target(%dma_start3A_297 : memref<80x32xf32, #tpu.memory_space<vmem>>) offsets(%dma_start3A_299 : memref<80xi32, #tpu.memory_space<vmem>>) semaphore(%arg10 : memref<!tpu.dma_semaphore, #tpu.memory_space<semaphore_mem>>)
        %dma_start3A_303 = arith.constant 160 : i32
        %dma_start3A_304 = arith.constant 0 : i32
        %dma_start3A_305 = tpu.memref_slice %arg7[%dma_start3A_303, %dma_start3A_304] : memref<800x32xf32, #tpu.memory_space<vmem>> -> memref<80x32xf32, #tpu.memory_space<vmem>>
        %dma_start3A_306 = arith.constant 160 : i32
        %dma_start3A_307 = tpu.memref_slice %arg5[%dma_start3A_306] : memref<800xi32, #tpu.memory_space<vmem>> -> memref<80xi32, #tpu.memory_space<vmem>>
        %dma_start3A_308 = arith.constant 0 : i32
        %dma_start3A_309 = arith.constant 0 : i32
        %dma_start3A_310 = tpu.memref_slice %arg2[%dma_start3A_308, %dma_start3A_309] : memref<1000000x32xf32, #tpu.memory_space<hbm>> -> memref<1000000x32xf32, #tpu.memory_space<hbm>>
        tpu.enqueue_indirect_dma source(%dma_start3A_310 : memref<1000000x32xf32, #tpu.memory_space<hbm>>) target(%dma_start3A_305 : memref<80x32xf32, #tpu.memory_space<vmem>>) offsets(%dma_start3A_307 : memref<80xi32, #tpu.memory_space<vmem>>) semaphore(%arg10 : memref<!tpu.dma_semaphore, #tpu.memory_space<semaphore_mem>>)
        %dma_start3A_311 = arith.constant 240 : i32
        %dma_start3A_312 = arith.constant 0 : i32
        %dma_start3A_313 = tpu.memref_slice %arg7[%dma_start3A_311, %dma_start3A_312] : memref<800x32xf32, #tpu.memory_space<vmem>> -> memref<80x32xf32, #tpu.memory_space<vmem>>
        %dma_start3A_314 = arith.constant 240 : i32
        %dma_start3A_315 = tpu.memref_slice %arg5[%dma_start3A_314] : memref<800xi32, #tpu.memory_space<vmem>> -> memref<80xi32, #tpu.memory_space<vmem>>
        %dma_start3A_316 = arith.constant 0 : i32
        %dma_start3A_317 = arith.constant 0 : i32
        %dma_start3A_318 = tpu.memref_slice %arg2[%dma_start3A_316, %dma_start3A_317] : memref<1000000x32xf32, #tpu.memory_space<hbm>> -> memref<1000000x32xf32, #tpu.memory_space<hbm>>
        tpu.enqueue_indirect_dma source(%dma_start3A_318 : memref<1000000x32xf32, #tpu.memory_space<hbm>>) target(%dma_start3A_313 : memref<80x32xf32, #tpu.memory_space<vmem>>) offsets(%dma_start3A_315 : memref<80xi32, #tpu.memory_space<vmem>>) semaphore(%arg10 : memref<!tpu.dma_semaphore, #tpu.memory_space<semaphore_mem>>)
        %dma_start3A_319 = arith.constant 320 : i32
        %dma_start3A_320 = arith.constant 0 : i32
        %dma_start3A_321 = tpu.memref_slice %arg7[%dma_start3A_319, %dma_start3A_320] : memref<800x32xf32, #tpu.memory_space<vmem>> -> memref<80x32xf32, #tpu.memory_space<vmem>>
        %dma_start3A_322 = arith.constant 320 : i32
        %dma_start3A_323 = tpu.memref_slice %arg5[%dma_start3A_322] : memref<800xi32, #tpu.memory_space<vmem>> -> memref<80xi32, #tpu.memory_space<vmem>>
        %dma_start3A_324 = arith.constant 0 : i32
        %dma_start3A_325 = arith.constant 0 : i32
        %dma_start3A_326 = tpu.memref_slice %arg2[%dma_start3A_324, %dma_start3A_325] : memref<1000000x32xf32, #tpu.memory_space<hbm>> -> memref<1000000x32xf32, #tpu.memory_space<hbm>>
        tpu.enqueue_indirect_dma source(%dma_start3A_326 : memref<1000000x32xf32, #tpu.memory_space<hbm>>) target(%dma_start3A_321 : memref<80x32xf32, #tpu.memory_space<vmem>>) offsets(%dma_start3A_323 : memref<80xi32, #tpu.memory_space<vmem>>) semaphore(%arg10 : memref<!tpu.dma_semaphore, #tpu.memory_space<semaphore_mem>>)
        %dma_start3A_327 = arith.constant 400 : i32
        %dma_start3A_328 = arith.constant 0 : i32
        %dma_start3A_329 = tpu.memref_slice %arg7[%dma_start3A_327, %dma_start3A_328] : memref<800x32xf32, #tpu.memory_space<vmem>> -> memref<80x32xf32, #tpu.memory_space<vmem>>
        %dma_start3A_330 = arith.constant 400 : i32
        %dma_start3A_331 = tpu.memref_slice %arg5[%dma_start3A_330] : memref<800xi32, #tpu.memory_space<vmem>> -> memref<80xi32, #tpu.memory_space<vmem>>
        %dma_start3A_332 = arith.constant 0 : i32
        %dma_start3A_333 = arith.constant 0 : i32
        %dma_start3A_334 = tpu.memref_slice %arg2[%dma_start3A_332, %dma_start3A_333] : memref<1000000x32xf32, #tpu.memory_space<hbm>> -> memref<1000000x32xf32, #tpu.memory_space<hbm>>
        tpu.enqueue_indirect_dma source(%dma_start3A_334 : memref<1000000x32xf32, #tpu.memory_space<hbm>>) target(%dma_start3A_329 : memref<80x32xf32, #tpu.memory_space<vmem>>) offsets(%dma_start3A_331 : memref<80xi32, #tpu.memory_space<vmem>>) semaphore(%arg10 : memref<!tpu.dma_semaphore, #tpu.memory_space<semaphore_mem>>)
        %dma_start3A_335 = arith.constant 480 : i32
        %dma_start3A_336 = arith.constant 0 : i32
        %dma_start3A_337 = tpu.memref_slice %arg7[%dma_start3A_335, %dma_start3A_336] : memref<800x32xf32, #tpu.memory_space<vmem>> -> memref<80x32xf32, #tpu.memory_space<vmem>>
        %dma_start3A_338 = arith.constant 480 : i32
        %dma_start3A_339 = tpu.memref_slice %arg5[%dma_start3A_338] : memref<800xi32, #tpu.memory_space<vmem>> -> memref<80xi32, #tpu.memory_space<vmem>>
        %dma_start3A_340 = arith.constant 0 : i32
        %dma_start3A_341 = arith.constant 0 : i32
        %dma_start3A_342 = tpu.memref_slice %arg2[%dma_start3A_340, %dma_start3A_341] : memref<1000000x32xf32, #tpu.memory_space<hbm>> -> memref<1000000x32xf32, #tpu.memory_space<hbm>>
        tpu.enqueue_indirect_dma source(%dma_start3A_342 : memref<1000000x32xf32, #tpu.memory_space<hbm>>) target(%dma_start3A_337 : memref<80x32xf32, #tpu.memory_space<vmem>>) offsets(%dma_start3A_339 : memref<80xi32, #tpu.memory_space<vmem>>) semaphore(%arg10 : memref<!tpu.dma_semaphore, #tpu.memory_space<semaphore_mem>>)
        %dma_start3A_343 = arith.constant 560 : i32
        %dma_start3A_344 = arith.constant 0 : i32
        %dma_start3A_345 = tpu.memref_slice %arg7[%dma_start3A_343, %dma_start3A_344] : memref<800x32xf32, #tpu.memory_space<vmem>> -> memref<80x32xf32, #tpu.memory_space<vmem>>
        %dma_start3A_346 = arith.constant 560 : i32
        %dma_start3A_347 = tpu.memref_slice %arg5[%dma_start3A_346] : memref<800xi32, #tpu.memory_space<vmem>> -> memref<80xi32, #tpu.memory_space<vmem>>
        %dma_start3A_348 = arith.constant 0 : i32
        %dma_start3A_349 = arith.constant 0 : i32
        %dma_start3A_350 = tpu.memref_slice %arg2[%dma_start3A_348, %dma_start3A_349] : memref<1000000x32xf32, #tpu.memory_space<hbm>> -> memref<1000000x32xf32, #tpu.memory_space<hbm>>
        tpu.enqueue_indirect_dma source(%dma_start3A_350 : memref<1000000x32xf32, #tpu.memory_space<hbm>>) target(%dma_start3A_345 : memref<80x32xf32, #tpu.memory_space<vmem>>) offsets(%dma_start3A_347 : memref<80xi32, #tpu.memory_space<vmem>>) semaphore(%arg10 : memref<!tpu.dma_semaphore, #tpu.memory_space<semaphore_mem>>)
        %dma_start3A_351 = arith.constant 640 : i32
        %dma_start3A_352 = arith.constant 0 : i32
        %dma_start3A_353 = tpu.memref_slice %arg7[%dma_start3A_351, %dma_start3A_352] : memref<800x32xf32, #tpu.memory_space<vmem>> -> memref<80x32xf32, #tpu.memory_space<vmem>>
        %dma_start3A_354 = arith.constant 640 : i32
        %dma_start3A_355 = tpu.memref_slice %arg5[%dma_start3A_354] : memref<800xi32, #tpu.memory_space<vmem>> -> memref<80xi32, #tpu.memory_space<vmem>>
        %dma_start3A_356 = arith.constant 0 : i32
        %dma_start3A_357 = arith.constant 0 : i32
        %dma_start3A_358 = tpu.memref_slice %arg2[%dma_start3A_356, %dma_start3A_357] : memref<1000000x32xf32, #tpu.memory_space<hbm>> -> memref<1000000x32xf32, #tpu.memory_space<hbm>>
        tpu.enqueue_indirect_dma source(%dma_start3A_358 : memref<1000000x32xf32, #tpu.memory_space<hbm>>) target(%dma_start3A_353 : memref<80x32xf32, #tpu.memory_space<vmem>>) offsets(%dma_start3A_355 : memref<80xi32, #tpu.memory_space<vmem>>) semaphore(%arg10 : memref<!tpu.dma_semaphore, #tpu.memory_space<semaphore_mem>>)
        %dma_start3A_359 = arith.constant 720 : i32
        %dma_start3A_360 = arith.constant 0 : i32
        %dma_start3A_361 = tpu.memref_slice %arg7[%dma_start3A_359, %dma_start3A_360] : memref<800x32xf32, #tpu.memory_space<vmem>> -> memref<80x32xf32, #tpu.memory_space<vmem>>
        %dma_start3A_362 = arith.constant 720 : i32
        %dma_start3A_363 = tpu.memref_slice %arg5[%dma_start3A_362] : memref<800xi32, #tpu.memory_space<vmem>> -> memref<80xi32, #tpu.memory_space<vmem>>
        %dma_start3A_364 = arith.constant 0 : i32
        %dma_start3A_365 = arith.constant 0 : i32
        %dma_start3A_366 = tpu.memref_slice %arg2[%dma_start3A_364, %dma_start3A_365] : memref<1000000x32xf32, #tpu.memory_space<hbm>> -> memref<1000000x32xf32, #tpu.memory_space<hbm>>
        tpu.enqueue_indirect_dma source(%dma_start3A_366 : memref<1000000x32xf32, #tpu.memory_space<hbm>>) target(%dma_start3A_361 : memref<80x32xf32, #tpu.memory_space<vmem>>) offsets(%dma_start3A_363 : memref<80xi32, #tpu.memory_space<vmem>>) semaphore(%arg10 : memref<!tpu.dma_semaphore, #tpu.memory_space<semaphore_mem>>)
      } else {
      }
      %dma_wait3A_191 = arith.constant 0 : i32
      %dma_wait3A_192 = arith.constant 0 : i32
      %dma_wait3A_193 = tpu.memref_slice %arg8[%dma_wait3A_191, %dma_wait3A_192] : memref<800x32xf32, #tpu.memory_space<vmem>> -> memref<80x32xf32, #tpu.memory_space<vmem>>
      %dma_wait3A_194 = arith.constant 0 : i32
      %dma_wait3A_195 = tpu.memref_slice %arg6[%dma_wait3A_194] : memref<800xi32, #tpu.memory_space<vmem>> -> memref<80xi32, #tpu.memory_space<vmem>>
      %dma_wait3A_196 = arith.constant 0 : i32
      %dma_wait3A_197 = arith.constant 0 : i32
      %dma_wait3A_198 = tpu.memref_slice %arg2[%dma_wait3A_196, %dma_wait3A_197] : memref<1000000x32xf32, #tpu.memory_space<hbm>> -> memref<1000000x32xf32, #tpu.memory_space<hbm>>
      tpu.wait_indirect_dma semaphore(%arg11 : memref<!tpu.dma_semaphore, #tpu.memory_space<semaphore_mem>>) src(%dma_wait3A_198 : memref<1000000x32xf32, #tpu.memory_space<hbm>>) dst(%dma_wait3A_193 : memref<80x32xf32, #tpu.memory_space<vmem>>)
      %dma_wait3A_199 = arith.constant 80 : i32
      %dma_wait3A_200 = arith.constant 0 : i32
      %dma_wait3A_201 = tpu.memref_slice %arg8[%dma_wait3A_199, %dma_wait3A_200] : memref<800x32xf32, #tpu.memory_space<vmem>> -> memref<80x32xf32, #tpu.memory_space<vmem>>
      %dma_wait3A_202 = arith.constant 80 : i32
      %dma_wait3A_203 = tpu.memref_slice %arg6[%dma_wait3A_202] : memref<800xi32, #tpu.memory_space<vmem>> -> memref<80xi32, #tpu.memory_space<vmem>>
      %dma_wait3A_204 = arith.constant 0 : i32
      %dma_wait3A_205 = arith.constant 0 : i32
      %dma_wait3A_206 = tpu.memref_slice %arg2[%dma_wait3A_204, %dma_wait3A_205] : memref<1000000x32xf32, #tpu.memory_space<hbm>> -> memref<1000000x32xf32, #tpu.memory_space<hbm>>
      tpu.wait_indirect_dma semaphore(%arg11 : memref<!tpu.dma_semaphore, #tpu.memory_space<semaphore_mem>>) src(%dma_wait3A_206 : memref<1000000x32xf32, #tpu.memory_space<hbm>>) dst(%dma_wait3A_201 : memref<80x32xf32, #tpu.memory_space<vmem>>)
      %dma_wait3A_207 = arith.constant 160 : i32
      %dma_wait3A_208 = arith.constant 0 : i32
      %dma_wait3A_209 = tpu.memref_slice %arg8[%dma_wait3A_207, %dma_wait3A_208] : memref<800x32xf32, #tpu.memory_space<vmem>> -> memref<80x32xf32, #tpu.memory_space<vmem>>
      %dma_wait3A_210 = arith.constant 160 : i32
      %dma_wait3A_211 = tpu.memref_slice %arg6[%dma_wait3A_210] : memref<800xi32, #tpu.memory_space<vmem>> -> memref<80xi32, #tpu.memory_space<vmem>>
      %dma_wait3A_212 = arith.constant 0 : i32
      %dma_wait3A_213 = arith.constant 0 : i32
      %dma_wait3A_214 = tpu.memref_slice %arg2[%dma_wait3A_212, %dma_wait3A_213] : memref<1000000x32xf32, #tpu.memory_space<hbm>> -> memref<1000000x32xf32, #tpu.memory_space<hbm>>
      tpu.wait_indirect_dma semaphore(%arg11 : memref<!tpu.dma_semaphore, #tpu.memory_space<semaphore_mem>>) src(%dma_wait3A_214 : memref<1000000x32xf32, #tpu.memory_space<hbm>>) dst(%dma_wait3A_209 : memref<80x32xf32, #tpu.memory_space<vmem>>)
      %dma_wait3A_215 = arith.constant 240 : i32
      %dma_wait3A_216 = arith.constant 0 : i32
      %dma_wait3A_217 = tpu.memref_slice %arg8[%dma_wait3A_215, %dma_wait3A_216] : memref<800x32xf32, #tpu.memory_space<vmem>> -> memref<80x32xf32, #tpu.memory_space<vmem>>
      %dma_wait3A_218 = arith.constant 240 : i32
      %dma_wait3A_219 = tpu.memref_slice %arg6[%dma_wait3A_218] : memref<800xi32, #tpu.memory_space<vmem>> -> memref<80xi32, #tpu.memory_space<vmem>>
      %dma_wait3A_220 = arith.constant 0 : i32
      %dma_wait3A_221 = arith.constant 0 : i32
      %dma_wait3A_222 = tpu.memref_slice %arg2[%dma_wait3A_220, %dma_wait3A_221] : memref<1000000x32xf32, #tpu.memory_space<hbm>> -> memref<1000000x32xf32, #tpu.memory_space<hbm>>
      tpu.wait_indirect_dma semaphore(%arg11 : memref<!tpu.dma_semaphore, #tpu.memory_space<semaphore_mem>>) src(%dma_wait3A_222 : memref<1000000x32xf32, #tpu.memory_space<hbm>>) dst(%dma_wait3A_217 : memref<80x32xf32, #tpu.memory_space<vmem>>)
      %dma_wait3A_223 = arith.constant 320 : i32
      %dma_wait3A_224 = arith.constant 0 : i32
      %dma_wait3A_225 = tpu.memref_slice %arg8[%dma_wait3A_223, %dma_wait3A_224] : memref<800x32xf32, #tpu.memory_space<vmem>> -> memref<80x32xf32, #tpu.memory_space<vmem>>
      %dma_wait3A_226 = arith.constant 320 : i32
      %dma_wait3A_227 = tpu.memref_slice %arg6[%dma_wait3A_226] : memref<800xi32, #tpu.memory_space<vmem>> -> memref<80xi32, #tpu.memory_space<vmem>>
      %dma_wait3A_228 = arith.constant 0 : i32
      %dma_wait3A_229 = arith.constant 0 : i32
      %dma_wait3A_230 = tpu.memref_slice %arg2[%dma_wait3A_228, %dma_wait3A_229] : memref<1000000x32xf32, #tpu.memory_space<hbm>> -> memref<1000000x32xf32, #tpu.memory_space<hbm>>
      tpu.wait_indirect_dma semaphore(%arg11 : memref<!tpu.dma_semaphore, #tpu.memory_space<semaphore_mem>>) src(%dma_wait3A_230 : memref<1000000x32xf32, #tpu.memory_space<hbm>>) dst(%dma_wait3A_225 : memref<80x32xf32, #tpu.memory_space<vmem>>)
      %dma_wait3A_231 = arith.constant 400 : i32
      %dma_wait3A_232 = arith.constant 0 : i32
      %dma_wait3A_233 = tpu.memref_slice %arg8[%dma_wait3A_231, %dma_wait3A_232] : memref<800x32xf32, #tpu.memory_space<vmem>> -> memref<80x32xf32, #tpu.memory_space<vmem>>
      %dma_wait3A_234 = arith.constant 400 : i32
      %dma_wait3A_235 = tpu.memref_slice %arg6[%dma_wait3A_234] : memref<800xi32, #tpu.memory_space<vmem>> -> memref<80xi32, #tpu.memory_space<vmem>>
      %dma_wait3A_236 = arith.constant 0 : i32
      %dma_wait3A_237 = arith.constant 0 : i32
      %dma_wait3A_238 = tpu.memref_slice %arg2[%dma_wait3A_236, %dma_wait3A_237] : memref<1000000x32xf32, #tpu.memory_space<hbm>> -> memref<1000000x32xf32, #tpu.memory_space<hbm>>
      tpu.wait_indirect_dma semaphore(%arg11 : memref<!tpu.dma_semaphore, #tpu.memory_space<semaphore_mem>>) src(%dma_wait3A_238 : memref<1000000x32xf32, #tpu.memory_space<hbm>>) dst(%dma_wait3A_233 : memref<80x32xf32, #tpu.memory_space<vmem>>)
      %dma_wait3A_239 = arith.constant 480 : i32
      %dma_wait3A_240 = arith.constant 0 : i32
      %dma_wait3A_241 = tpu.memref_slice %arg8[%dma_wait3A_239, %dma_wait3A_240] : memref<800x32xf32, #tpu.memory_space<vmem>> -> memref<80x32xf32, #tpu.memory_space<vmem>>
      %dma_wait3A_242 = arith.constant 480 : i32
      %dma_wait3A_243 = tpu.memref_slice %arg6[%dma_wait3A_242] : memref<800xi32, #tpu.memory_space<vmem>> -> memref<80xi32, #tpu.memory_space<vmem>>
      %dma_wait3A_244 = arith.constant 0 : i32
      %dma_wait3A_245 = arith.constant 0 : i32
      %dma_wait3A_246 = tpu.memref_slice %arg2[%dma_wait3A_244, %dma_wait3A_245] : memref<1000000x32xf32, #tpu.memory_space<hbm>> -> memref<1000000x32xf32, #tpu.memory_space<hbm>>
      tpu.wait_indirect_dma semaphore(%arg11 : memref<!tpu.dma_semaphore, #tpu.memory_space<semaphore_mem>>) src(%dma_wait3A_246 : memref<1000000x32xf32, #tpu.memory_space<hbm>>) dst(%dma_wait3A_241 : memref<80x32xf32, #tpu.memory_space<vmem>>)
      %dma_wait3A_247 = arith.constant 560 : i32
      %dma_wait3A_248 = arith.constant 0 : i32
      %dma_wait3A_249 = tpu.memref_slice %arg8[%dma_wait3A_247, %dma_wait3A_248] : memref<800x32xf32, #tpu.memory_space<vmem>> -> memref<80x32xf32, #tpu.memory_space<vmem>>
      %dma_wait3A_250 = arith.constant 560 : i32
      %dma_wait3A_251 = tpu.memref_slice %arg6[%dma_wait3A_250] : memref<800xi32, #tpu.memory_space<vmem>> -> memref<80xi32, #tpu.memory_space<vmem>>
      %dma_wait3A_252 = arith.constant 0 : i32
      %dma_wait3A_253 = arith.constant 0 : i32
      %dma_wait3A_254 = tpu.memref_slice %arg2[%dma_wait3A_252, %dma_wait3A_253] : memref<1000000x32xf32, #tpu.memory_space<hbm>> -> memref<1000000x32xf32, #tpu.memory_space<hbm>>
      tpu.wait_indirect_dma semaphore(%arg11 : memref<!tpu.dma_semaphore, #tpu.memory_space<semaphore_mem>>) src(%dma_wait3A_254 : memref<1000000x32xf32, #tpu.memory_space<hbm>>) dst(%dma_wait3A_249 : memref<80x32xf32, #tpu.memory_space<vmem>>)
      %dma_wait3A_255 = arith.constant 640 : i32
      %dma_wait3A_256 = arith.constant 0 : i32
      %dma_wait3A_257 = tpu.memref_slice %arg8[%dma_wait3A_255, %dma_wait3A_256] : memref<800x32xf32, #tpu.memory_space<vmem>> -> memref<80x32xf32, #tpu.memory_space<vmem>>
      %dma_wait3A_258 = arith.constant 640 : i32
      %dma_wait3A_259 = tpu.memref_slice %arg6[%dma_wait3A_258] : memref<800xi32, #tpu.memory_space<vmem>> -> memref<80xi32, #tpu.memory_space<vmem>>
      %dma_wait3A_260 = arith.constant 0 : i32
      %dma_wait3A_261 = arith.constant 0 : i32
      %dma_wait3A_262 = tpu.memref_slice %arg2[%dma_wait3A_260, %dma_wait3A_261] : memref<1000000x32xf32, #tpu.memory_space<hbm>> -> memref<1000000x32xf32, #tpu.memory_space<hbm>>
      tpu.wait_indirect_dma semaphore(%arg11 : memref<!tpu.dma_semaphore, #tpu.memory_space<semaphore_mem>>) src(%dma_wait3A_262 : memref<1000000x32xf32, #tpu.memory_space<hbm>>) dst(%dma_wait3A_257 : memref<80x32xf32, #tpu.memory_space<vmem>>)
      %dma_wait3A_263 = arith.constant 720 : i32
      %dma_wait3A_264 = arith.constant 0 : i32
      %dma_wait3A_265 = tpu.memref_slice %arg8[%dma_wait3A_263, %dma_wait3A_264] : memref<800x32xf32, #tpu.memory_space<vmem>> -> memref<80x32xf32, #tpu.memory_space<vmem>>
      %dma_wait3A_266 = arith.constant 720 : i32
      %dma_wait3A_267 = tpu.memref_slice %arg6[%dma_wait3A_266] : memref<800xi32, #tpu.memory_space<vmem>> -> memref<80xi32, #tpu.memory_space<vmem>>
      %dma_wait3A_268 = arith.constant 0 : i32
      %dma_wait3A_269 = arith.constant 0 : i32
      %dma_wait3A_270 = tpu.memref_slice %arg2[%dma_wait3A_268, %dma_wait3A_269] : memref<1000000x32xf32, #tpu.memory_space<hbm>> -> memref<1000000x32xf32, #tpu.memory_space<hbm>>
      tpu.wait_indirect_dma semaphore(%arg11 : memref<!tpu.dma_semaphore, #tpu.memory_space<semaphore_mem>>) src(%dma_wait3A_270 : memref<1000000x32xf32, #tpu.memory_space<hbm>>) dst(%dma_wait3A_265 : memref<80x32xf32, #tpu.memory_space<vmem>>)
      %add3A_271 = arith.constant 1 : i32
      %add3A_272 = arith.addi %mul3A_94, %add3A_271 : i32
      %scan3A_273 = arith.constant 0 : i32
      %scan3A_274 = arith.constant 0 : i32
      %scan3A_275 = arith.constant 16 : i32
      %scan3A_276 = arith.addi %scan3A_274, %scan3A_275 : i32
      %scan3A_277 = arith.constant 1 : i32
      scf.for %scan3A_279 = %scan3A_274 to %scan3A_276 step %scan3A_277  : i32 {
        %mul3A_280 = arith.constant 50 : i32
        %mul3A_281 = arith.muli %scan3A_279, %mul3A_280 : i32
        %get3A = arith.index_cast %mul3A_281 : i32 to index
        %get3A_282 = arith.constant 0 : index
        %get3A_283 = tpu.vector_load %arg8[%get3A, %get3A_282] {strides = array<i32>} : memref<800x32xf32, #tpu.memory_space<vmem>>, vector<16xf32>,
        %mul3A_284 = arith.constant 50 : i32
        %mul3A_285 = arith.muli %scan3A_279, %mul3A_284 : i32
        %get3A_286 = arith.index_cast %mul3A_285 : i32 to index
        %get3A_287 = arith.constant 16 : index
        %get3A_288 = tpu.vector_load %arg8[%get3A_286, %get3A_287] {strides = array<i32>} : memref<800x32xf32, #tpu.memory_space<vmem>>, vector<16xf32>,
        %mul3A_289 = arith.constant 50 : i32
        %mul3A_290 = arith.muli %scan3A_279, %mul3A_289 : i32
        %add3A_291 = arith.constant 1 : i32
        %add3A_292 = arith.addi %mul3A_290, %add3A_291 : i32
        %get3A_293 = arith.index_cast %add3A_292 : i32 to index
        %get3A_294 = arith.constant 0 : index
        %get3A_295 = tpu.vector_load %arg8[%get3A_293, %get3A_294] {strides = array<i32>} : memref<800x32xf32, #tpu.memory_space<vmem>>, vector<16xf32>,
        %add3A_296 = arith.addf %get3A_283, %get3A_295 : vector<16xf32>
        %mul3A_297 = arith.constant 50 : i32
        %mul3A_298 = arith.muli %scan3A_279, %mul3A_297 : i32
        %add3A_299 = arith.constant 1 : i32
        %add3A_300 = arith.addi %mul3A_298, %add3A_299 : i32
        %get3A_301 = arith.index_cast %add3A_300 : i32 to index
        %get3A_302 = arith.constant 16 : index
        %get3A_303 = tpu.vector_load %arg8[%get3A_301, %get3A_302] {strides = array<i32>} : memref<800x32xf32, #tpu.memory_space<vmem>>, vector<16xf32>,
        %add3A_304 = arith.addf %get3A_288, %get3A_303 : vector<16xf32>
        %mul3A_305 = arith.constant 50 : i32
        %mul3A_306 = arith.muli %scan3A_279, %mul3A_305 : i32
        %add3A_307 = arith.constant 2 : i32
        %add3A_308 = arith.addi %mul3A_306, %add3A_307 : i32
        %get3A_309 = arith.index_cast %add3A_308 : i32 to index
        %get3A_310 = arith.constant 0 : index
        %get3A_311 = tpu.vector_load %arg8[%get3A_309, %get3A_310] {strides = array<i32>} : memref<800x32xf32, #tpu.memory_space<vmem>>, vector<16xf32>,
        %add3A_312 = arith.addf %add3A_296, %get3A_311 : vector<16xf32>
        %mul3A_313 = arith.constant 50 : i32
        %mul3A_314 = arith.muli %scan3A_279, %mul3A_313 : i32
        %add3A_315 = arith.constant 2 : i32
        %add3A_316 = arith.addi %mul3A_314, %add3A_315 : i32
        %get3A_317 = arith.index_cast %add3A_316 : i32 to index
        %get3A_318 = arith.constant 16 : index
        %get3A_319 = tpu.vector_load %arg8[%get3A_317, %get3A_318] {strides = array<i32>} : memref<800x32xf32, #tpu.memory_space<vmem>>, vector<16xf32>,
        %add3A_320 = arith.addf %add3A_304, %get3A_319 : vector<16xf32>
        %mul3A_321 = arith.constant 50 : i32
        %mul3A_322 = arith.muli %scan3A_279, %mul3A_321 : i32
        %add3A_323 = arith.constant 3 : i32
        %add3A_324 = arith.addi %mul3A_322, %add3A_323 : i32
        %get3A_325 = arith.index_cast %add3A_324 : i32 to index
        %get3A_326 = arith.constant 0 : index
        %get3A_327 = tpu.vector_load %arg8[%get3A_325, %get3A_326] {strides = array<i32>} : memref<800x32xf32, #tpu.memory_space<vmem>>, vector<16xf32>,
        %add3A_328 = arith.addf %add3A_312, %get3A_327 : vector<16xf32>
        %mul3A_329 = arith.constant 50 : i32
        %mul3A_330 = arith.muli %scan3A_279, %mul3A_329 : i32
        %add3A_331 = arith.constant 3 : i32
        %add3A_332 = arith.addi %mul3A_330, %add3A_331 : i32
        %get3A_333 = arith.index_cast %add3A_332 : i32 to index
        %get3A_334 = arith.constant 16 : index
        %get3A_335 = tpu.vector_load %arg8[%get3A_333, %get3A_334] {strides = array<i32>} : memref<800x32xf32, #tpu.memory_space<vmem>>, vector<16xf32>,
        %add3A_336 = arith.addf %add3A_320, %get3A_335 : vector<16xf32>
        %mul3A_337 = arith.constant 50 : i32
        %mul3A_338 = arith.muli %scan3A_279, %mul3A_337 : i32
        %add3A_339 = arith.constant 4 : i32
        %add3A_340 = arith.addi %mul3A_338, %add3A_339 : i32
        %get3A_341 = arith.index_cast %add3A_340 : i32 to index
        %get3A_342 = arith.constant 0 : index
        %get3A_343 = tpu.vector_load %arg8[%get3A_341, %get3A_342] {strides = array<i32>} : memref<800x32xf32, #tpu.memory_space<vmem>>, vector<16xf32>,
        %add3A_344 = arith.addf %add3A_328, %get3A_343 : vector<16xf32>
        %mul3A_345 = arith.constant 50 : i32
        %mul3A_346 = arith.muli %scan3A_279, %mul3A_345 : i32
        %add3A_347 = arith.constant 4 : i32
        %add3A_348 = arith.addi %mul3A_346, %add3A_347 : i32
        %get3A_349 = arith.index_cast %add3A_348 : i32 to index
        %get3A_350 = arith.constant 16 : index
        %get3A_351 = tpu.vector_load %arg8[%get3A_349, %get3A_350] {strides = array<i32>} : memref<800x32xf32, #tpu.memory_space<vmem>>, vector<16xf32>,
        %add3A_352 = arith.addf %add3A_336, %get3A_351 : vector<16xf32>
        %mul3A_353 = arith.constant 50 : i32
        %mul3A_354 = arith.muli %scan3A_279, %mul3A_353 : i32
        %add3A_355 = arith.constant 5 : i32
        %add3A_356 = arith.addi %mul3A_354, %add3A_355 : i32
        %get3A_357 = arith.index_cast %add3A_356 : i32 to index
        %get3A_358 = arith.constant 0 : index
        %get3A_359 = tpu.vector_load %arg8[%get3A_357, %get3A_358] {strides = array<i32>} : memref<800x32xf32, #tpu.memory_space<vmem>>, vector<16xf32>,
        %add3A_360 = arith.addf %add3A_344, %get3A_359 : vector<16xf32>
        %mul3A_361 = arith.constant 50 : i32
        %mul3A_362 = arith.muli %scan3A_279, %mul3A_361 : i32
        %add3A_363 = arith.constant 5 : i32
        %add3A_364 = arith.addi %mul3A_362, %add3A_363 : i32
        %get3A_365 = arith.index_cast %add3A_364 : i32 to index
        %get3A_366 = arith.constant 16 : index
        %get3A_367 = tpu.vector_load %arg8[%get3A_365, %get3A_366] {strides = array<i32>} : memref<800x32xf32, #tpu.memory_space<vmem>>, vector<16xf32>,
        %add3A_368 = arith.addf %add3A_352, %get3A_367 : vector<16xf32>
        %mul3A_369 = arith.constant 50 : i32
        %mul3A_370 = arith.muli %scan3A_279, %mul3A_369 : i32
        %add3A_371 = arith.constant 6 : i32
        %add3A_372 = arith.addi %mul3A_370, %add3A_371 : i32
        %get3A_373 = arith.index_cast %add3A_372 : i32 to index
        %get3A_374 = arith.constant 0 : index
        %get3A_375 = tpu.vector_load %arg8[%get3A_373, %get3A_374] {strides = array<i32>} : memref<800x32xf32, #tpu.memory_space<vmem>>, vector<16xf32>,
        %add3A_376 = arith.addf %add3A_360, %get3A_375 : vector<16xf32>
        %mul3A_377 = arith.constant 50 : i32
        %mul3A_378 = arith.muli %scan3A_279, %mul3A_377 : i32
        %add3A_379 = arith.constant 6 : i32
        %add3A_380 = arith.addi %mul3A_378, %add3A_379 : i32
        %get3A_381 = arith.index_cast %add3A_380 : i32 to index
        %get3A_382 = arith.constant 16 : index
        %get3A_383 = tpu.vector_load %arg8[%get3A_381, %get3A_382] {strides = array<i32>} : memref<800x32xf32, #tpu.memory_space<vmem>>, vector<16xf32>,
        %add3A_384 = arith.addf %add3A_368, %get3A_383 : vector<16xf32>
        %mul3A_385 = arith.constant 50 : i32
        %mul3A_386 = arith.muli %scan3A_279, %mul3A_385 : i32
        %add3A_387 = arith.constant 7 : i32
        %add3A_388 = arith.addi %mul3A_386, %add3A_387 : i32
        %get3A_389 = arith.index_cast %add3A_388 : i32 to index
        %get3A_390 = arith.constant 0 : index
        %get3A_391 = tpu.vector_load %arg8[%get3A_389, %get3A_390] {strides = array<i32>} : memref<800x32xf32, #tpu.memory_space<vmem>>, vector<16xf32>,
        %add3A_392 = arith.addf %add3A_376, %get3A_391 : vector<16xf32>
        %mul3A_393 = arith.constant 50 : i32
        %mul3A_394 = arith.muli %scan3A_279, %mul3A_393 : i32
        %add3A_395 = arith.constant 7 : i32
        %add3A_396 = arith.addi %mul3A_394, %add3A_395 : i32
        %get3A_397 = arith.index_cast %add3A_396 : i32 to index
        %get3A_398 = arith.constant 16 : index
        %get3A_399 = tpu.vector_load %arg8[%get3A_397, %get3A_398] {strides = array<i32>} : memref<800x32xf32, #tpu.memory_space<vmem>>, vector<16xf32>,
        %add3A_400 = arith.addf %add3A_384, %get3A_399 : vector<16xf32>
        %mul3A_401 = arith.constant 50 : i32
        %mul3A_402 = arith.muli %scan3A_279, %mul3A_401 : i32
        %add3A_403 = arith.constant 8 : i32
        %add3A_404 = arith.addi %mul3A_402, %add3A_403 : i32
        %get3A_405 = arith.index_cast %add3A_404 : i32 to index
        %get3A_406 = arith.constant 0 : index
        %get3A_407 = tpu.vector_load %arg8[%get3A_405, %get3A_406] {strides = array<i32>} : memref<800x32xf32, #tpu.memory_space<vmem>>, vector<16xf32>,
        %add3A_408 = arith.addf %add3A_392, %get3A_407 : vector<16xf32>
        %mul3A_409 = arith.constant 50 : i32
        %mul3A_410 = arith.muli %scan3A_279, %mul3A_409 : i32
        %add3A_411 = arith.constant 8 : i32
        %add3A_412 = arith.addi %mul3A_410, %add3A_411 : i32
        %get3A_413 = arith.index_cast %add3A_412 : i32 to index
        %get3A_414 = arith.constant 16 : index
        %get3A_415 = tpu.vector_load %arg8[%get3A_413, %get3A_414] {strides = array<i32>} : memref<800x32xf32, #tpu.memory_space<vmem>>, vector<16xf32>,
        %add3A_416 = arith.addf %add3A_400, %get3A_415 : vector<16xf32>
        %mul3A_417 = arith.constant 50 : i32
        %mul3A_418 = arith.muli %scan3A_279, %mul3A_417 : i32
        %add3A_419 = arith.constant 9 : i32
        %add3A_420 = arith.addi %mul3A_418, %add3A_419 : i32
        %get3A_421 = arith.index_cast %add3A_420 : i32 to index
        %get3A_422 = arith.constant 0 : index
        %get3A_423 = tpu.vector_load %arg8[%get3A_421, %get3A_422] {strides = array<i32>} : memref<800x32xf32, #tpu.memory_space<vmem>>, vector<16xf32>,
        %add3A_424 = arith.addf %add3A_408, %get3A_423 : vector<16xf32>
        %mul3A_425 = arith.constant 50 : i32
        %mul3A_426 = arith.muli %scan3A_279, %mul3A_425 : i32
        %add3A_427 = arith.constant 9 : i32
        %add3A_428 = arith.addi %mul3A_426, %add3A_427 : i32
        %get3A_429 = arith.index_cast %add3A_428 : i32 to index
        %get3A_430 = arith.constant 16 : index
        %get3A_431 = tpu.vector_load %arg8[%get3A_429, %get3A_430] {strides = array<i32>} : memref<800x32xf32, #tpu.memory_space<vmem>>, vector<16xf32>,
        %add3A_432 = arith.addf %add3A_416, %get3A_431 : vector<16xf32>
        %mul3A_433 = arith.constant 50 : i32
        %mul3A_434 = arith.muli %scan3A_279, %mul3A_433 : i32
        %add3A_435 = arith.constant 10 : i32
        %add3A_436 = arith.addi %mul3A_434, %add3A_435 : i32
        %get3A_437 = arith.index_cast %add3A_436 : i32 to index
        %get3A_438 = arith.constant 0 : index
        %get3A_439 = tpu.vector_load %arg8[%get3A_437, %get3A_438] {strides = array<i32>} : memref<800x32xf32, #tpu.memory_space<vmem>>, vector<16xf32>,
        %add3A_440 = arith.addf %add3A_424, %get3A_439 : vector<16xf32>
        %mul3A_441 = arith.constant 50 : i32
        %mul3A_442 = arith.muli %scan3A_279, %mul3A_441 : i32
        %add3A_443 = arith.constant 10 : i32
        %add3A_444 = arith.addi %mul3A_442, %add3A_443 : i32
        %get3A_445 = arith.index_cast %add3A_444 : i32 to index
        %get3A_446 = arith.constant 16 : index
        %get3A_447 = tpu.vector_load %arg8[%get3A_445, %get3A_446] {strides = array<i32>} : memref<800x32xf32, #tpu.memory_space<vmem>>, vector<16xf32>,
        %add3A_448 = arith.addf %add3A_432, %get3A_447 : vector<16xf32>
        %mul3A_449 = arith.constant 50 : i32
        %mul3A_450 = arith.muli %scan3A_279, %mul3A_449 : i32
        %add3A_451 = arith.constant 11 : i32
        %add3A_452 = arith.addi %mul3A_450, %add3A_451 : i32
        %get3A_453 = arith.index_cast %add3A_452 : i32 to index
        %get3A_454 = arith.constant 0 : index
        %get3A_455 = tpu.vector_load %arg8[%get3A_453, %get3A_454] {strides = array<i32>} : memref<800x32xf32, #tpu.memory_space<vmem>>, vector<16xf32>,
        %add3A_456 = arith.addf %add3A_440, %get3A_455 : vector<16xf32>
        %mul3A_457 = arith.constant 50 : i32
        %mul3A_458 = arith.muli %scan3A_279, %mul3A_457 : i32
        %add3A_459 = arith.constant 11 : i32
        %add3A_460 = arith.addi %mul3A_458, %add3A_459 : i32
        %get3A_461 = arith.index_cast %add3A_460 : i32 to index
        %get3A_462 = arith.constant 16 : index
        %get3A_463 = tpu.vector_load %arg8[%get3A_461, %get3A_462] {strides = array<i32>} : memref<800x32xf32, #tpu.memory_space<vmem>>, vector<16xf32>,
        %add3A_464 = arith.addf %add3A_448, %get3A_463 : vector<16xf32>
        %mul3A_465 = arith.constant 50 : i32
        %mul3A_466 = arith.muli %scan3A_279, %mul3A_465 : i32
        %add3A_467 = arith.constant 12 : i32
        %add3A_468 = arith.addi %mul3A_466, %add3A_467 : i32
        %get3A_469 = arith.index_cast %add3A_468 : i32 to index
        %get3A_470 = arith.constant 0 : index
        %get3A_471 = tpu.vector_load %arg8[%get3A_469, %get3A_470] {strides = array<i32>} : memref<800x32xf32, #tpu.memory_space<vmem>>, vector<16xf32>,
        %add3A_472 = arith.addf %add3A_456, %get3A_471 : vector<16xf32>
        %mul3A_473 = arith.constant 50 : i32
        %mul3A_474 = arith.muli %scan3A_279, %mul3A_473 : i32
        %add3A_475 = arith.constant 12 : i32
        %add3A_476 = arith.addi %mul3A_474, %add3A_475 : i32
        %get3A_477 = arith.index_cast %add3A_476 : i32 to index
        %get3A_478 = arith.constant 16 : index
        %get3A_479 = tpu.vector_load %arg8[%get3A_477, %get3A_478] {strides = array<i32>} : memref<800x32xf32, #tpu.memory_space<vmem>>, vector<16xf32>,
        %add3A_480 = arith.addf %add3A_464, %get3A_479 : vector<16xf32>
        %mul3A_481 = arith.constant 50 : i32
        %mul3A_482 = arith.muli %scan3A_279, %mul3A_481 : i32
        %add3A_483 = arith.constant 13 : i32
        %add3A_484 = arith.addi %mul3A_482, %add3A_483 : i32
        %get3A_485 = arith.index_cast %add3A_484 : i32 to index
        %get3A_486 = arith.constant 0 : index
        %get3A_487 = tpu.vector_load %arg8[%get3A_485, %get3A_486] {strides = array<i32>} : memref<800x32xf32, #tpu.memory_space<vmem>>, vector<16xf32>,
        %add3A_488 = arith.addf %add3A_472, %get3A_487 : vector<16xf32>
        %mul3A_489 = arith.constant 50 : i32
        %mul3A_490 = arith.muli %scan3A_279, %mul3A_489 : i32
        %add3A_491 = arith.constant 13 : i32
        %add3A_492 = arith.addi %mul3A_490, %add3A_491 : i32
        %get3A_493 = arith.index_cast %add3A_492 : i32 to index
        %get3A_494 = arith.constant 16 : index
        %get3A_495 = tpu.vector_load %arg8[%get3A_493, %get3A_494] {strides = array<i32>} : memref<800x32xf32, #tpu.memory_space<vmem>>, vector<16xf32>,
        %add3A_496 = arith.addf %add3A_480, %get3A_495 : vector<16xf32>
        %mul3A_497 = arith.constant 50 : i32
        %mul3A_498 = arith.muli %scan3A_279, %mul3A_497 : i32
        %add3A_499 = arith.constant 14 : i32
        %add3A_500 = arith.addi %mul3A_498, %add3A_499 : i32
        %get3A_501 = arith.index_cast %add3A_500 : i32 to index
        %get3A_502 = arith.constant 0 : index
        %get3A_503 = tpu.vector_load %arg8[%get3A_501, %get3A_502] {strides = array<i32>} : memref<800x32xf32, #tpu.memory_space<vmem>>, vector<16xf32>,
        %add3A_504 = arith.addf %add3A_488, %get3A_503 : vector<16xf32>
        %mul3A_505 = arith.constant 50 : i32
        %mul3A_506 = arith.muli %scan3A_279, %mul3A_505 : i32
        %add3A_507 = arith.constant 14 : i32
        %add3A_508 = arith.addi %mul3A_506, %add3A_507 : i32
        %get3A_509 = arith.index_cast %add3A_508 : i32 to index
        %get3A_510 = arith.constant 16 : index
        %get3A_511 = tpu.vector_load %arg8[%get3A_509, %get3A_510] {strides = array<i32>} : memref<800x32xf32, #tpu.memory_space<vmem>>, vector<16xf32>,
        %add3A_512 = arith.addf %add3A_496, %get3A_511 : vector<16xf32>
        %mul3A_513 = arith.constant 50 : i32
        %mul3A_514 = arith.muli %scan3A_279, %mul3A_513 : i32
        %add3A_515 = arith.constant 15 : i32
        %add3A_516 = arith.addi %mul3A_514, %add3A_515 : i32
        %get3A_517 = arith.index_cast %add3A_516 : i32 to index
        %get3A_518 = arith.constant 0 : index
        %get3A_519 = tpu.vector_load %arg8[%get3A_517, %get3A_518] {strides = array<i32>} : memref<800x32xf32, #tpu.memory_space<vmem>>, vector<16xf32>,
        %add3A_520 = arith.addf %add3A_504, %get3A_519 : vector<16xf32>
        %mul3A_521 = arith.constant 50 : i32
        %mul3A_522 = arith.muli %scan3A_279, %mul3A_521 : i32
        %add3A_523 = arith.constant 15 : i32
        %add3A_524 = arith.addi %mul3A_522, %add3A_523 : i32
        %get3A_525 = arith.index_cast %add3A_524 : i32 to index
        %get3A_526 = arith.constant 16 : index
        %get3A_527 = tpu.vector_load %arg8[%get3A_525, %get3A_526] {strides = array<i32>} : memref<800x32xf32, #tpu.memory_space<vmem>>, vector<16xf32>,
        %add3A_528 = arith.addf %add3A_512, %get3A_527 : vector<16xf32>
        %mul3A_529 = arith.constant 50 : i32
        %mul3A_530 = arith.muli %scan3A_279, %mul3A_529 : i32
        %add3A_531 = arith.constant 16 : i32
        %add3A_532 = arith.addi %mul3A_530, %add3A_531 : i32
        %get3A_533 = arith.index_cast %add3A_532 : i32 to index
        %get3A_534 = arith.constant 0 : index
        %get3A_535 = tpu.vector_load %arg8[%get3A_533, %get3A_534] {strides = array<i32>} : memref<800x32xf32, #tpu.memory_space<vmem>>, vector<16xf32>,
        %add3A_536 = arith.addf %add3A_520, %get3A_535 : vector<16xf32>
        %mul3A_537 = arith.constant 50 : i32
        %mul3A_538 = arith.muli %scan3A_279, %mul3A_537 : i32
        %add3A_539 = arith.constant 16 : i32
        %add3A_540 = arith.addi %mul3A_538, %add3A_539 : i32
        %get3A_541 = arith.index_cast %add3A_540 : i32 to index
        %get3A_542 = arith.constant 16 : index
        %get3A_543 = tpu.vector_load %arg8[%get3A_541, %get3A_542] {strides = array<i32>} : memref<800x32xf32, #tpu.memory_space<vmem>>, vector<16xf32>,
        %add3A_544 = arith.addf %add3A_528, %get3A_543 : vector<16xf32>
        %mul3A_545 = arith.constant 50 : i32
        %mul3A_546 = arith.muli %scan3A_279, %mul3A_545 : i32
        %add3A_547 = arith.constant 17 : i32
        %add3A_548 = arith.addi %mul3A_546, %add3A_547 : i32
        %get3A_549 = arith.index_cast %add3A_548 : i32 to index
        %get3A_550 = arith.constant 0 : index
        %get3A_551 = tpu.vector_load %arg8[%get3A_549, %get3A_550] {strides = array<i32>} : memref<800x32xf32, #tpu.memory_space<vmem>>, vector<16xf32>,
        %add3A_552 = arith.addf %add3A_536, %get3A_551 : vector<16xf32>
        %mul3A_553 = arith.constant 50 : i32
        %mul3A_554 = arith.muli %scan3A_279, %mul3A_553 : i32
        %add3A_555 = arith.constant 17 : i32
        %add3A_556 = arith.addi %mul3A_554, %add3A_555 : i32
        %get3A_557 = arith.index_cast %add3A_556 : i32 to index
        %get3A_558 = arith.constant 16 : index
        %get3A_559 = tpu.vector_load %arg8[%get3A_557, %get3A_558] {strides = array<i32>} : memref<800x32xf32, #tpu.memory_space<vmem>>, vector<16xf32>,
        %add3A_560 = arith.addf %add3A_544, %get3A_559 : vector<16xf32>
        %mul3A_561 = arith.constant 50 : i32
        %mul3A_562 = arith.muli %scan3A_279, %mul3A_561 : i32
        %add3A_563 = arith.constant 18 : i32
        %add3A_564 = arith.addi %mul3A_562, %add3A_563 : i32
        %get3A_565 = arith.index_cast %add3A_564 : i32 to index
        %get3A_566 = arith.constant 0 : index
        %get3A_567 = tpu.vector_load %arg8[%get3A_565, %get3A_566] {strides = array<i32>} : memref<800x32xf32, #tpu.memory_space<vmem>>, vector<16xf32>,
        %add3A_568 = arith.addf %add3A_552, %get3A_567 : vector<16xf32>
        %mul3A_569 = arith.constant 50 : i32
        %mul3A_570 = arith.muli %scan3A_279, %mul3A_569 : i32
        %add3A_571 = arith.constant 18 : i32
        %add3A_572 = arith.addi %mul3A_570, %add3A_571 : i32
        %get3A_573 = arith.index_cast %add3A_572 : i32 to index
        %get3A_574 = arith.constant 16 : index
        %get3A_575 = tpu.vector_load %arg8[%get3A_573, %get3A_574] {strides = array<i32>} : memref<800x32xf32, #tpu.memory_space<vmem>>, vector<16xf32>,
        %add3A_576 = arith.addf %add3A_560, %get3A_575 : vector<16xf32>
        %mul3A_577 = arith.constant 50 : i32
        %mul3A_578 = arith.muli %scan3A_279, %mul3A_577 : i32
        %add3A_579 = arith.constant 19 : i32
        %add3A_580 = arith.addi %mul3A_578, %add3A_579 : i32
        %get3A_581 = arith.index_cast %add3A_580 : i32 to index
        %get3A_582 = arith.constant 0 : index
        %get3A_583 = tpu.vector_load %arg8[%get3A_581, %get3A_582] {strides = array<i32>} : memref<800x32xf32, #tpu.memory_space<vmem>>, vector<16xf32>,
        %add3A_584 = arith.addf %add3A_568, %get3A_583 : vector<16xf32>
        %mul3A_585 = arith.constant 50 : i32
        %mul3A_586 = arith.muli %scan3A_279, %mul3A_585 : i32
        %add3A_587 = arith.constant 19 : i32
        %add3A_588 = arith.addi %mul3A_586, %add3A_587 : i32
        %get3A_589 = arith.index_cast %add3A_588 : i32 to index
        %get3A_590 = arith.constant 16 : index
        %get3A_591 = tpu.vector_load %arg8[%get3A_589, %get3A_590] {strides = array<i32>} : memref<800x32xf32, #tpu.memory_space<vmem>>, vector<16xf32>,
        %add3A_592 = arith.addf %add3A_576, %get3A_591 : vector<16xf32>
        %mul3A_593 = arith.constant 50 : i32
        %mul3A_594 = arith.muli %scan3A_279, %mul3A_593 : i32
        %add3A_595 = arith.constant 20 : i32
        %add3A_596 = arith.addi %mul3A_594, %add3A_595 : i32
        %get3A_597 = arith.index_cast %add3A_596 : i32 to index
        %get3A_598 = arith.constant 0 : index
        %get3A_599 = tpu.vector_load %arg8[%get3A_597, %get3A_598] {strides = array<i32>} : memref<800x32xf32, #tpu.memory_space<vmem>>, vector<16xf32>,
        %add3A_600 = arith.addf %add3A_584, %get3A_599 : vector<16xf32>
        %mul3A_601 = arith.constant 50 : i32
        %mul3A_602 = arith.muli %scan3A_279, %mul3A_601 : i32
        %add3A_603 = arith.constant 20 : i32
        %add3A_604 = arith.addi %mul3A_602, %add3A_603 : i32
        %get3A_605 = arith.index_cast %add3A_604 : i32 to index
        %get3A_606 = arith.constant 16 : index
        %get3A_607 = tpu.vector_load %arg8[%get3A_605, %get3A_606] {strides = array<i32>} : memref<800x32xf32, #tpu.memory_space<vmem>>, vector<16xf32>,
        %add3A_608 = arith.addf %add3A_592, %get3A_607 : vector<16xf32>
        %mul3A_609 = arith.constant 50 : i32
        %mul3A_610 = arith.muli %scan3A_279, %mul3A_609 : i32
        %add3A_611 = arith.constant 21 : i32
        %add3A_612 = arith.addi %mul3A_610, %add3A_611 : i32
        %get3A_613 = arith.index_cast %add3A_612 : i32 to index
        %get3A_614 = arith.constant 0 : index
        %get3A_615 = tpu.vector_load %arg8[%get3A_613, %get3A_614] {strides = array<i32>} : memref<800x32xf32, #tpu.memory_space<vmem>>, vector<16xf32>,
        %add3A_616 = arith.addf %add3A_600, %get3A_615 : vector<16xf32>
        %mul3A_617 = arith.constant 50 : i32
        %mul3A_618 = arith.muli %scan3A_279, %mul3A_617 : i32
        %add3A_619 = arith.constant 21 : i32
        %add3A_620 = arith.addi %mul3A_618, %add3A_619 : i32
        %get3A_621 = arith.index_cast %add3A_620 : i32 to index
        %get3A_622 = arith.constant 16 : index
        %get3A_623 = tpu.vector_load %arg8[%get3A_621, %get3A_622] {strides = array<i32>} : memref<800x32xf32, #tpu.memory_space<vmem>>, vector<16xf32>,
        %add3A_624 = arith.addf %add3A_608, %get3A_623 : vector<16xf32>
        %mul3A_625 = arith.constant 50 : i32
        %mul3A_626 = arith.muli %scan3A_279, %mul3A_625 : i32
        %add3A_627 = arith.constant 22 : i32
        %add3A_628 = arith.addi %mul3A_626, %add3A_627 : i32
        %get3A_629 = arith.index_cast %add3A_628 : i32 to index
        %get3A_630 = arith.constant 0 : index
        %get3A_631 = tpu.vector_load %arg8[%get3A_629, %get3A_630] {strides = array<i32>} : memref<800x32xf32, #tpu.memory_space<vmem>>, vector<16xf32>,
        %add3A_632 = arith.addf %add3A_616, %get3A_631 : vector<16xf32>
        %mul3A_633 = arith.constant 50 : i32
        %mul3A_634 = arith.muli %scan3A_279, %mul3A_633 : i32
        %add3A_635 = arith.constant 22 : i32
        %add3A_636 = arith.addi %mul3A_634, %add3A_635 : i32
        %get3A_637 = arith.index_cast %add3A_636 : i32 to index
        %get3A_638 = arith.constant 16 : index
        %get3A_639 = tpu.vector_load %arg8[%get3A_637, %get3A_638] {strides = array<i32>} : memref<800x32xf32, #tpu.memory_space<vmem>>, vector<16xf32>,
        %add3A_640 = arith.addf %add3A_624, %get3A_639 : vector<16xf32>
        %mul3A_641 = arith.constant 50 : i32
        %mul3A_642 = arith.muli %scan3A_279, %mul3A_641 : i32
        %add3A_643 = arith.constant 23 : i32
        %add3A_644 = arith.addi %mul3A_642, %add3A_643 : i32
        %get3A_645 = arith.index_cast %add3A_644 : i32 to index
        %get3A_646 = arith.constant 0 : index
        %get3A_647 = tpu.vector_load %arg8[%get3A_645, %get3A_646] {strides = array<i32>} : memref<800x32xf32, #tpu.memory_space<vmem>>, vector<16xf32>,
        %add3A_648 = arith.addf %add3A_632, %get3A_647 : vector<16xf32>
        %mul3A_649 = arith.constant 50 : i32
        %mul3A_650 = arith.muli %scan3A_279, %mul3A_649 : i32
        %add3A_651 = arith.constant 23 : i32
        %add3A_652 = arith.addi %mul3A_650, %add3A_651 : i32
        %get3A_653 = arith.index_cast %add3A_652 : i32 to index
        %get3A_654 = arith.constant 16 : index
        %get3A_655 = tpu.vector_load %arg8[%get3A_653, %get3A_654] {strides = array<i32>} : memref<800x32xf32, #tpu.memory_space<vmem>>, vector<16xf32>,
        %add3A_656 = arith.addf %add3A_640, %get3A_655 : vector<16xf32>
        %mul3A_657 = arith.constant 50 : i32
        %mul3A_658 = arith.muli %scan3A_279, %mul3A_657 : i32
        %add3A_659 = arith.constant 24 : i32
        %add3A_660 = arith.addi %mul3A_658, %add3A_659 : i32
        %get3A_661 = arith.index_cast %add3A_660 : i32 to index
        %get3A_662 = arith.constant 0 : index
        %get3A_663 = tpu.vector_load %arg8[%get3A_661, %get3A_662] {strides = array<i32>} : memref<800x32xf32, #tpu.memory_space<vmem>>, vector<16xf32>,
        %add3A_664 = arith.addf %add3A_648, %get3A_663 : vector<16xf32>
        %mul3A_665 = arith.constant 50 : i32
        %mul3A_666 = arith.muli %scan3A_279, %mul3A_665 : i32
        %add3A_667 = arith.constant 24 : i32
        %add3A_668 = arith.addi %mul3A_666, %add3A_667 : i32
        %get3A_669 = arith.index_cast %add3A_668 : i32 to index
        %get3A_670 = arith.constant 16 : index
        %get3A_671 = tpu.vector_load %arg8[%get3A_669, %get3A_670] {strides = array<i32>} : memref<800x32xf32, #tpu.memory_space<vmem>>, vector<16xf32>,
        %add3A_672 = arith.addf %add3A_656, %get3A_671 : vector<16xf32>
        %mul3A_673 = arith.constant 50 : i32
        %mul3A_674 = arith.muli %scan3A_279, %mul3A_673 : i32
        %add3A_675 = arith.constant 25 : i32
        %add3A_676 = arith.addi %mul3A_674, %add3A_675 : i32
        %get3A_677 = arith.index_cast %add3A_676 : i32 to index
        %get3A_678 = arith.constant 0 : index
        %get3A_679 = tpu.vector_load %arg8[%get3A_677, %get3A_678] {strides = array<i32>} : memref<800x32xf32, #tpu.memory_space<vmem>>, vector<16xf32>,
        %add3A_680 = arith.addf %add3A_664, %get3A_679 : vector<16xf32>
        %mul3A_681 = arith.constant 50 : i32
        %mul3A_682 = arith.muli %scan3A_279, %mul3A_681 : i32
        %add3A_683 = arith.constant 25 : i32
        %add3A_684 = arith.addi %mul3A_682, %add3A_683 : i32
        %get3A_685 = arith.index_cast %add3A_684 : i32 to index
        %get3A_686 = arith.constant 16 : index
        %get3A_687 = tpu.vector_load %arg8[%get3A_685, %get3A_686] {strides = array<i32>} : memref<800x32xf32, #tpu.memory_space<vmem>>, vector<16xf32>,
        %add3A_688 = arith.addf %add3A_672, %get3A_687 : vector<16xf32>
        %mul3A_689 = arith.constant 50 : i32
        %mul3A_690 = arith.muli %scan3A_279, %mul3A_689 : i32
        %add3A_691 = arith.constant 26 : i32
        %add3A_692 = arith.addi %mul3A_690, %add3A_691 : i32
        %get3A_693 = arith.index_cast %add3A_692 : i32 to index
        %get3A_694 = arith.constant 0 : index
        %get3A_695 = tpu.vector_load %arg8[%get3A_693, %get3A_694] {strides = array<i32>} : memref<800x32xf32, #tpu.memory_space<vmem>>, vector<16xf32>,
        %add3A_696 = arith.addf %add3A_680, %get3A_695 : vector<16xf32>
        %mul3A_697 = arith.constant 50 : i32
        %mul3A_698 = arith.muli %scan3A_279, %mul3A_697 : i32
        %add3A_699 = arith.constant 26 : i32
        %add3A_700 = arith.addi %mul3A_698, %add3A_699 : i32
        %get3A_701 = arith.index_cast %add3A_700 : i32 to index
        %get3A_702 = arith.constant 16 : index
        %get3A_703 = tpu.vector_load %arg8[%get3A_701, %get3A_702] {strides = array<i32>} : memref<800x32xf32, #tpu.memory_space<vmem>>, vector<16xf32>,
        %add3A_704 = arith.addf %add3A_688, %get3A_703 : vector<16xf32>
        %mul3A_705 = arith.constant 50 : i32
        %mul3A_706 = arith.muli %scan3A_279, %mul3A_705 : i32
        %add3A_707 = arith.constant 27 : i32
        %add3A_708 = arith.addi %mul3A_706, %add3A_707 : i32
        %get3A_709 = arith.index_cast %add3A_708 : i32 to index
        %get3A_710 = arith.constant 0 : index
        %get3A_711 = tpu.vector_load %arg8[%get3A_709, %get3A_710] {strides = array<i32>} : memref<800x32xf32, #tpu.memory_space<vmem>>, vector<16xf32>,
        %add3A_712 = arith.addf %add3A_696, %get3A_711 : vector<16xf32>
        %mul3A_713 = arith.constant 50 : i32
        %mul3A_714 = arith.muli %scan3A_279, %mul3A_713 : i32
        %add3A_715 = arith.constant 27 : i32
        %add3A_716 = arith.addi %mul3A_714, %add3A_715 : i32
        %get3A_717 = arith.index_cast %add3A_716 : i32 to index
        %get3A_718 = arith.constant 16 : index
        %get3A_719 = tpu.vector_load %arg8[%get3A_717, %get3A_718] {strides = array<i32>} : memref<800x32xf32, #tpu.memory_space<vmem>>, vector<16xf32>,
        %add3A_720 = arith.addf %add3A_704, %get3A_719 : vector<16xf32>
        %mul3A_721 = arith.constant 50 : i32
        %mul3A_722 = arith.muli %scan3A_279, %mul3A_721 : i32
        %add3A_723 = arith.constant 28 : i32
        %add3A_724 = arith.addi %mul3A_722, %add3A_723 : i32
        %get3A_725 = arith.index_cast %add3A_724 : i32 to index
        %get3A_726 = arith.constant 0 : index
        %get3A_727 = tpu.vector_load %arg8[%get3A_725, %get3A_726] {strides = array<i32>} : memref<800x32xf32, #tpu.memory_space<vmem>>, vector<16xf32>,
        %add3A_728 = arith.addf %add3A_712, %get3A_727 : vector<16xf32>
        %mul3A_729 = arith.constant 50 : i32
        %mul3A_730 = arith.muli %scan3A_279, %mul3A_729 : i32
        %add3A_731 = arith.constant 28 : i32
        %add3A_732 = arith.addi %mul3A_730, %add3A_731 : i32
        %get3A_733 = arith.index_cast %add3A_732 : i32 to index
        %get3A_734 = arith.constant 16 : index
        %get3A_735 = tpu.vector_load %arg8[%get3A_733, %get3A_734] {strides = array<i32>} : memref<800x32xf32, #tpu.memory_space<vmem>>, vector<16xf32>,
        %add3A_736 = arith.addf %add3A_720, %get3A_735 : vector<16xf32>
        %mul3A_737 = arith.constant 50 : i32
        %mul3A_738 = arith.muli %scan3A_279, %mul3A_737 : i32
        %add3A_739 = arith.constant 29 : i32
        %add3A_740 = arith.addi %mul3A_738, %add3A_739 : i32
        %get3A_741 = arith.index_cast %add3A_740 : i32 to index
        %get3A_742 = arith.constant 0 : index
        %get3A_743 = tpu.vector_load %arg8[%get3A_741, %get3A_742] {strides = array<i32>} : memref<800x32xf32, #tpu.memory_space<vmem>>, vector<16xf32>,
        %add3A_744 = arith.addf %add3A_728, %get3A_743 : vector<16xf32>
        %mul3A_745 = arith.constant 50 : i32
        %mul3A_746 = arith.muli %scan3A_279, %mul3A_745 : i32
        %add3A_747 = arith.constant 29 : i32
        %add3A_748 = arith.addi %mul3A_746, %add3A_747 : i32
        %get3A_749 = arith.index_cast %add3A_748 : i32 to index
        %get3A_750 = arith.constant 16 : index
        %get3A_751 = tpu.vector_load %arg8[%get3A_749, %get3A_750] {strides = array<i32>} : memref<800x32xf32, #tpu.memory_space<vmem>>, vector<16xf32>,
        %add3A_752 = arith.addf %add3A_736, %get3A_751 : vector<16xf32>
        %mul3A_753 = arith.constant 50 : i32
        %mul3A_754 = arith.muli %scan3A_279, %mul3A_753 : i32
        %add3A_755 = arith.constant 30 : i32
        %add3A_756 = arith.addi %mul3A_754, %add3A_755 : i32
        %get3A_757 = arith.index_cast %add3A_756 : i32 to index
        %get3A_758 = arith.constant 0 : index
        %get3A_759 = tpu.vector_load %arg8[%get3A_757, %get3A_758] {strides = array<i32>} : memref<800x32xf32, #tpu.memory_space<vmem>>, vector<16xf32>,
        %add3A_760 = arith.addf %add3A_744, %get3A_759 : vector<16xf32>
        %mul3A_761 = arith.constant 50 : i32
        %mul3A_762 = arith.muli %scan3A_279, %mul3A_761 : i32
        %add3A_763 = arith.constant 30 : i32
        %add3A_764 = arith.addi %mul3A_762, %add3A_763 : i32
        %get3A_765 = arith.index_cast %add3A_764 : i32 to index
        %get3A_766 = arith.constant 16 : index
        %get3A_767 = tpu.vector_load %arg8[%get3A_765, %get3A_766] {strides = array<i32>} : memref<800x32xf32, #tpu.memory_space<vmem>>, vector<16xf32>,
        %add3A_768 = arith.addf %add3A_752, %get3A_767 : vector<16xf32>
        %mul3A_769 = arith.constant 50 : i32
        %mul3A_770 = arith.muli %scan3A_279, %mul3A_769 : i32
        %add3A_771 = arith.constant 31 : i32
        %add3A_772 = arith.addi %mul3A_770, %add3A_771 : i32
        %get3A_773 = arith.index_cast %add3A_772 : i32 to index
        %get3A_774 = arith.constant 0 : index
        %get3A_775 = tpu.vector_load %arg8[%get3A_773, %get3A_774] {strides = array<i32>} : memref<800x32xf32, #tpu.memory_space<vmem>>, vector<16xf32>,
        %add3A_776 = arith.addf %add3A_760, %get3A_775 : vector<16xf32>
        %mul3A_777 = arith.constant 50 : i32
        %mul3A_778 = arith.muli %scan3A_279, %mul3A_777 : i32
        %add3A_779 = arith.constant 31 : i32
        %add3A_780 = arith.addi %mul3A_778, %add3A_779 : i32
        %get3A_781 = arith.index_cast %add3A_780 : i32 to index
        %get3A_782 = arith.constant 16 : index
        %get3A_783 = tpu.vector_load %arg8[%get3A_781, %get3A_782] {strides = array<i32>} : memref<800x32xf32, #tpu.memory_space<vmem>>, vector<16xf32>,
        %add3A_784 = arith.addf %add3A_768, %get3A_783 : vector<16xf32>
        %mul3A_785 = arith.constant 50 : i32
        %mul3A_786 = arith.muli %scan3A_279, %mul3A_785 : i32
        %add3A_787 = arith.constant 32 : i32
        %add3A_788 = arith.addi %mul3A_786, %add3A_787 : i32
        %get3A_789 = arith.index_cast %add3A_788 : i32 to index
        %get3A_790 = arith.constant 0 : index
        %get3A_791 = tpu.vector_load %arg8[%get3A_789, %get3A_790] {strides = array<i32>} : memref<800x32xf32, #tpu.memory_space<vmem>>, vector<16xf32>,
        %add3A_792 = arith.addf %add3A_776, %get3A_791 : vector<16xf32>
        %mul3A_793 = arith.constant 50 : i32
        %mul3A_794 = arith.muli %scan3A_279, %mul3A_793 : i32
        %add3A_795 = arith.constant 32 : i32
        %add3A_796 = arith.addi %mul3A_794, %add3A_795 : i32
        %get3A_797 = arith.index_cast %add3A_796 : i32 to index
        %get3A_798 = arith.constant 16 : index
        %get3A_799 = tpu.vector_load %arg8[%get3A_797, %get3A_798] {strides = array<i32>} : memref<800x32xf32, #tpu.memory_space<vmem>>, vector<16xf32>,
        %add3A_800 = arith.addf %add3A_784, %get3A_799 : vector<16xf32>
        %mul3A_801 = arith.constant 50 : i32
        %mul3A_802 = arith.muli %scan3A_279, %mul3A_801 : i32
        %add3A_803 = arith.constant 33 : i32
        %add3A_804 = arith.addi %mul3A_802, %add3A_803 : i32
        %get3A_805 = arith.index_cast %add3A_804 : i32 to index
        %get3A_806 = arith.constant 0 : index
        %get3A_807 = tpu.vector_load %arg8[%get3A_805, %get3A_806] {strides = array<i32>} : memref<800x32xf32, #tpu.memory_space<vmem>>, vector<16xf32>,
        %add3A_808 = arith.addf %add3A_792, %get3A_807 : vector<16xf32>
        %mul3A_809 = arith.constant 50 : i32
        %mul3A_810 = arith.muli %scan3A_279, %mul3A_809 : i32
        %add3A_811 = arith.constant 33 : i32
        %add3A_812 = arith.addi %mul3A_810, %add3A_811 : i32
        %get3A_813 = arith.index_cast %add3A_812 : i32 to index
        %get3A_814 = arith.constant 16 : index
        %get3A_815 = tpu.vector_load %arg8[%get3A_813, %get3A_814] {strides = array<i32>} : memref<800x32xf32, #tpu.memory_space<vmem>>, vector<16xf32>,
        %add3A_816 = arith.addf %add3A_800, %get3A_815 : vector<16xf32>
        %mul3A_817 = arith.constant 50 : i32
        %mul3A_818 = arith.muli %scan3A_279, %mul3A_817 : i32
        %add3A_819 = arith.constant 34 : i32
        %add3A_820 = arith.addi %mul3A_818, %add3A_819 : i32
        %get3A_821 = arith.index_cast %add3A_820 : i32 to index
        %get3A_822 = arith.constant 0 : index
        %get3A_823 = tpu.vector_load %arg8[%get3A_821, %get3A_822] {strides = array<i32>} : memref<800x32xf32, #tpu.memory_space<vmem>>, vector<16xf32>,
        %add3A_824 = arith.addf %add3A_808, %get3A_823 : vector<16xf32>
        %mul3A_825 = arith.constant 50 : i32
        %mul3A_826 = arith.muli %scan3A_279, %mul3A_825 : i32
        %add3A_827 = arith.constant 34 : i32
        %add3A_828 = arith.addi %mul3A_826, %add3A_827 : i32
        %get3A_829 = arith.index_cast %add3A_828 : i32 to index
        %get3A_830 = arith.constant 16 : index
        %get3A_831 = tpu.vector_load %arg8[%get3A_829, %get3A_830] {strides = array<i32>} : memref<800x32xf32, #tpu.memory_space<vmem>>, vector<16xf32>,
        %add3A_832 = arith.addf %add3A_816, %get3A_831 : vector<16xf32>
        %mul3A_833 = arith.constant 50 : i32
        %mul3A_834 = arith.muli %scan3A_279, %mul3A_833 : i32
        %add3A_835 = arith.constant 35 : i32
        %add3A_836 = arith.addi %mul3A_834, %add3A_835 : i32
        %get3A_837 = arith.index_cast %add3A_836 : i32 to index
        %get3A_838 = arith.constant 0 : index
        %get3A_839 = tpu.vector_load %arg8[%get3A_837, %get3A_838] {strides = array<i32>} : memref<800x32xf32, #tpu.memory_space<vmem>>, vector<16xf32>,
        %add3A_840 = arith.addf %add3A_824, %get3A_839 : vector<16xf32>
        %mul3A_841 = arith.constant 50 : i32
        %mul3A_842 = arith.muli %scan3A_279, %mul3A_841 : i32
        %add3A_843 = arith.constant 35 : i32
        %add3A_844 = arith.addi %mul3A_842, %add3A_843 : i32
        %get3A_845 = arith.index_cast %add3A_844 : i32 to index
        %get3A_846 = arith.constant 16 : index
        %get3A_847 = tpu.vector_load %arg8[%get3A_845, %get3A_846] {strides = array<i32>} : memref<800x32xf32, #tpu.memory_space<vmem>>, vector<16xf32>,
        %add3A_848 = arith.addf %add3A_832, %get3A_847 : vector<16xf32>
        %mul3A_849 = arith.constant 50 : i32
        %mul3A_850 = arith.muli %scan3A_279, %mul3A_849 : i32
        %add3A_851 = arith.constant 36 : i32
        %add3A_852 = arith.addi %mul3A_850, %add3A_851 : i32
        %get3A_853 = arith.index_cast %add3A_852 : i32 to index
        %get3A_854 = arith.constant 0 : index
        %get3A_855 = tpu.vector_load %arg8[%get3A_853, %get3A_854] {strides = array<i32>} : memref<800x32xf32, #tpu.memory_space<vmem>>, vector<16xf32>,
        %add3A_856 = arith.addf %add3A_840, %get3A_855 : vector<16xf32>
        %mul3A_857 = arith.constant 50 : i32
        %mul3A_858 = arith.muli %scan3A_279, %mul3A_857 : i32
        %add3A_859 = arith.constant 36 : i32
        %add3A_860 = arith.addi %mul3A_858, %add3A_859 : i32
        %get3A_861 = arith.index_cast %add3A_860 : i32 to index
        %get3A_862 = arith.constant 16 : index
        %get3A_863 = tpu.vector_load %arg8[%get3A_861, %get3A_862] {strides = array<i32>} : memref<800x32xf32, #tpu.memory_space<vmem>>, vector<16xf32>,
        %add3A_864 = arith.addf %add3A_848, %get3A_863 : vector<16xf32>
        %mul3A_865 = arith.constant 50 : i32
        %mul3A_866 = arith.muli %scan3A_279, %mul3A_865 : i32
        %add3A_867 = arith.constant 37 : i32
        %add3A_868 = arith.addi %mul3A_866, %add3A_867 : i32
        %get3A_869 = arith.index_cast %add3A_868 : i32 to index
        %get3A_870 = arith.constant 0 : index
        %get3A_871 = tpu.vector_load %arg8[%get3A_869, %get3A_870] {strides = array<i32>} : memref<800x32xf32, #tpu.memory_space<vmem>>, vector<16xf32>,
        %add3A_872 = arith.addf %add3A_856, %get3A_871 : vector<16xf32>
        %mul3A_873 = arith.constant 50 : i32
        %mul3A_874 = arith.muli %scan3A_279, %mul3A_873 : i32
        %add3A_875 = arith.constant 37 : i32
        %add3A_876 = arith.addi %mul3A_874, %add3A_875 : i32
        %get3A_877 = arith.index_cast %add3A_876 : i32 to index
        %get3A_878 = arith.constant 16 : index
        %get3A_879 = tpu.vector_load %arg8[%get3A_877, %get3A_878] {strides = array<i32>} : memref<800x32xf32, #tpu.memory_space<vmem>>, vector<16xf32>,
        %add3A_880 = arith.addf %add3A_864, %get3A_879 : vector<16xf32>
        %mul3A_881 = arith.constant 50 : i32
        %mul3A_882 = arith.muli %scan3A_279, %mul3A_881 : i32
        %add3A_883 = arith.constant 38 : i32
        %add3A_884 = arith.addi %mul3A_882, %add3A_883 : i32
        %get3A_885 = arith.index_cast %add3A_884 : i32 to index
        %get3A_886 = arith.constant 0 : index
        %get3A_887 = tpu.vector_load %arg8[%get3A_885, %get3A_886] {strides = array<i32>} : memref<800x32xf32, #tpu.memory_space<vmem>>, vector<16xf32>,
        %add3A_888 = arith.addf %add3A_872, %get3A_887 : vector<16xf32>
        %mul3A_889 = arith.constant 50 : i32
        %mul3A_890 = arith.muli %scan3A_279, %mul3A_889 : i32
        %add3A_891 = arith.constant 38 : i32
        %add3A_892 = arith.addi %mul3A_890, %add3A_891 : i32
        %get3A_893 = arith.index_cast %add3A_892 : i32 to index
        %get3A_894 = arith.constant 16 : index
        %get3A_895 = tpu.vector_load %arg8[%get3A_893, %get3A_894] {strides = array<i32>} : memref<800x32xf32, #tpu.memory_space<vmem>>, vector<16xf32>,
        %add3A_896 = arith.addf %add3A_880, %get3A_895 : vector<16xf32>
        %mul3A_897 = arith.constant 50 : i32
        %mul3A_898 = arith.muli %scan3A_279, %mul3A_897 : i32
        %add3A_899 = arith.constant 39 : i32
        %add3A_900 = arith.addi %mul3A_898, %add3A_899 : i32
        %get3A_901 = arith.index_cast %add3A_900 : i32 to index
        %get3A_902 = arith.constant 0 : index
        %get3A_903 = tpu.vector_load %arg8[%get3A_901, %get3A_902] {strides = array<i32>} : memref<800x32xf32, #tpu.memory_space<vmem>>, vector<16xf32>,
        %add3A_904 = arith.addf %add3A_888, %get3A_903 : vector<16xf32>
        %mul3A_905 = arith.constant 50 : i32
        %mul3A_906 = arith.muli %scan3A_279, %mul3A_905 : i32
        %add3A_907 = arith.constant 39 : i32
        %add3A_908 = arith.addi %mul3A_906, %add3A_907 : i32
        %get3A_909 = arith.index_cast %add3A_908 : i32 to index
        %get3A_910 = arith.constant 16 : index
        %get3A_911 = tpu.vector_load %arg8[%get3A_909, %get3A_910] {strides = array<i32>} : memref<800x32xf32, #tpu.memory_space<vmem>>, vector<16xf32>,
        %add3A_912 = arith.addf %add3A_896, %get3A_911 : vector<16xf32>
        %mul3A_913 = arith.constant 50 : i32
        %mul3A_914 = arith.muli %scan3A_279, %mul3A_913 : i32
        %add3A_915 = arith.constant 40 : i32
        %add3A_916 = arith.addi %mul3A_914, %add3A_915 : i32
        %get3A_917 = arith.index_cast %add3A_916 : i32 to index
        %get3A_918 = arith.constant 0 : index
        %get3A_919 = tpu.vector_load %arg8[%get3A_917, %get3A_918] {strides = array<i32>} : memref<800x32xf32, #tpu.memory_space<vmem>>, vector<16xf32>,
        %add3A_920 = arith.addf %add3A_904, %get3A_919 : vector<16xf32>
        %mul3A_921 = arith.constant 50 : i32
        %mul3A_922 = arith.muli %scan3A_279, %mul3A_921 : i32
        %add3A_923 = arith.constant 40 : i32
        %add3A_924 = arith.addi %mul3A_922, %add3A_923 : i32
        %get3A_925 = arith.index_cast %add3A_924 : i32 to index
        %get3A_926 = arith.constant 16 : index
        %get3A_927 = tpu.vector_load %arg8[%get3A_925, %get3A_926] {strides = array<i32>} : memref<800x32xf32, #tpu.memory_space<vmem>>, vector<16xf32>,
        %add3A_928 = arith.addf %add3A_912, %get3A_927 : vector<16xf32>
        %mul3A_929 = arith.constant 50 : i32
        %mul3A_930 = arith.muli %scan3A_279, %mul3A_929 : i32
        %add3A_931 = arith.constant 41 : i32
        %add3A_932 = arith.addi %mul3A_930, %add3A_931 : i32
        %get3A_933 = arith.index_cast %add3A_932 : i32 to index
        %get3A_934 = arith.constant 0 : index
        %get3A_935 = tpu.vector_load %arg8[%get3A_933, %get3A_934] {strides = array<i32>} : memref<800x32xf32, #tpu.memory_space<vmem>>, vector<16xf32>,
        %add3A_936 = arith.addf %add3A_920, %get3A_935 : vector<16xf32>
        %mul3A_937 = arith.constant 50 : i32
        %mul3A_938 = arith.muli %scan3A_279, %mul3A_937 : i32
        %add3A_939 = arith.constant 41 : i32
        %add3A_940 = arith.addi %mul3A_938, %add3A_939 : i32
        %get3A_941 = arith.index_cast %add3A_940 : i32 to index
        %get3A_942 = arith.constant 16 : index
        %get3A_943 = tpu.vector_load %arg8[%get3A_941, %get3A_942] {strides = array<i32>} : memref<800x32xf32, #tpu.memory_space<vmem>>, vector<16xf32>,
        %add3A_944 = arith.addf %add3A_928, %get3A_943 : vector<16xf32>
        %mul3A_945 = arith.constant 50 : i32
        %mul3A_946 = arith.muli %scan3A_279, %mul3A_945 : i32
        %add3A_947 = arith.constant 42 : i32
        %add3A_948 = arith.addi %mul3A_946, %add3A_947 : i32
        %get3A_949 = arith.index_cast %add3A_948 : i32 to index
        %get3A_950 = arith.constant 0 : index
        %get3A_951 = tpu.vector_load %arg8[%get3A_949, %get3A_950] {strides = array<i32>} : memref<800x32xf32, #tpu.memory_space<vmem>>, vector<16xf32>,
        %add3A_952 = arith.addf %add3A_936, %get3A_951 : vector<16xf32>
        %mul3A_953 = arith.constant 50 : i32
        %mul3A_954 = arith.muli %scan3A_279, %mul3A_953 : i32
        %add3A_955 = arith.constant 42 : i32
        %add3A_956 = arith.addi %mul3A_954, %add3A_955 : i32
        %get3A_957 = arith.index_cast %add3A_956 : i32 to index
        %get3A_958 = arith.constant 16 : index
        %get3A_959 = tpu.vector_load %arg8[%get3A_957, %get3A_958] {strides = array<i32>} : memref<800x32xf32, #tpu.memory_space<vmem>>, vector<16xf32>,
        %add3A_960 = arith.addf %add3A_944, %get3A_959 : vector<16xf32>
        %mul3A_961 = arith.constant 50 : i32
        %mul3A_962 = arith.muli %scan3A_279, %mul3A_961 : i32
        %add3A_963 = arith.constant 43 : i32
        %add3A_964 = arith.addi %mul3A_962, %add3A_963 : i32
        %get3A_965 = arith.index_cast %add3A_964 : i32 to index
        %get3A_966 = arith.constant 0 : index
        %get3A_967 = tpu.vector_load %arg8[%get3A_965, %get3A_966] {strides = array<i32>} : memref<800x32xf32, #tpu.memory_space<vmem>>, vector<16xf32>,
        %add3A_968 = arith.addf %add3A_952, %get3A_967 : vector<16xf32>
        %mul3A_969 = arith.constant 50 : i32
        %mul3A_970 = arith.muli %scan3A_279, %mul3A_969 : i32
        %add3A_971 = arith.constant 43 : i32
        %add3A_972 = arith.addi %mul3A_970, %add3A_971 : i32
        %get3A_973 = arith.index_cast %add3A_972 : i32 to index
        %get3A_974 = arith.constant 16 : index
        %get3A_975 = tpu.vector_load %arg8[%get3A_973, %get3A_974] {strides = array<i32>} : memref<800x32xf32, #tpu.memory_space<vmem>>, vector<16xf32>,
        %add3A_976 = arith.addf %add3A_960, %get3A_975 : vector<16xf32>
        %mul3A_977 = arith.constant 50 : i32
        %mul3A_978 = arith.muli %scan3A_279, %mul3A_977 : i32
        %add3A_979 = arith.constant 44 : i32
        %add3A_980 = arith.addi %mul3A_978, %add3A_979 : i32
        %get3A_981 = arith.index_cast %add3A_980 : i32 to index
        %get3A_982 = arith.constant 0 : index
        %get3A_983 = tpu.vector_load %arg8[%get3A_981, %get3A_982] {strides = array<i32>} : memref<800x32xf32, #tpu.memory_space<vmem>>, vector<16xf32>,
        %add3A_984 = arith.addf %add3A_968, %get3A_983 : vector<16xf32>
        %mul3A_985 = arith.constant 50 : i32
        %mul3A_986 = arith.muli %scan3A_279, %mul3A_985 : i32
        %add3A_987 = arith.constant 44 : i32
        %add3A_988 = arith.addi %mul3A_986, %add3A_987 : i32
        %get3A_989 = arith.index_cast %add3A_988 : i32 to index
        %get3A_990 = arith.constant 16 : index
        %get3A_991 = tpu.vector_load %arg8[%get3A_989, %get3A_990] {strides = array<i32>} : memref<800x32xf32, #tpu.memory_space<vmem>>, vector<16xf32>,
        %add3A_992 = arith.addf %add3A_976, %get3A_991 : vector<16xf32>
        %mul3A_993 = arith.constant 50 : i32
        %mul3A_994 = arith.muli %scan3A_279, %mul3A_993 : i32
        %add3A_995 = arith.constant 45 : i32
        %add3A_996 = arith.addi %mul3A_994, %add3A_995 : i32
        %get3A_997 = arith.index_cast %add3A_996 : i32 to index
        %get3A_998 = arith.constant 0 : index
        %get3A_999 = tpu.vector_load %arg8[%get3A_997, %get3A_998] {strides = array<i32>} : memref<800x32xf32, #tpu.memory_space<vmem>>, vector<16xf32>,
        %add3A_1000 = arith.addf %add3A_984, %get3A_999 : vector<16xf32>
        %mul3A_1001 = arith.constant 50 : i32
        %mul3A_1002 = arith.muli %scan3A_279, %mul3A_1001 : i32
        %add3A_1003 = arith.constant 45 : i32
        %add3A_1004 = arith.addi %mul3A_1002, %add3A_1003 : i32
        %get3A_1005 = arith.index_cast %add3A_1004 : i32 to index
        %get3A_1006 = arith.constant 16 : index
        %get3A_1007 = tpu.vector_load %arg8[%get3A_1005, %get3A_1006] {strides = array<i32>} : memref<800x32xf32, #tpu.memory_space<vmem>>, vector<16xf32>,
        %add3A_1008 = arith.addf %add3A_992, %get3A_1007 : vector<16xf32>
        %mul3A_1009 = arith.constant 50 : i32
        %mul3A_1010 = arith.muli %scan3A_279, %mul3A_1009 : i32
        %add3A_1011 = arith.constant 46 : i32
        %add3A_1012 = arith.addi %mul3A_1010, %add3A_1011 : i32
        %get3A_1013 = arith.index_cast %add3A_1012 : i32 to index
        %get3A_1014 = arith.constant 0 : index
        %get3A_1015 = tpu.vector_load %arg8[%get3A_1013, %get3A_1014] {strides = array<i32>} : memref<800x32xf32, #tpu.memory_space<vmem>>, vector<16xf32>,
        %add3A_1016 = arith.addf %add3A_1000, %get3A_1015 : vector<16xf32>
        %mul3A_1017 = arith.constant 50 : i32
        %mul3A_1018 = arith.muli %scan3A_279, %mul3A_1017 : i32
        %add3A_1019 = arith.constant 46 : i32
        %add3A_1020 = arith.addi %mul3A_1018, %add3A_1019 : i32
        %get3A_1021 = arith.index_cast %add3A_1020 : i32 to index
        %get3A_1022 = arith.constant 16 : index
        %get3A_1023 = tpu.vector_load %arg8[%get3A_1021, %get3A_1022] {strides = array<i32>} : memref<800x32xf32, #tpu.memory_space<vmem>>, vector<16xf32>,
        %add3A_1024 = arith.addf %add3A_1008, %get3A_1023 : vector<16xf32>
        %mul3A_1025 = arith.constant 50 : i32
        %mul3A_1026 = arith.muli %scan3A_279, %mul3A_1025 : i32
        %add3A_1027 = arith.constant 47 : i32
        %add3A_1028 = arith.addi %mul3A_1026, %add3A_1027 : i32
        %get3A_1029 = arith.index_cast %add3A_1028 : i32 to index
        %get3A_1030 = arith.constant 0 : index
        %get3A_1031 = tpu.vector_load %arg8[%get3A_1029, %get3A_1030] {strides = array<i32>} : memref<800x32xf32, #tpu.memory_space<vmem>>, vector<16xf32>,
        %add3A_1032 = arith.addf %add3A_1016, %get3A_1031 : vector<16xf32>
        %mul3A_1033 = arith.constant 50 : i32
        %mul3A_1034 = arith.muli %scan3A_279, %mul3A_1033 : i32
        %add3A_1035 = arith.constant 47 : i32
        %add3A_1036 = arith.addi %mul3A_1034, %add3A_1035 : i32
        %get3A_1037 = arith.index_cast %add3A_1036 : i32 to index
        %get3A_1038 = arith.constant 16 : index
        %get3A_1039 = tpu.vector_load %arg8[%get3A_1037, %get3A_1038] {strides = array<i32>} : memref<800x32xf32, #tpu.memory_space<vmem>>, vector<16xf32>,
        %add3A_1040 = arith.addf %add3A_1024, %get3A_1039 : vector<16xf32>
        %mul3A_1041 = arith.constant 50 : i32
        %mul3A_1042 = arith.muli %scan3A_279, %mul3A_1041 : i32
        %add3A_1043 = arith.constant 48 : i32
        %add3A_1044 = arith.addi %mul3A_1042, %add3A_1043 : i32
        %get3A_1045 = arith.index_cast %add3A_1044 : i32 to index
        %get3A_1046 = arith.constant 0 : index
        %get3A_1047 = tpu.vector_load %arg8[%get3A_1045, %get3A_1046] {strides = array<i32>} : memref<800x32xf32, #tpu.memory_space<vmem>>, vector<16xf32>,
        %add3A_1048 = arith.addf %add3A_1032, %get3A_1047 : vector<16xf32>
        %mul3A_1049 = arith.constant 50 : i32
        %mul3A_1050 = arith.muli %scan3A_279, %mul3A_1049 : i32
        %add3A_1051 = arith.constant 48 : i32
        %add3A_1052 = arith.addi %mul3A_1050, %add3A_1051 : i32
        %get3A_1053 = arith.index_cast %add3A_1052 : i32 to index
        %get3A_1054 = arith.constant 16 : index
        %get3A_1055 = tpu.vector_load %arg8[%get3A_1053, %get3A_1054] {strides = array<i32>} : memref<800x32xf32, #tpu.memory_space<vmem>>, vector<16xf32>,
        %add3A_1056 = arith.addf %add3A_1040, %get3A_1055 : vector<16xf32>
        %mul3A_1057 = arith.constant 50 : i32
        %mul3A_1058 = arith.muli %scan3A_279, %mul3A_1057 : i32
        %add3A_1059 = arith.constant 49 : i32
        %add3A_1060 = arith.addi %mul3A_1058, %add3A_1059 : i32
        %get3A_1061 = arith.index_cast %add3A_1060 : i32 to index
        %get3A_1062 = arith.constant 0 : index
        %get3A_1063 = tpu.vector_load %arg8[%get3A_1061, %get3A_1062] {strides = array<i32>} : memref<800x32xf32, #tpu.memory_space<vmem>>, vector<16xf32>,
        %add3A_1064 = arith.addf %add3A_1048, %get3A_1063 : vector<16xf32>
        %mul3A_1065 = arith.constant 50 : i32
        %mul3A_1066 = arith.muli %scan3A_279, %mul3A_1065 : i32
        %add3A_1067 = arith.constant 49 : i32
        %add3A_1068 = arith.addi %mul3A_1066, %add3A_1067 : i32
        %get3A_1069 = arith.index_cast %add3A_1068 : i32 to index
        %get3A_1070 = arith.constant 16 : index
        %get3A_1071 = tpu.vector_load %arg8[%get3A_1069, %get3A_1070] {strides = array<i32>} : memref<800x32xf32, #tpu.memory_space<vmem>>, vector<16xf32>,
        %add3A_1072 = arith.addf %add3A_1056, %get3A_1071 : vector<16xf32>
        %mul3A_1073 = arith.constant 16 : i32
        %mul3A_1074 = arith.muli %add3A_272, %mul3A_1073 : i32
        %add3A_1075 = arith.addi %mul3A_1074, %scan3A_279 : i32
        %swap3A = arith.index_cast %add3A_1075 : i32 to index
        %swap3A_1076 = arith.constant 0 : index
        %swap3A_1077 = tpu.vector_load %arg9[%swap3A, %swap3A_1076] {strides = array<i32>} : memref<512x32xf32, #tpu.memory_space<vmem>>, vector<16xf32>,
        tpu.vector_store %arg9[%swap3A, %swap3A_1076], %add3A_1064 {strides = array<i32>} : memref<512x32xf32, #tpu.memory_space<vmem>>, vector<16xf32>,
        %mul3A_1078 = arith.constant 16 : i32
        %mul3A_1079 = arith.muli %add3A_272, %mul3A_1078 : i32
        %add3A_1080 = arith.addi %mul3A_1079, %scan3A_279 : i32
        %swap3A_1081 = arith.index_cast %add3A_1080 : i32 to index
        %swap3A_1082 = arith.constant 16 : index
        %swap3A_1083 = tpu.vector_load %arg9[%swap3A_1081, %swap3A_1082] {strides = array<i32>} : memref<512x32xf32, #tpu.memory_space<vmem>>, vector<16xf32>,
        tpu.vector_store %arg9[%swap3A_1081, %swap3A_1082], %add3A_1072 {strides = array<i32>} : memref<512x32xf32, #tpu.memory_space<vmem>>, vector<16xf32>,
      }
      %scan3A_278 = arith.constant 16 : i32
    }
    %scan3A_91 = arith.constant 16 : i32
    "tpu.region"() ({
      %run_scoped3A = tpu.sem_alloc : memref<!tpu.dma_semaphore, #tpu.memory_space<semaphore_mem>>
      %dma_start3A_92 = arith.constant 0 : i32
      %dma_start3A_93 = tpu.memref_slice %arg4[%multiple_of3A, %dma_start3A_92] : memref<16384x32xf32, #tpu.memory_space<hbm>> -> memref<512x32xf32, #tpu.memory_space<hbm>>
      %dma_start3A_94 = arith.constant 0 : i32
      %dma_start3A_95 = tpu.memref_slice %arg4[%multiple_of3A, %dma_start3A_94] : memref<16384x32xf32, #tpu.memory_space<hbm>> -> memref<512x32xf32, #tpu.memory_space<hbm>>
      tpu.enqueue_dma source(%arg9 : memref<512x32xf32, #tpu.memory_space<vmem>>) target(%dma_start3A_95 : memref<512x32xf32, #tpu.memory_space<hbm>>) target_semaphore(%run_scoped3A : memref<!tpu.dma_semaphore, #tpu.memory_space<semaphore_mem>>)
      %dma_wait3A = arith.constant 0 : i32
      %dma_wait3A_96 = tpu.memref_slice %arg4[%multiple_of3A, %dma_wait3A] : memref<16384x32xf32, #tpu.memory_space<hbm>> -> memref<512x32xf32, #tpu.memory_space<hbm>>
      %dma_wait3A_97 = arith.constant 0 : i32
      %dma_wait3A_98 = tpu.memref_slice %arg4[%multiple_of3A, %dma_wait3A_97] : memref<16384x32xf32, #tpu.memory_space<hbm>> -> memref<512x32xf32, #tpu.memory_space<hbm>>
      tpu.wait_dma2 semaphore(%run_scoped3A : memref<!tpu.dma_semaphore, #tpu.memory_space<semaphore_mem>>) src(%arg9 : memref<512x32xf32, #tpu.memory_space<vmem>>) dst(%dma_wait3A_98 : memref<512x32xf32, #tpu.memory_space<hbm>>)
      tpu.yield
    }) : () -> ()
    return
  }
}

</mosaic_0001>

<sc_bundles>
// kernel: kernel.4.cloned.1.call-start
scs
__scs_entry_jumppad:
0x0: {  	(pc) =	sbr.rel $0x88, $3  }
0x1: {  	(tag) =	ssettag $0x0;
	lr =	simm.s32 $0x1  }
0x2: {  	[smem:$0x3F9B] =	sst lr;
	_ =	strace $0xD0000000  }
0x3: {  	_ = 	snop  }
0x4: {  	_ = 	snop  }
0x5: {  	_ = 	snop  }
0x6: {  	_ = 	snop  }
0x7: {  	_ = 	snop  }
__scs_overlays_trampoline_lowered:
0x8: {  	[smem:$0x3FAA] =	sst s0  }
0x9: {  	[smem:$0x3FAB] =	sst s1  }
0xa: {  	[smem:$0x3FAC] =	sst s2  }
0xb: {  	[smem:$0x3FAD] =	sst s3  }
0xc: {  	[smem:$0x3FAE] =	sst s4  }
0xd: {  	[smem:$0x3FAF] =	sst s5  }
0xe: {  	[smem:$0x3FB0] =	sst s6  }
0xf: {  	[smem:$0x3FB1] =	sst s7  }
0x10: {  	[smem:$0x3FB2] =	sst s8  }
0x11: {  	[smem:$0x3FB3] =	sst s9;
	s0 =	simm.s32 @!p0 $0x0  }
0x12: {  	s1 =	sld [smem:$0x3F99];
	s0 =	simm.s32 @p0 $0x1  }
0x13: {  	[smem:$0x3FB4] =	sst s0;
	s0 =	simm.s32 @!p1 $0x0  }
0x14: {  	s2 =	sld [smem:$0x3F98];
	s0 =	simm.s32 @p1 $0x1  }
0x15: {  	[smem:$0x3FB5] =	sst s0;
	s0 =	simm.s32 @!p2 $0x0  }
0x16: {  	s3 =	sld [smem:$0x3FDB];
	s0 =	simm.s32 @p2 $0x1  }
0x17: {  	s4 =	simm.s32 $0x1BF5;
	[smem:$0x3FB7] =	sst s0  }
0x18: {  	s0 =	sld [smem:$0x3F9A];
	_ =	swait.ge [sflag:s4], $0x0  }
0x19: {  	s7 =	sld [smem:$0x3F9B]  }
0x1a: {  	s8 =	sadd.s32 $0xFFFFE003, lr  }
0x1b: {  	s9 =	sadd.s32 $0xFFFFFEF7, lr;
	s5 =	simm.s32 $0xFFFFFFFF;
	p2 =	slt.u32 s8, $0xFFFFF086  }
0x1c: {  	p1 =	slt.u32 s9, $0xF7A;
	s5 =	simm.s32 @!p2 $0x0  }
0x1d: {  	s5 =	simm.s32 @p1 $0x1;
	p0 =	seq.s32 s7, s2  }
0x1e: {  	s7 =	smul.u32 @!p0 $0xF7A, s2;
	p2 =	seq.s32 @!p0 s5, $0x0  }
0x1f: {  	s9 =	smul.u32 $0xF7A, s1;
	s8 =	simm.s32 @!p0 $0x1BF5;
	p2 =	por !p2, p0  }
0x20: {  	[sflag:s8] =	ssyncset.s32 @!p0 $0xFFFFF086;
	s6 =	sadd.s32 @!p0 s3, s7;
	s7 =	simm.s32 @!p0 $0x108  }
0x21: {  	s3 =	sadd.s32 s3, s9;
	s6 =	sadd.s32 @!p0 $0x88, s6;
	s7 =	simm.s32 @p2 $0x1082  }
0x22: {  	[simem:s7], [sflag:s8] =	dma.local @!p0 [hbm:s6], $0xF7A  }
0x23: {  	s9 =	sor.u32 $0xD0000000, s2;
	s6 =	simm.s32 $0x108;
	_ =	swait.ge @!p0 [sflag:s8], $0x0  }
0x24: {  	s3 =	sadd.s32 $0x88, s3;
	s6 =	simm.s32 @!p1 $0x1082;
	[sflag:s4] =	ssyncset.s32 $0xFFFFF086  }
0x25: {  	[simem:s6], [sflag:s4] =	dma.local [hbm:s3], $0xF7A  }
0x26: {  	[smem:$0x3F9B] =	sst s1;
	(tag) =	ssettag s2;
	_ =	strace s9  }
0x27: {  	s1 =	sld [smem:$0x3FAB]  }
0x28: {  	s2 =	sld [smem:$0x3FAC]  }
0x29: {  	s4 =	sld [smem:$0x3FAE]  }
0x2a: {  	p0 =	seq.s32 s5, $0x0;
	s5 =	sld [smem:$0x3FAF]  }
0x2b: {  	s6 =	sld [smem:$0x3FB0]  }
0x2c: {  	s7 =	sld [smem:$0x3FB1]  }
0x2d: {  	s3 =	simm.s32 $0x108;
	s8 =	sld [smem:$0x3FB2]  }
0x2e: {  	s3 =	simm.s32 @!p0 $0x1082;
	s9 =	sld [smem:$0x3FB3]  }
0x2f: {  	lr =	sadd.s32 s0, s3;
	s0 =	sld [smem:$0x3FAA]  }
0x30: {  	s3 =	sld [smem:$0x3FAD]  }
0x31: {  	[smem:$0x3FB6] =	sst s10  }
0x32: {  	s10 =	sld [smem:$0x3FB4];
	_ =	sdelay $0x3  }
0x33: {  	p0 =	seq.s32 s10, $0x1;
	s10 =	sld [smem:$0x3FB6];
	_ =	sdelay $0x3  }
0x34: {  	[smem:$0x3FB6] =	sst s10  }
0x35: {  	s10 =	sld [smem:$0x3FB5];
	_ =	sdelay $0x3  }
0x36: {  	p1 =	seq.s32 s10, $0x1;
	s10 =	sld [smem:$0x3FB6];
	_ =	sdelay $0x3  }
0x37: {  	[smem:$0x3FB6] =	sst s10  }
0x38: {  	s10 =	sld [smem:$0x3FB7]  }
0x39: {  	_ = 	snop;
	(pc) =	sbr.ind lr, $3  }
0x3a: {  	_ = 	snop  }
0x3b: {  	_ = 	snop  }
0x3c: {  	p2 =	seq.s32 s10, $0x1;
	s10 =	sld [smem:$0x3FB6]  }
0x3d: {  	_ =	shalt  }
0x3e: {  	_ =	shalt  }
0x3f: {  	_ =	shalt  }
0x40: {  	_ =	shalt  }
0x41: {  	_ =	shalt  }
0x42: {  	_ =	shalt  }
0x43: {  	_ =	shalt  }
0x44: {  	_ =	shalt  }
0x45: {  	_ =	shalt  }
0x46: {  	_ =	shalt  }
0x47: {  	_ =	shalt  }
0x48: {  	_ =	shalt  }
0x49: {  	_ =	shalt  }
0x4a: {  	_ =	shalt  }
0x4b: {  	_ =	shalt  }
0x4c: {  	_ =	shalt  }
0x4d: {  	_ =	shalt  }
0x4e: {  	_ =	shalt  }
0x4f: {  	_ =	shalt  }
0x50: {  	_ =	shalt  }
0x51: {  	_ =	shalt  }
0x52: {  	_ =	shalt  }
0x53: {  	_ =	shalt  }
0x54: {  	_ =	shalt  }
0x55: {  	_ =	shalt  }
0x56: {  	_ =	shalt  }
0x57: {  	_ =	shalt  }
0x58: {  	_ =	shalt  }
0x59: {  	_ =	shalt  }
0x5a: {  	_ =	shalt  }
0x5b: {  	_ =	shalt  }
0x5c: {  	_ =	shalt  }
0x5d: {  	_ =	shalt  }
0x5e: {  	_ =	shalt  }
0x5f: {  	_ =	shalt  }
0x60: {  	_ =	shalt  }
0x61: {  	_ =	shalt  }
0x62: {  	_ =	shalt  }
0x63: {  	_ =	shalt  }
0x64: {  	_ =	shalt  }
0x65: {  	_ =	shalt  }
0x66: {  	_ =	shalt  }
0x67: {  	_ =	shalt  }
0x68: {  	_ =	shalt  }
0x69: {  	_ =	shalt  }
0x6a: {  	_ =	shalt  }
0x6b: {  	_ =	shalt  }
0x6c: {  	_ =	shalt  }
0x6d: {  	_ =	shalt  }
0x6e: {  	_ =	shalt  }
0x6f: {  	_ =	shalt  }
0x70: {  	_ =	shalt  }
0x71: {  	_ =	shalt  }
0x72: {  	_ =	shalt  }
0x73: {  	_ =	shalt  }
0x74: {  	_ =	shalt  }
0x75: {  	_ =	shalt  }
0x76: {  	_ =	shalt  }
0x77: {  	_ =	shalt  }
0x78: {  	_ =	shalt  }
0x79: {  	_ =	shalt  }
0x7a: {  	_ =	shalt  }
0x7b: {  	_ =	shalt  }
0x7c: {  	_ =	shalt  }
0x7d: {  	_ =	shalt  }
0x7e: {  	_ =	shalt  }
0x7f: {  	_ =	shalt  }
0x80: {  	_ =	shalt  }
0x81: {  	_ =	shalt  }
0x82: {  	_ =	shalt  }
0x83: {  	_ =	shalt  }
0x84: {  	_ =	shalt  }
0x85: {  	_ =	shalt  }
0x86: {  	_ =	shalt  }
0x87: {  	_ =	shalt  }
.Lfunc_end0:
.L_simem_size_0:
called_computation_lowered:
.L_overlay_start_0:
0x88: {  	s2 =	sld [smem:$0x3FD9]  }
0x89: {  	s3 =	sld [smem:$0x3FFE];
	_ =	sdelay $0x1  }
0x8a: {  	s1 =	srdreg.scid  }
0x8b: {  	s0 =	sand.u32 $0x1, s1  }
0x8c: {  	s16 =	sshll.u32 s0, $0xA;
	s2 =	sadd.s32 s3, s2  }
0x8d: {  	s2 =	sadd.s32 s2, s16  }
0x8e: {  	[smem:$0x3FC2] =	sst s2  }
0x8f: {  	_ = 	snop  }
0x90: {  	(tm) =	ssettm $0x1  }
0x91: {  	s17 =	sld [smem:$0x3FFB];
	_ =	sdelay $0x3  }
0x92: {  	_ =	strace s17  }
0x93: {  	s2 =	sld [smem:$0x3FFC];
	_ =	sdelay $0x3  }
0x94: {  	_ =	strace s2  }
0x95: {  	s2 =	sld [smem:$0x3FFD];
	_ =	sdelay $0x3  }
0x96: {  	_ =	strace s2  }
0x97: {  	_ =	strace $0x8FFFFFFF  }
0x98: {  	s18 =	sld [smem:$0x3FDB];
	_ =	sdelay $0x1  }
0x99: {  	s19 =	simm.s32 $_scs_section_size  }
0x9a: {  	s4 =	simm.s32 $_size__tile_overlayer_lowered;
	s5 =	simm.s32 $_tile_overlayer_lowered  }
0x9b: {  	s22 =	simm.s32 $0x1BFF;
	s21 =	sshll.u32 s5, $0x1;
	s2 =	sadd.s32 s19, s18  }
0x9c: {  	s6 =	simm.s32 $0x0;
	s20 =	sshll.u32 s4, $0x1;
	s4 =	sadd.s32 s21, s2  }
0x9d: {  	[timem:s6], [sflag:s22] =	dma.local [hbm:s4], s20  }
0x9e: {  	_ =	swait.ge [sflag:s22], s20  }
0x9f: {  	s3 =	ssub.s32 $0x0, s20;
	[sflag:s22] =	ssyncset.done $0x0  }
0xa0: {  	[sflag:s22] =	ssyncadd.s32 s3;
	_ =	sdelay $0x1  }
0xa1: {  	s23 =	simm.s32 $0x1B8B  }
0xa2: {  	_ =	swait.ge [sflag:s23], $0x1  }
0xa3: {  	[sflag:s23] =	ssyncset.done $0x0  }
0xa4: {  	s25 =	simm.s32 $0x1B8E;
	s24 =	sld [smem:$0x3FFE];
	[sflag:s23] =	ssyncadd.s32 $0xFFFFFFFF  }
0xa5: {  	s26 =	simm.s32 $execute0_lowered;
	[smem:$0x3FD2] =	sst s25  }
0xa6: {  	s4 =	sshll.u32 s26, $0x1;
	_ =	strace $0x80000046;
	[dreg:$0x1] =	wrdreg $0xFFFFFFFF  }
0xa7: {  	s28 =	simm.s32 $_size_execute0_lowered;
	s2 =	sadd.s32 s2, s4;
	[dreg:$0x0] =	wrdreg $0x0  }
0xa8: {  	s4 =	sshll.u32 s28, $0x1;
	[dreg:$0x2] =	wrdreg s2  }
0xa9: {  	[dreg:$0x3] =	wrdreg s4  }
0xaa: {  	[dreg:$0x4] =	wrdreg $0xC0  }
0xab: {  	_ =	task [dreg:s6], $0x5FFFF  }
0xac: {  	[dreg:$0x1] =	wrdreg $0xFFFFFFFF  }
0xad: {  	[dreg:$0x0] =	wrdreg $0x60  }
0xae: {  	[dreg:$0x2] =	wrdreg s24  }
0xaf: {  	[dreg:$0x3] =	wrdreg $0x9  }
0xb0: {  	_ =	task.clear_ibuf [dreg:s6], $0x4FFFF;
	_ =	strace $0x90000046  }
0xb1: {  	s29 =	simm.s32 $0x9;
	_ =	strace $0x80000048  }
0xb2: {  	_ =	swait.ge [sflag:s29], $0x1  }
0xb3: {  	[sflag:s29] =	ssyncadd.s32 $0xFFFFFFFF  }
0xb4: {  	_ =	strace $0x90000048  }
0xb5: {  	_ =	sfence  }
0xb6: {  	s30 =	sld [smem:$0x0];
	_ =	sdelay $0x2  }
0xb7: {  	s31 =	sshll.u32 s1, $0xD;
	s1 =	sshrl.u32 s1, $0x2  }
0xb8: {  	s3 =	sand.u32 $0x4000, s31;
	s1 =	sadd.s32 s1, s30  }
0xb9: {  	s0 =	sor.u32 s3, s0;
	s1 =	sshll.u32 s1, $0x11  }
0xba: {  	s0 =	sor.u32 s1, s0  }
0xbb: {  	s0 =	sadd.s32 $0x8F2B, s0  }
0xbc: {  	[sflag:s0] =	ssyncadd.remote.s32 $0x1  }
0xbd: {  	_ =	sfence.sel $0xFFFF  }
0xbe: {  	[dreg:$0x0] =	wrdreg $0xFFFFFFFF;
	(pc) =	sbr.abs _section_cstart, $3  }
0xbf: {  	[dreg:$0x1] =	wrdreg $0xFFFFFFFF  }
0xc0: {  	_ =	task.clear_ibuf [dreg:s6], $0x2FFFF;
	_ =	strace $0x9FFFFFFF  }
0xc1: {  	(tm) =	ssettm $0x7FFFFFFF  }
tec
execute0_lowered:
.L_overlay_start_1:
0x0: {  	(tag) =	ssettag $0x1  }
0x1: {  	s0 =	rddreg [dreg:$0x0];
	s1 =	srdreg.scid  }
0x2: {  	s8 =	simm.s32 $0x0;
	s2 =	stileid.u32;
	s10 =	simm.s32 $0x3  }
0x3: {  	s11 =	simm.s32 $0x50;
	s31 =	simm.s32 $0x320;
	s14 =	simm.s32 $0x7E40  }
0x4: {  	s15 =	simm.s32 $0x410;
	s16 =	simm.s32 $0x8840;
	s17 =	simm.s32 $0x460  }
0x5: {  	s18 =	simm.s32 $0x9240;
	s19 =	simm.s32 $0x4B0;
	s20 =	simm.s32 $0x9C40  }
0x6: {  	s21 =	simm.s32 $0x500;
	s22 =	simm.s32 $0xA640;
	s23 =	simm.s32 $0x550  }
0x7: {  	s24 =	simm.s32 $0xB040;
	s25 =	simm.s32 $0x5A0;
	s28 =	simm.s32 $0x5F0  }
0x8: {  	s29 =	simm.s32 $0xC440;
	s30 =	simm.s32 $0x1;
	s1 =	sand.u32 $0x1, s1  }
0x9: {  	[smem:$0x7FF] =	sst s8;
	s2 =	sshll.u32 s2, $0xA;
	s4 =	sadd.s32 $0xF42E00, s0  }
0xa: {  	s5 =	sadd.s32 $0xA00, s0;
	s3 =	sshll.u32 s1, $0x9;
	s1 =	ssub.s32 $0x2, s1  }
0xb: {  	_ =	strace $0x80000047;
	s3 =	sor.u32 s3, s2;
	s7 =	sshrl.u32 s1, $0x1  }
0xc: {  	s2 =	smul.u32 $0x32, s3;
	s6 =	sshll.u32 s3, $0x2;
	s1 =	ssub.s32 s1, s7  }
0xd: {  	s7 =	sor.u32 $0x20, s3;
	s0 =	sadd.s32 s6, s0;
	s26 =	smax.u32 s1, $0x1  }
0xe: {  	s2 =	sshrl.u32 s2, $0x3;
	s0 =	sadd.s32 $0x19A00, s0;
	[dreg:$0x4] =	wrdreg s26  }
0xf: {  	s6 =	simm.s32 $0x2;
	s2 =	sadd.s32 s5, s2;
	[dreg:$0x3] =	wrdreg s0  }
0x10: {  	s1 =	simm.s32 $0x0;
	s26 =	simm.s32 $0xBA40;
	[dreg:$0x2] =	wrdreg s2  }
.LBB2_1:
0x11: {  	[dreg:$0x5] =	wrdreg s1  }
0x12: {  	s0 =	rddreg [dreg:$0x2]  }
0x13: {  	[tilespmem:s8], [sflag:$0x3] =	stream.linear.gather [hbm4b:s0+s8], $0x320, $0x38;
	[tilespmem:$0x10E40] =	vst v63  }
0x14: {  	_ =	swait.ge [sflag:s10], $0x320  }
0x15: {  	[sflag:s10] =	ssyncset.done $0x0  }
0x16: {  	s1 =	simm.s32 $0x640;
	[sflag:s10] =	ssyncadd.s32 $0xFFFFFCE0  }
0x17: {  	[tilespmem:s1], [sflag:$0x1] =	stream.indirect.gather [hbm4b:s4+s11], $0x20, s8, s11, $0xb8;
	[tilespmem:$0x10E40] =	vst v63  }
0x18: {  	s2 =	simm.s32 $0x1040  }
0x19: {  	[tilespmem:s2], [sflag:$0x1] =	stream.indirect.gather [hbm4b:s4+s11], $0x20, s11, s11, $0xb8;
	[tilespmem:$0x10E40] =	vst v63  }
0x1a: {  	s9 =	simm.s32 $0x1A40;
	s8 =	simm.s32 $0xA0  }
0x1b: {  	[tilespmem:s9], [sflag:$0x1] =	stream.indirect.gather [hbm4b:s4+s11], $0x20, s8, s11, $0xb8;
	[tilespmem:$0x10E40] =	vst v63  }
0x1c: {  	s12 =	simm.s32 $0xF0;
	s13 =	simm.s32 $0x2440  }
0x1d: {  	[tilespmem:s13], [sflag:$0x1] =	stream.indirect.gather [hbm4b:s4+s11], $0x20, s12, s11, $0xb8;
	[tilespmem:$0x10E40] =	vst v63  }
0x1e: {  	s1 =	simm.s32 $0x140;
	s2 =	simm.s32 $0x2E40  }
0x1f: {  	[tilespmem:s2], [sflag:$0x1] =	stream.indirect.gather [hbm4b:s4+s11], $0x20, s1, s11, $0xb8;
	[tilespmem:$0x10E40] =	vst v63  }
0x20: {  	s8 =	simm.s32 $0x190;
	s9 =	simm.s32 $0x3840  }
0x21: {  	[tilespmem:s9], [sflag:$0x1] =	stream.indirect.gather [hbm4b:s4+s11], $0x20, s8, s11, $0xb8;
	[tilespmem:$0x10E40] =	vst v63  }
0x22: {  	s12 =	simm.s32 $0x1E0;
	s13 =	simm.s32 $0x4240  }
0x23: {  	[tilespmem:s13], [sflag:$0x1] =	stream.indirect.gather [hbm4b:s4+s11], $0x20, s12, s11, $0xb8;
	[tilespmem:$0x10E40] =	vst v63  }
0x24: {  	s1 =	simm.s32 $0x230;
	s2 =	simm.s32 $0x4C40;
	s8 =	simm.s32 $0x280  }
0x25: {  	[tilespmem:s2], [sflag:$0x1] =	stream.indirect.gather [hbm4b:s4+s11], $0x20, s1, s11, $0xb8;
	[tilespmem:$0x10E40] =	vst v63  }
0x26: {  	s9 =	simm.s32 $0x5640;
	s12 =	simm.s32 $0x2D0;
	s13 =	simm.s32 $0x6040  }
0x27: {  	[tilespmem:s9], [sflag:$0x1] =	stream.indirect.gather [hbm4b:s4+s11], $0x20, s8, s11, $0xb8;
	[tilespmem:$0x10E40] =	vst v63  }
0x28: {  	s2 =	simm.s32 $0xD050;
	s9 =	simm.s32 $0xCE50;
	s8 =	simm.s32 $0x0  }
0x29: {  	[tilespmem:s13], [sflag:$0x1] =	stream.indirect.gather [hbm4b:s4+s11], $0x20, s12, s11, $0xb8;
	[tilespmem:$0x10E40] =	vst v63  }
.LBB2_2:
0x2a: {  	s0 =	sshll.u32 s8, $0x5  }
0x2b: {  	s0 =	sadd.s32 s0, s3  }
0x2c: {  	s0 =	smul.u32 $0x32, s0;
	_ =	sdelay $0x1  }
0x2d: {  	s0 =	sadd.s32 $0x320, s0  }
0x2e: {  	s0 =	sshrl.u32 s0, $0x3  }
0x2f: {  	s1 =	sadd.s32 s5, s0;
	s0 =	simm.s32 $0x0  }
0x30: {  	[tilespmem:s31], [sflag:$0x3] =	stream.linear.gather [hbm4b:s1+s0], $0x320, $0x38;
	[tilespmem:$0x10E40] =	vst v63  }
0x31: {  	_ =	swait.ge [sflag:s10], $0x320  }
0x32: {  	[sflag:s10] =	ssyncset.done $0x0  }
0x33: {  	s12 =	simm.s32 $0x6A40;
	[sflag:s10] =	ssyncadd.s32 $0xFFFFFCE0  }
0x34: {  	[tilespmem:s12], [sflag:$0x2] =	stream.indirect.gather [hbm4b:s4+s11], $0x20, s31, s11, $0xb8;
	[tilespmem:$0x10E40] =	vst v63  }
0x35: {  	s13 =	simm.s32 $0x370;
	s12 =	simm.s32 $0x7440  }
0x36: {  	[tilespmem:s12], [sflag:$0x2] =	stream.indirect.gather [hbm4b:s4+s11], $0x20, s13, s11, $0xb8;
	[tilespmem:$0x10E40] =	vst v63  }
0x37: {  	s13 =	simm.s32 $0x3C0  }
0x38: {  	[tilespmem:s14], [sflag:$0x2] =	stream.indirect.gather [hbm4b:s4+s11], $0x20, s13, s11, $0xb8;
	[tilespmem:$0x10E40] =	vst v63  }
0x39: {  	_ = 	snop  }
0x3a: {  	[tilespmem:s16], [sflag:$0x2] =	stream.indirect.gather [hbm4b:s4+s11], $0x20, s15, s11, $0xb8;
	[tilespmem:$0x10E40] =	vst v63  }
0x3b: {  	_ = 	snop  }
0x3c: {  	[tilespmem:s18], [sflag:$0x2] =	stream.indirect.gather [hbm4b:s4+s11], $0x20, s17, s11, $0xb8;
	[tilespmem:$0x10E40] =	vst v63  }
0x3d: {  	_ = 	snop  }
0x3e: {  	[tilespmem:s20], [sflag:$0x2] =	stream.indirect.gather [hbm4b:s4+s11], $0x20, s19, s11, $0xb8;
	[tilespmem:$0x10E40] =	vst v63  }
0x3f: {  	_ = 	snop  }
0x40: {  	[tilespmem:s22], [sflag:$0x2] =	stream.indirect.gather [hbm4b:s4+s11], $0x20, s21, s11, $0xb8;
	[tilespmem:$0x10E40] =	vst v63  }
0x41: {  	_ = 	snop  }
0x42: {  	[tilespmem:s24], [sflag:$0x2] =	stream.indirect.gather [hbm4b:s4+s11], $0x20, s23, s11, $0xb8;
	[tilespmem:$0x10E40] =	vst v63  }
0x43: {  	_ = 	snop  }
0x44: {  	[tilespmem:s26], [sflag:$0x2] =	stream.indirect.gather [hbm4b:s4+s11], $0x20, s25, s11, $0xb8;
	[tilespmem:$0x10E40] =	vst v63  }
0x45: {  	_ = 	snop  }
0x46: {  	[tilespmem:s29], [sflag:$0x2] =	stream.indirect.gather [hbm4b:s4+s11], $0x20, s28, s11, $0xb8;
	[tilespmem:$0x10E40] =	vst v63  }
0x47: {  	_ =	swait.ge [sflag:s30], $0xA00  }
0x48: {  	[sflag:s30] =	ssyncset.done $0x0  }
0x49: {  	[sflag:s30] =	ssyncadd.s32 $0xFFFFF600  }
0x4a: {  	_ =	swait.ge [sflag:s30], $0xA00  }
0x4b: {  	[sflag:s30] =	ssyncset.done $0x0  }
0x4c: {  	[sflag:s30] =	ssyncadd.s32 $0xFFFFF600  }
0x4d: {  	_ =	swait.ge [sflag:s30], $0xA00  }
0x4e: {  	[sflag:s30] =	ssyncset.done $0x0  }
0x4f: {  	[sflag:s30] =	ssyncadd.s32 $0xFFFFF600  }
0x50: {  	_ =	swait.ge [sflag:s30], $0xA00  }
0x51: {  	[sflag:s30] =	ssyncset.done $0x0  }
0x52: {  	[sflag:s30] =	ssyncadd.s32 $0xFFFFF600  }
0x53: {  	_ =	swait.ge [sflag:s30], $0xA00  }
0x54: {  	[sflag:s30] =	ssyncset.done $0x0  }
0x55: {  	[sflag:s30] =	ssyncadd.s32 $0xFFFFF600  }
0x56: {  	_ =	swait.ge [sflag:s30], $0xA00  }
0x57: {  	[sflag:s30] =	ssyncset.done $0x0  }
0x58: {  	[sflag:s30] =	ssyncadd.s32 $0xFFFFF600  }
0x59: {  	_ =	swait.ge [sflag:s30], $0xA00  }
0x5a: {  	[sflag:s30] =	ssyncset.done $0x0  }
0x5b: {  	[sflag:s30] =	ssyncadd.s32 $0xFFFFF600  }
0x5c: {  	_ =	swait.ge [sflag:s30], $0xA00  }
0x5d: {  	[sflag:s30] =	ssyncset.done $0x0  }
0x5e: {  	[sflag:s30] =	ssyncadd.s32 $0xFFFFF600  }
0x5f: {  	_ =	swait.ge [sflag:s30], $0xA00  }
0x60: {  	[sflag:s30] =	ssyncset.done $0x0  }
0x61: {  	[sflag:s30] =	ssyncadd.s32 $0xFFFFF600  }
0x62: {  	_ =	swait.ge [sflag:s30], $0xA00  }
0x63: {  	[sflag:s30] =	ssyncset.done $0x0  }
0x64: {  	s1 =	simm.s32 $0x960;
	[sflag:s30] =	ssyncadd.s32 $0xFFFFF600  }
0x65: {  	v1 =	vld [tilespmem:s1+$0xFFFFFD10]  }
0x66: {  	v2 =	vld [tilespmem:s1+$0xFFFFFD00]  }
0x67: {  	v4 =	vld [tilespmem:s1+$0xFFFFFCE0]  }
0x68: {  	v0 =	vmov s9;
	s12 =	simm.s32 $0x80;
	v3 =	vld [tilespmem:s1+$0xFFFFFCF0]  }
.LBB2_3:
0x69: {  	p0 =	sne.s32 s12, $0x780;
	v5 =	vld [tilespmem:s1+$0xFFFFFD20]  }
0x6a: {  	v6 =	vld [tilespmem:s1+$0xFFFFFD30]  }
0x6b: {  	v7 =	vld [tilespmem:s1+$0xFFFFFD40]  }
0x6c: {  	v2 =	vadd.f32 v2, v4;
	v4 =	vld [tilespmem:s1+$0xFFFFFD50]  }
0x6d: {  	v1 =	vadd.f32 v1, v3;
	v3 =	vld [tilespmem:s1+$0xFFFFFD60]  }
0x6e: {  	v2 =	vadd.f32 v5, v2;
	v5 =	vld [tilespmem:s1+$0xFFFFFD70]  }
0x6f: {  	v1 =	vadd.f32 v6, v1;
	v6 =	vld [tilespmem:s1+$0xFFFFFD80]  }
0x70: {  	v2 =	vadd.f32 v7, v2;
	v7 =	vld [tilespmem:s1+$0xFFFFFD90]  }
0x71: {  	v1 =	vadd.f32 v4, v1;
	v4 =	vld [tilespmem:s1+$0xFFFFFDA0]  }
0x72: {  	v2 =	vadd.f32 v3, v2;
	v3 =	vld [tilespmem:s1+$0xFFFFFDB0]  }
0x73: {  	v1 =	vadd.f32 v5, v1;
	v5 =	vld [tilespmem:s1+$0xFFFFFDC0]  }
0x74: {  	v2 =	vadd.f32 v6, v2;
	v6 =	vld [tilespmem:s1+$0xFFFFFDD0]  }
0x75: {  	v1 =	vadd.f32 v7, v1;
	v7 =	vld [tilespmem:s1+$0xFFFFFDE0]  }
0x76: {  	v2 =	vadd.f32 v4, v2;
	v4 =	vld [tilespmem:s1+$0xFFFFFDF0]  }
0x77: {  	v1 =	vadd.f32 v3, v1;
	v3 =	vld [tilespmem:s1+$0xFFFFFE00]  }
0x78: {  	v2 =	vadd.f32 v5, v2;
	v5 =	vld [tilespmem:s1+$0xFFFFFE10]  }
0x79: {  	v1 =	vadd.f32 v6, v1;
	v6 =	vld [tilespmem:s1+$0xFFFFFE20]  }
0x7a: {  	v2 =	vadd.f32 v7, v2;
	v7 =	vld [tilespmem:s1+$0xFFFFFE30]  }
0x7b: {  	v1 =	vadd.f32 v4, v1;
	v4 =	vld [tilespmem:s1+$0xFFFFFE40]  }
0x7c: {  	v2 =	vadd.f32 v3, v2;
	v3 =	vld [tilespmem:s1+$0xFFFFFE50]  }
0x7d: {  	v1 =	vadd.f32 v5, v1;
	v5 =	vld [tilespmem:s1+$0xFFFFFE60]  }
0x7e: {  	v2 =	vadd.f32 v6, v2;
	v6 =	vld [tilespmem:s1+$0xFFFFFE70]  }
0x7f: {  	v1 =	vadd.f32 v7, v1;
	v7 =	vld [tilespmem:s1+$0xFFFFFE80]  }
0x80: {  	v2 =	vadd.f32 v4, v2;
	v4 =	vld [tilespmem:s1+$0xFFFFFE90]  }
0x81: {  	v1 =	vadd.f32 v3, v1;
	v3 =	vld [tilespmem:s1+$0xFFFFFEA0]  }
0x82: {  	v2 =	vadd.f32 v5, v2;
	v5 =	vld [tilespmem:s1+$0xFFFFFEB0]  }
0x83: {  	v1 =	vadd.f32 v6, v1;
	v6 =	vld [tilespmem:s1+$0xFFFFFEC0]  }
0x84: {  	v2 =	vadd.f32 v7, v2;
	v7 =	vld [tilespmem:s1+$0xFFFFFED0]  }
0x85: {  	v1 =	vadd.f32 v4, v1;
	v4 =	vld [tilespmem:s1+$0xFFFFFEE0]  }
0x86: {  	v2 =	vadd.f32 v3, v2;
	v3 =	vld [tilespmem:s1+$0xFFFFFEF0]  }
0x87: {  	v1 =	vadd.f32 v5, v1;
	v5 =	vld [tilespmem:s1+$0xFFFFFF00]  }
0x88: {  	v2 =	vadd.f32 v6, v2;
	v6 =	vld [tilespmem:s1+$0xFFFFFF10]  }
0x89: {  	v1 =	vadd.f32 v7, v1;
	v7 =	vld [tilespmem:s1+$0xFFFFFF20]  }
0x8a: {  	v2 =	vadd.f32 v4, v2;
	v4 =	vld [tilespmem:s1+$0xFFFFFF30]  }
0x8b: {  	v1 =	vadd.f32 v3, v1;
	v3 =	vld [tilespmem:s1+$0xFFFFFF40]  }
0x8c: {  	v2 =	vadd.f32 v5, v2;
	v5 =	vld [tilespmem:s1+$0xFFFFFF50]  }
0x8d: {  	v1 =	vadd.f32 v6, v1;
	v6 =	vld [tilespmem:s1+$0xFFFFFF60]  }
0x8e: {  	v2 =	vadd.f32 v7, v2;
	v7 =	vld [tilespmem:s1+$0xFFFFFF70]  }
0x8f: {  	v1 =	vadd.f32 v4, v1;
	v4 =	vld [tilespmem:s1+$0xFFFFFF80]  }
0x90: {  	v2 =	vadd.f32 v3, v2;
	v3 =	vld [tilespmem:s1+$0xFFFFFF90]  }
0x91: {  	v1 =	vadd.f32 v5, v1;
	v5 =	vld [tilespmem:s1+$0xFFFFFFA0]  }
0x92: {  	v2 =	vadd.f32 v6, v2;
	v6 =	vld [tilespmem:s1+$0xFFFFFFB0]  }
0x93: {  	v1 =	vadd.f32 v7, v1;
	v7 =	vld [tilespmem:s1+$0xFFFFFFC0]  }
0x94: {  	v2 =	vadd.f32 v4, v2;
	v4 =	vld [tilespmem:s1+$0xFFFFFFD0]  }
0x95: {  	v1 =	vadd.f32 v3, v1;
	v3 =	vld [tilespmem:s1+$0xFFFFFFE0]  }
0x96: {  	v2 =	vadd.f32 v5, v2;
	v5 =	vld [tilespmem:s1+$0xFFFFFFF0]  }
0x97: {  	v1 =	vadd.f32 v6, v1;
	v6 =	vld [tilespmem:s1+$0x0]  }
0x98: {  	v2 =	vadd.f32 v7, v2;
	v7 =	vld [tilespmem:s1+$0x10]  }
0x99: {  	v1 =	vadd.f32 v4, v1;
	v4 =	vld [tilespmem:s1+$0x20]  }
0x9a: {  	v2 =	vadd.f32 v3, v2;
	v3 =	vld [tilespmem:s1+$0x30]  }
0x9b: {  	v1 =	vadd.f32 v5, v1;
	v5 =	vld [tilespmem:s1+$0x40]  }
0x9c: {  	v2 =	vadd.f32 v6, v2;
	v6 =	vld [tilespmem:s1+$0x50]  }
0x9d: {  	v1 =	vadd.f32 v7, v1;
	v7 =	vld [tilespmem:s1+$0x60]  }
0x9e: {  	v2 =	vadd.f32 v4, v2;
	v4 =	vld [tilespmem:s1+$0x70]  }
0x9f: {  	v1 =	vadd.f32 v3, v1;
	v3 =	vld [tilespmem:s1+$0x80]  }
0xa0: {  	v2 =	vadd.f32 v5, v2;
	v5 =	vld [tilespmem:s1+$0x90]  }
0xa1: {  	v1 =	vadd.f32 v6, v1;
	v6 =	vld [tilespmem:s1+$0xA0]  }
0xa2: {  	v2 =	vadd.f32 v7, v2;
	v7 =	vld [tilespmem:s1+$0xB0]  }
0xa3: {  	v1 =	vadd.f32 v4, v1;
	v4 =	vld [tilespmem:s1+$0xC0]  }
0xa4: {  	v2 =	vadd.f32 v3, v2;
	v3 =	vld [tilespmem:s1+$0xD0]  }
0xa5: {  	v1 =	vadd.f32 v5, v1;
	v5 =	vld [tilespmem:s1+$0xE0]  }
0xa6: {  	v2 =	vadd.f32 v6, v2;
	v6 =	vld [tilespmem:s1+$0xF0]  }
0xa7: {  	v1 =	vadd.f32 v7, v1;
	v7 =	vld [tilespmem:s1+$0x100]  }
0xa8: {  	v2 =	vadd.f32 v4, v2;
	v4 =	vld [tilespmem:s1+$0x110]  }
0xa9: {  	v1 =	vadd.f32 v3, v1;
	v3 =	vld [tilespmem:s1+$0x120]  }
0xaa: {  	v2 =	vadd.f32 v5, v2;
	v5 =	vld [tilespmem:s1+$0x130]  }
0xab: {  	v1 =	vadd.f32 v6, v1;
	v6 =	vld [tilespmem:s1+$0x140]  }
0xac: {  	v2 =	vadd.f32 v7, v2;
	v7 =	vld [tilespmem:s1+$0x150]  }
0xad: {  	v1 =	vadd.f32 v4, v1;
	v4 =	vld [tilespmem:s1+$0x160]  }
0xae: {  	v2 =	vadd.f32 v3, v2;
	v3 =	vld [tilespmem:s1+$0x170]  }
0xaf: {  	v1 =	vadd.f32 v5, v1;
	v5 =	vld [tilespmem:s1+$0x180]  }
0xb0: {  	v2 =	vadd.f32 v6, v2;
	v6 =	vld [tilespmem:s1+$0x190]  }
0xb1: {  	v1 =	vadd.f32 v7, v1;
	v7 =	vld [tilespmem:s1+$0x1A0]  }
0xb2: {  	v2 =	vadd.f32 v4, v2;
	v4 =	vld [tilespmem:s1+$0x1B0]  }
0xb3: {  	v1 =	vadd.f32 v3, v1;
	v3 =	vld [tilespmem:s1+$0x1C0]  }
0xb4: {  	v2 =	vadd.f32 v5, v2;
	v5 =	vld [tilespmem:s1+$0x1D0]  }
0xb5: {  	v1 =	vadd.f32 v6, v1;
	v6 =	vld [tilespmem:s1+$0x1E0]  }
0xb6: {  	v2 =	vadd.f32 v7, v2;
	v7 =	vld [tilespmem:s1+$0x1F0]  }
0xb7: {  	v1 =	vadd.f32 v4, v1;
	v4 =	vld [tilespmem:s1+$0x200]  }
0xb8: {  	v2 =	vadd.f32 v3, v2;
	v3 =	vld [tilespmem:s1+$0x210]  }
0xb9: {  	v1 =	vadd.f32 v5, v1;
	v5 =	vld [tilespmem:s1+$0x220]  }
0xba: {  	v2 =	vadd.f32 v6, v2;
	v6 =	vld [tilespmem:s1+$0x230]  }
0xbb: {  	v1 =	vadd.f32 v7, v1;
	v7 =	vld [tilespmem:s1+$0x240]  }
0xbc: {  	v2 =	vadd.f32 v4, v2;
	v4 =	vld [tilespmem:s1+$0x250]  }
0xbd: {  	v1 =	vadd.f32 v3, v1;
	v3 =	vld [tilespmem:s1+$0x260]  }
0xbe: {  	v2 =	vadd.f32 v5, v2;
	v5 =	vld [tilespmem:s1+$0x270]  }
0xbf: {  	v1 =	vadd.f32 v6, v1;
	v6 =	vld [tilespmem:s1+$0x280]  }
0xc0: {  	v2 =	vadd.f32 v7, v2;
	v7 =	vld [tilespmem:s1+$0x290]  }
0xc1: {  	v1 =	vadd.f32 v4, v1;
	v4 =	vld [tilespmem:s1+$0x2A0]  }
0xc2: {  	v2 =	vadd.f32 v3, v2;
	v3 =	vld [tilespmem:s1+$0x2B0]  }
0xc3: {  	v1 =	vadd.f32 v5, v1;
	v5 =	vld [tilespmem:s1+$0x2C0]  }
0xc4: {  	v2 =	vadd.f32 v6, v2;
	v6 =	vld [tilespmem:s1+$0x2D0]  }
0xc5: {  	v1 =	vadd.f32 v7, v1;
	v7 =	vld [tilespmem:s1+$0x2E0]  }
0xc6: {  	v2 =	vadd.f32 v4, v2;
	v4 =	vld [tilespmem:s1+$0x2F0]  }
0xc7: {  	v1 =	vadd.f32 v3, v1;
	v3 =	vld [tilespmem:s1+$0x300]  }
0xc8: {  	v2 =	vadd.f32 v5, v2;
	v5 =	vld [tilespmem:s1+$0x310]  }
0xc9: {  	v1 =	vadd.f32 v6, v1  }
0xca: {  	v2 =	vadd.f32 v7, v2  }
0xcb: {  	v1 =	vadd.f32 v4, v1  }
0xcc: {  	v2 =	vadd.f32 v3, v2  }
0xcd: {  	s13 =	sshra.s32 s0, $0x2;
	s0 =	smov.u32 s12;
	v1 =	vadd.f32 v5, v1  }
0xce: {  	[tilespmem:v0+s13+$0xFFFFFFF0 ss:$0x1] =	vst.idx.msk $0xffff, v2  }
.Ltmp0:
0xcf: {  	s1 =	sadd.s32 $0x640, s1;
	[tilespmem:v0+s13+$0x0 ss:$0x1] =	vst.idx.msk $0xffff, v1;
	(pc) =	sbr.rel @p0 .LBB2_3-.Ltmp0, $4  }
0xd0: {  	v1 =	vld [tilespmem:s1+$0xFFFFFD10]  }
0xd1: {  	v2 =	vld [tilespmem:s1+$0xFFFFFD00]  }
0xd2: {  	v4 =	vld [tilespmem:s1+$0xFFFFFCE0]  }
0xd3: {  	s12 =	sadd.s32 $0x80, s12;
	v3 =	vld [tilespmem:s1+$0xFFFFFCF0]  }
0xd4: {  	v5 =	vld [tilespmem:s1+$0xFFFFFD20]  }
0xd5: {  	v6 =	vld [tilespmem:s1+$0xFFFFFD30]  }
0xd6: {  	v7 =	vld [tilespmem:s1+$0xFFFFFD40]  }
0xd7: {  	v2 =	vadd.f32 v2, v4;
	v4 =	vld [tilespmem:s1+$0xFFFFFD50]  }
0xd8: {  	v1 =	vadd.f32 v1, v3;
	v3 =	vld [tilespmem:s1+$0xFFFFFD60]  }
0xd9: {  	v2 =	vadd.f32 v5, v2;
	v5 =	vld [tilespmem:s1+$0xFFFFFD70]  }
0xda: {  	v1 =	vadd.f32 v6, v1;
	v6 =	vld [tilespmem:s1+$0xFFFFFD80]  }
0xdb: {  	v2 =	vadd.f32 v7, v2;
	v7 =	vld [tilespmem:s1+$0xFFFFFD90]  }
0xdc: {  	v1 =	vadd.f32 v4, v1;
	v4 =	vld [tilespmem:s1+$0xFFFFFDA0]  }
0xdd: {  	v2 =	vadd.f32 v3, v2;
	v3 =	vld [tilespmem:s1+$0xFFFFFDB0]  }
0xde: {  	v1 =	vadd.f32 v5, v1;
	v5 =	vld [tilespmem:s1+$0xFFFFFDC0]  }
0xdf: {  	v2 =	vadd.f32 v6, v2;
	v6 =	vld [tilespmem:s1+$0xFFFFFDD0]  }
0xe0: {  	v1 =	vadd.f32 v7, v1;
	v7 =	vld [tilespmem:s1+$0xFFFFFDE0]  }
0xe1: {  	v2 =	vadd.f32 v4, v2;
	v4 =	vld [tilespmem:s1+$0xFFFFFDF0]  }
0xe2: {  	v1 =	vadd.f32 v3, v1;
	v3 =	vld [tilespmem:s1+$0xFFFFFE00]  }
0xe3: {  	v2 =	vadd.f32 v5, v2;
	v5 =	vld [tilespmem:s1+$0xFFFFFE10]  }
0xe4: {  	v1 =	vadd.f32 v6, v1;
	v6 =	vld [tilespmem:s1+$0xFFFFFE20]  }
0xe5: {  	v2 =	vadd.f32 v7, v2;
	v7 =	vld [tilespmem:s1+$0xFFFFFE30]  }
0xe6: {  	v1 =	vadd.f32 v4, v1;
	v4 =	vld [tilespmem:s1+$0xFFFFFE40]  }
0xe7: {  	v2 =	vadd.f32 v3, v2;
	v3 =	vld [tilespmem:s1+$0xFFFFFE50]  }
0xe8: {  	v1 =	vadd.f32 v5, v1;
	v5 =	vld [tilespmem:s1+$0xFFFFFE60]  }
0xe9: {  	v2 =	vadd.f32 v6, v2;
	v6 =	vld [tilespmem:s1+$0xFFFFFE70]  }
0xea: {  	v1 =	vadd.f32 v7, v1;
	v7 =	vld [tilespmem:s1+$0xFFFFFE80]  }
0xeb: {  	v2 =	vadd.f32 v4, v2;
	v4 =	vld [tilespmem:s1+$0xFFFFFE90]  }
0xec: {  	v1 =	vadd.f32 v3, v1;
	v3 =	vld [tilespmem:s1+$0xFFFFFEA0]  }
0xed: {  	v2 =	vadd.f32 v5, v2;
	v5 =	vld [tilespmem:s1+$0xFFFFFEB0]  }
0xee: {  	v1 =	vadd.f32 v6, v1;
	v6 =	vld [tilespmem:s1+$0xFFFFFEC0]  }
0xef: {  	v2 =	vadd.f32 v7, v2;
	v7 =	vld [tilespmem:s1+$0xFFFFFED0]  }
0xf0: {  	v1 =	vadd.f32 v4, v1;
	v4 =	vld [tilespmem:s1+$0xFFFFFEE0]  }
0xf1: {  	v2 =	vadd.f32 v3, v2;
	v3 =	vld [tilespmem:s1+$0xFFFFFEF0]  }
0xf2: {  	v1 =	vadd.f32 v5, v1;
	v5 =	vld [tilespmem:s1+$0xFFFFFF00]  }
0xf3: {  	v2 =	vadd.f32 v6, v2;
	v6 =	vld [tilespmem:s1+$0xFFFFFF10]  }
0xf4: {  	v1 =	vadd.f32 v7, v1;
	v7 =	vld [tilespmem:s1+$0xFFFFFF20]  }
0xf5: {  	v2 =	vadd.f32 v4, v2;
	v4 =	vld [tilespmem:s1+$0xFFFFFF30]  }
0xf6: {  	v1 =	vadd.f32 v3, v1;
	v3 =	vld [tilespmem:s1+$0xFFFFFF40]  }
0xf7: {  	v2 =	vadd.f32 v5, v2;
	v5 =	vld [tilespmem:s1+$0xFFFFFF50]  }
0xf8: {  	v1 =	vadd.f32 v6, v1;
	v6 =	vld [tilespmem:s1+$0xFFFFFF60]  }
0xf9: {  	v2 =	vadd.f32 v7, v2;
	v7 =	vld [tilespmem:s1+$0xFFFFFF70]  }
0xfa: {  	v1 =	vadd.f32 v4, v1;
	v4 =	vld [tilespmem:s1+$0xFFFFFF80]  }
0xfb: {  	v2 =	vadd.f32 v3, v2;
	v3 =	vld [tilespmem:s1+$0xFFFFFF90]  }
0xfc: {  	v1 =	vadd.f32 v5, v1;
	v5 =	vld [tilespmem:s1+$0xFFFFFFA0]  }
0xfd: {  	v2 =	vadd.f32 v6, v2;
	v6 =	vld [tilespmem:s1+$0xFFFFFFB0]  }
0xfe: {  	v1 =	vadd.f32 v7, v1;
	v7 =	vld [tilespmem:s1+$0xFFFFFFC0]  }
0xff: {  	v2 =	vadd.f32 v4, v2;
	v4 =	vld [tilespmem:s1+$0xFFFFFFD0]  }
0x100: {  	v1 =	vadd.f32 v3, v1;
	v3 =	vld [tilespmem:s1+$0xFFFFFFE0]  }
0x101: {  	v2 =	vadd.f32 v5, v2;
	v5 =	vld [tilespmem:s1+$0xFFFFFFF0]  }
0x102: {  	v1 =	vadd.f32 v6, v1;
	v6 =	vld [tilespmem:s1+$0x0]  }
0x103: {  	v2 =	vadd.f32 v7, v2;
	v7 =	vld [tilespmem:s1+$0x10]  }
0x104: {  	v1 =	vadd.f32 v4, v1;
	v4 =	vld [tilespmem:s1+$0x20]  }
0x105: {  	v2 =	vadd.f32 v3, v2;
	v3 =	vld [tilespmem:s1+$0x30]  }
0x106: {  	v1 =	vadd.f32 v5, v1;
	v5 =	vld [tilespmem:s1+$0x40]  }
0x107: {  	v2 =	vadd.f32 v6, v2;
	v6 =	vld [tilespmem:s1+$0x50]  }
0x108: {  	v1 =	vadd.f32 v7, v1;
	v7 =	vld [tilespmem:s1+$0x60]  }
0x109: {  	v2 =	vadd.f32 v4, v2;
	v4 =	vld [tilespmem:s1+$0x70]  }
0x10a: {  	v1 =	vadd.f32 v3, v1;
	v3 =	vld [tilespmem:s1+$0x80]  }
0x10b: {  	v2 =	vadd.f32 v5, v2;
	v5 =	vld [tilespmem:s1+$0x90]  }
0x10c: {  	v1 =	vadd.f32 v6, v1;
	v6 =	vld [tilespmem:s1+$0xA0]  }
0x10d: {  	v2 =	vadd.f32 v7, v2;
	v7 =	vld [tilespmem:s1+$0xB0]  }
0x10e: {  	v1 =	vadd.f32 v4, v1;
	v4 =	vld [tilespmem:s1+$0xC0]  }
0x10f: {  	v2 =	vadd.f32 v3, v2;
	v3 =	vld [tilespmem:s1+$0xD0]  }
0x110: {  	v1 =	vadd.f32 v5, v1;
	v5 =	vld [tilespmem:s1+$0xE0]  }
0x111: {  	v2 =	vadd.f32 v6, v2;
	v6 =	vld [tilespmem:s1+$0xF0]  }
0x112: {  	v1 =	vadd.f32 v7, v1;
	v7 =	vld [tilespmem:s1+$0x100]  }
0x113: {  	v2 =	vadd.f32 v4, v2;
	v4 =	vld [tilespmem:s1+$0x110]  }
0x114: {  	v1 =	vadd.f32 v3, v1;
	v3 =	vld [tilespmem:s1+$0x120]  }
0x115: {  	v2 =	vadd.f32 v5, v2;
	v5 =	vld [tilespmem:s1+$0x130]  }
0x116: {  	v1 =	vadd.f32 v6, v1;
	v6 =	vld [tilespmem:s1+$0x140]  }
0x117: {  	v2 =	vadd.f32 v7, v2;
	v7 =	vld [tilespmem:s1+$0x150]  }
0x118: {  	v1 =	vadd.f32 v4, v1;
	v4 =	vld [tilespmem:s1+$0x160]  }
0x119: {  	v2 =	vadd.f32 v3, v2;
	v3 =	vld [tilespmem:s1+$0x170]  }
0x11a: {  	v1 =	vadd.f32 v5, v1;
	v5 =	vld [tilespmem:s1+$0x180]  }
0x11b: {  	v2 =	vadd.f32 v6, v2;
	v6 =	vld [tilespmem:s1+$0x190]  }
0x11c: {  	v1 =	vadd.f32 v7, v1;
	v7 =	vld [tilespmem:s1+$0x1A0]  }
0x11d: {  	v2 =	vadd.f32 v4, v2;
	v4 =	vld [tilespmem:s1+$0x1B0]  }
0x11e: {  	v1 =	vadd.f32 v3, v1;
	v3 =	vld [tilespmem:s1+$0x1C0]  }
0x11f: {  	v2 =	vadd.f32 v5, v2;
	v5 =	vld [tilespmem:s1+$0x1D0]  }
0x120: {  	v1 =	vadd.f32 v6, v1;
	v6 =	vld [tilespmem:s1+$0x1E0]  }
0x121: {  	v2 =	vadd.f32 v7, v2;
	v7 =	vld [tilespmem:s1+$0x1F0]  }
0x122: {  	v1 =	vadd.f32 v4, v1;
	v4 =	vld [tilespmem:s1+$0x200]  }
0x123: {  	v2 =	vadd.f32 v3, v2;
	v3 =	vld [tilespmem:s1+$0x210]  }
0x124: {  	v1 =	vadd.f32 v5, v1;
	v5 =	vld [tilespmem:s1+$0x220]  }
0x125: {  	v2 =	vadd.f32 v6, v2;
	v6 =	vld [tilespmem:s1+$0x230]  }
0x126: {  	v1 =	vadd.f32 v7, v1;
	v7 =	vld [tilespmem:s1+$0x240]  }
0x127: {  	v2 =	vadd.f32 v4, v2;
	v4 =	vld [tilespmem:s1+$0x250]  }
0x128: {  	v1 =	vadd.f32 v3, v1;
	v3 =	vld [tilespmem:s1+$0x260]  }
0x129: {  	v2 =	vadd.f32 v5, v2;
	v5 =	vld [tilespmem:s1+$0x270]  }
0x12a: {  	v1 =	vadd.f32 v6, v1;
	v6 =	vld [tilespmem:s1+$0x280]  }
0x12b: {  	v2 =	vadd.f32 v7, v2;
	v7 =	vld [tilespmem:s1+$0x290]  }
0x12c: {  	v1 =	vadd.f32 v4, v1;
	v4 =	vld [tilespmem:s1+$0x2A0]  }
0x12d: {  	v2 =	vadd.f32 v3, v2;
	v3 =	vld [tilespmem:s1+$0x2B0]  }
0x12e: {  	v1 =	vadd.f32 v5, v1;
	v5 =	vld [tilespmem:s1+$0x2C0]  }
0x12f: {  	v2 =	vadd.f32 v6, v2;
	v6 =	vld [tilespmem:s1+$0x2D0]  }
0x130: {  	v1 =	vadd.f32 v7, v1;
	v7 =	vld [tilespmem:s1+$0x2E0]  }
0x131: {  	v2 =	vadd.f32 v4, v2;
	v4 =	vld [tilespmem:s1+$0x2F0]  }
0x132: {  	v1 =	vadd.f32 v3, v1;
	v3 =	vld [tilespmem:s1+$0x300]  }
0x133: {  	v2 =	vadd.f32 v5, v2;
	v5 =	vld [tilespmem:s1+$0x310]  }
0x134: {  	p0 =	seq.s32 s8, $0xF;
	v1 =	vadd.f32 v6, v1  }
0x135: {  	s1 =	sshll.u32 @!p0 s8, $0x5;
	v2 =	vadd.f32 v7, v2  }
0x136: {  	s1 =	sadd.s32 @!p0 s1, s7;
	v1 =	vadd.f32 v4, v1  }
0x137: {  	s1 =	smul.u32 @!p0 $0x32, s1;
	v2 =	vadd.f32 v3, v2  }
0x138: {  	s0 =	sshra.s32 s0, $0x2;
	v1 =	vadd.f32 v5, v1  }
0x139: {  	s1 =	sshrl.u32 @!p0 s1, $0x3;
	[tilespmem:v0+s0+$0xFFFFFFF0 ss:$0x1] =	vst.idx.msk $0xffff, v2  }
0x13a: {  	[tilespmem:v0+s0+$0x0 ss:$0x1] =	vst.idx.msk $0xffff, v1;
	s0 =	sadd.s32 @!p0 s5, s1;
	s1 =	simm.s32 @!p0 $0x0  }
0x13b: {  	[tilespmem:s1], [sflag:$0x3] =	stream.linear.gather @!p0 [hbm4b:s0+s1], $0x320, $0x38;
	[tilespmem:$0x10E40] =	vst v63  }
0x13c: {  	s0 =	simm.s32 @!p0 $0x3  }
0x13d: {  	_ =	swait.ge @!p0 [sflag:s0], $0x320  }
0x13e: {  	[sflag:s0] =	ssyncset.done @!p0 $0x0  }
0x13f: {  	s12 =	simm.s32 @!p0 $0x640;
	[sflag:s0] =	ssyncadd.s32 @!p0 $0xFFFFFCE0;
	s0 =	simm.s32 @!p0 $0x50  }
0x140: {  	[tilespmem:s12], [sflag:$0x1] =	stream.indirect.gather @!p0 [hbm4b:s4+s0], $0x20, s1, s0, $0xb8;
	[tilespmem:$0x10E40] =	vst v63  }
0x141: {  	s1 =	simm.s32 @!p0 $0x1040  }
0x142: {  	[tilespmem:s1], [sflag:$0x1] =	stream.indirect.gather @!p0 [hbm4b:s4+s0], $0x20, s0, s0, $0xb8;
	[tilespmem:$0x10E40] =	vst v63  }
0x143: {  	s12 =	simm.s32 @!p0 $0x1A40;
	s1 =	simm.s32 @!p0 $0xA0  }
0x144: {  	[tilespmem:s12], [sflag:$0x1] =	stream.indirect.gather @!p0 [hbm4b:s4+s0], $0x20, s1, s0, $0xb8;
	[tilespmem:$0x10E40] =	vst v63  }
0x145: {  	s1 =	simm.s32 @!p0 $0xF0;
	s12 =	simm.s32 @!p0 $0x2440  }
0x146: {  	[tilespmem:s12], [sflag:$0x1] =	stream.indirect.gather @!p0 [hbm4b:s4+s0], $0x20, s1, s0, $0xb8;
	[tilespmem:$0x10E40] =	vst v63  }
0x147: {  	s1 =	simm.s32 @!p0 $0x140;
	s12 =	simm.s32 @!p0 $0x2E40  }
0x148: {  	[tilespmem:s12], [sflag:$0x1] =	stream.indirect.gather @!p0 [hbm4b:s4+s0], $0x20, s1, s0, $0xb8;
	[tilespmem:$0x10E40] =	vst v63  }
0x149: {  	s1 =	simm.s32 @!p0 $0x190;
	s12 =	simm.s32 @!p0 $0x3840  }
0x14a: {  	[tilespmem:s12], [sflag:$0x1] =	stream.indirect.gather @!p0 [hbm4b:s4+s0], $0x20, s1, s0, $0xb8;
	[tilespmem:$0x10E40] =	vst v63  }
0x14b: {  	s1 =	simm.s32 @!p0 $0x1E0;
	s12 =	simm.s32 @!p0 $0x4240  }
0x14c: {  	[tilespmem:s12], [sflag:$0x1] =	stream.indirect.gather @!p0 [hbm4b:s4+s0], $0x20, s1, s0, $0xb8;
	[tilespmem:$0x10E40] =	vst v63  }
0x14d: {  	s1 =	simm.s32 @!p0 $0x230;
	s12 =	simm.s32 @!p0 $0x4C40  }
0x14e: {  	[tilespmem:s12], [sflag:$0x1] =	stream.indirect.gather @!p0 [hbm4b:s4+s0], $0x20, s1, s0, $0xb8;
	[tilespmem:$0x10E40] =	vst v63  }
0x14f: {  	s1 =	simm.s32 @!p0 $0x280;
	s12 =	simm.s32 @!p0 $0x5640  }
0x150: {  	[tilespmem:s12], [sflag:$0x1] =	stream.indirect.gather @!p0 [hbm4b:s4+s0], $0x20, s1, s0, $0xb8;
	[tilespmem:$0x10E40] =	vst v63  }
0x151: {  	s1 =	simm.s32 @!p0 $0x2D0;
	s12 =	simm.s32 @!p0 $0x6040  }
0x152: {  	[tilespmem:s12], [sflag:$0x1] =	stream.indirect.gather @!p0 [hbm4b:s4+s0], $0x20, s1, s0, $0xb8;
	[tilespmem:$0x10E40] =	vst v63  }
0x153: {  	_ =	swait.ge [sflag:s6], $0xA00  }
0x154: {  	[sflag:s6] =	ssyncset.done $0x0  }
0x155: {  	[sflag:s6] =	ssyncadd.s32 $0xFFFFF600  }
0x156: {  	_ =	swait.ge [sflag:s6], $0xA00  }
0x157: {  	[sflag:s6] =	ssyncset.done $0x0  }
0x158: {  	[sflag:s6] =	ssyncadd.s32 $0xFFFFF600  }
0x159: {  	_ =	swait.ge [sflag:s6], $0xA00  }
0x15a: {  	[sflag:s6] =	ssyncset.done $0x0  }
0x15b: {  	[sflag:s6] =	ssyncadd.s32 $0xFFFFF600  }
0x15c: {  	_ =	swait.ge [sflag:s6], $0xA00  }
0x15d: {  	[sflag:s6] =	ssyncset.done $0x0  }
0x15e: {  	[sflag:s6] =	ssyncadd.s32 $0xFFFFF600  }
0x15f: {  	_ =	swait.ge [sflag:s6], $0xA00  }
0x160: {  	[sflag:s6] =	ssyncset.done $0x0  }
0x161: {  	[sflag:s6] =	ssyncadd.s32 $0xFFFFF600  }
0x162: {  	_ =	swait.ge [sflag:s6], $0xA00  }
0x163: {  	[sflag:s6] =	ssyncset.done $0x0  }
0x164: {  	[sflag:s6] =	ssyncadd.s32 $0xFFFFF600  }
0x165: {  	_ =	swait.ge [sflag:s6], $0xA00  }
0x166: {  	[sflag:s6] =	ssyncset.done $0x0  }
0x167: {  	[sflag:s6] =	ssyncadd.s32 $0xFFFFF600  }
0x168: {  	_ =	swait.ge [sflag:s6], $0xA00  }
0x169: {  	[sflag:s6] =	ssyncset.done $0x0  }
0x16a: {  	[sflag:s6] =	ssyncadd.s32 $0xFFFFF600  }
0x16b: {  	_ =	swait.ge [sflag:s6], $0xA00  }
0x16c: {  	[sflag:s6] =	ssyncset.done $0x0  }
0x16d: {  	[sflag:s6] =	ssyncadd.s32 $0xFFFFF600  }
0x16e: {  	_ =	swait.ge [sflag:s6], $0xA00  }
0x16f: {  	[sflag:s6] =	ssyncset.done $0x0  }
0x170: {  	s1 =	simm.s32 $0x6D60;
	[sflag:s6] =	ssyncadd.s32 $0xFFFFF600  }
0x171: {  	v1 =	vld [tilespmem:s1+$0xFFFFFD10]  }
0x172: {  	v2 =	vld [tilespmem:s1+$0xFFFFFD00]  }
0x173: {  	v3 =	vld [tilespmem:s1+$0xFFFFFCE0]  }
0x174: {  	v0 =	vmov s2;
	s0 =	simm.s32 $0x0;
	s12 =	simm.s32 $0x80;
	v4 =	vld [tilespmem:s1+$0xFFFFFCF0]  }
.LBB2_5:
0x175: {  	p0 =	sne.s32 s12, $0x780;
	v5 =	vld [tilespmem:s1+$0xFFFFFD20]  }
0x176: {  	v6 =	vld [tilespmem:s1+$0xFFFFFD30]  }
0x177: {  	v7 =	vld [tilespmem:s1+$0xFFFFFD40]  }
0x178: {  	v2 =	vadd.f32 v2, v3;
	v3 =	vld [tilespmem:s1+$0xFFFFFD50]  }
0x179: {  	v1 =	vadd.f32 v1, v4;
	v4 =	vld [tilespmem:s1+$0xFFFFFD60]  }
0x17a: {  	v2 =	vadd.f32 v5, v2;
	v5 =	vld [tilespmem:s1+$0xFFFFFD70]  }
0x17b: {  	v1 =	vadd.f32 v6, v1;
	v6 =	vld [tilespmem:s1+$0xFFFFFD80]  }
0x17c: {  	v2 =	vadd.f32 v7, v2;
	v7 =	vld [tilespmem:s1+$0xFFFFFD90]  }
0x17d: {  	v1 =	vadd.f32 v3, v1;
	v3 =	vld [tilespmem:s1+$0xFFFFFDA0]  }
0x17e: {  	v2 =	vadd.f32 v4, v2;
	v4 =	vld [tilespmem:s1+$0xFFFFFDB0]  }
0x17f: {  	v1 =	vadd.f32 v5, v1;
	v5 =	vld [tilespmem:s1+$0xFFFFFDC0]  }
0x180: {  	v2 =	vadd.f32 v6, v2;
	v6 =	vld [tilespmem:s1+$0xFFFFFDD0]  }
0x181: {  	v1 =	vadd.f32 v7, v1;
	v7 =	vld [tilespmem:s1+$0xFFFFFDE0]  }
0x182: {  	v2 =	vadd.f32 v3, v2;
	v3 =	vld [tilespmem:s1+$0xFFFFFDF0]  }
0x183: {  	v1 =	vadd.f32 v4, v1;
	v4 =	vld [tilespmem:s1+$0xFFFFFE00]  }
0x184: {  	v2 =	vadd.f32 v5, v2;
	v5 =	vld [tilespmem:s1+$0xFFFFFE10]  }
0x185: {  	v1 =	vadd.f32 v6, v1;
	v6 =	vld [tilespmem:s1+$0xFFFFFE20]  }
0x186: {  	v2 =	vadd.f32 v7, v2;
	v7 =	vld [tilespmem:s1+$0xFFFFFE30]  }
0x187: {  	v1 =	vadd.f32 v3, v1;
	v3 =	vld [tilespmem:s1+$0xFFFFFE40]  }
0x188: {  	v2 =	vadd.f32 v4, v2;
	v4 =	vld [tilespmem:s1+$0xFFFFFE50]  }
0x189: {  	v1 =	vadd.f32 v5, v1;
	v5 =	vld [tilespmem:s1+$0xFFFFFE60]  }
0x18a: {  	v2 =	vadd.f32 v6, v2;
	v6 =	vld [tilespmem:s1+$0xFFFFFE70]  }
0x18b: {  	v1 =	vadd.f32 v7, v1;
	v7 =	vld [tilespmem:s1+$0xFFFFFE80]  }
0x18c: {  	v2 =	vadd.f32 v3, v2;
	v3 =	vld [tilespmem:s1+$0xFFFFFE90]  }
0x18d: {  	v1 =	vadd.f32 v4, v1;
	v4 =	vld [tilespmem:s1+$0xFFFFFEA0]  }
0x18e: {  	v2 =	vadd.f32 v5, v2;
	v5 =	vld [tilespmem:s1+$0xFFFFFEB0]  }
0x18f: {  	v1 =	vadd.f32 v6, v1;
	v6 =	vld [tilespmem:s1+$0xFFFFFEC0]  }
0x190: {  	v2 =	vadd.f32 v7, v2;
	v7 =	vld [tilespmem:s1+$0xFFFFFED0]  }
0x191: {  	v1 =	vadd.f32 v3, v1;
	v3 =	vld [tilespmem:s1+$0xFFFFFEE0]  }
0x192: {  	v2 =	vadd.f32 v4, v2;
	v4 =	vld [tilespmem:s1+$0xFFFFFEF0]  }
0x193: {  	v1 =	vadd.f32 v5, v1;
	v5 =	vld [tilespmem:s1+$0xFFFFFF00]  }
0x194: {  	v2 =	vadd.f32 v6, v2;
	v6 =	vld [tilespmem:s1+$0xFFFFFF10]  }
0x195: {  	v1 =	vadd.f32 v7, v1;
	v7 =	vld [tilespmem:s1+$0xFFFFFF20]  }
0x196: {  	v2 =	vadd.f32 v3, v2;
	v3 =	vld [tilespmem:s1+$0xFFFFFF30]  }
0x197: {  	v1 =	vadd.f32 v4, v1;
	v4 =	vld [tilespmem:s1+$0xFFFFFF40]  }
0x198: {  	v2 =	vadd.f32 v5, v2;
	v5 =	vld [tilespmem:s1+$0xFFFFFF50]  }
0x199: {  	v1 =	vadd.f32 v6, v1;
	v6 =	vld [tilespmem:s1+$0xFFFFFF60]  }
0x19a: {  	v2 =	vadd.f32 v7, v2;
	v7 =	vld [tilespmem:s1+$0xFFFFFF70]  }
0x19b: {  	v1 =	vadd.f32 v3, v1;
	v3 =	vld [tilespmem:s1+$0xFFFFFF80]  }
0x19c: {  	v2 =	vadd.f32 v4, v2;
	v4 =	vld [tilespmem:s1+$0xFFFFFF90]  }
0x19d: {  	v1 =	vadd.f32 v5, v1;
	v5 =	vld [tilespmem:s1+$0xFFFFFFA0]  }
0x19e: {  	v2 =	vadd.f32 v6, v2;
	v6 =	vld [tilespmem:s1+$0xFFFFFFB0]  }
0x19f: {  	v1 =	vadd.f32 v7, v1;
	v7 =	vld [tilespmem:s1+$0xFFFFFFC0]  }
0x1a0: {  	v2 =	vadd.f32 v3, v2;
	v3 =	vld [tilespmem:s1+$0xFFFFFFD0]  }
0x1a1: {  	v1 =	vadd.f32 v4, v1;
	v4 =	vld [tilespmem:s1+$0xFFFFFFE0]  }
0x1a2: {  	v2 =	vadd.f32 v5, v2;
	v5 =	vld [tilespmem:s1+$0xFFFFFFF0]  }
0x1a3: {  	v1 =	vadd.f32 v6, v1;
	v6 =	vld [tilespmem:s1+$0x0]  }
0x1a4: {  	v2 =	vadd.f32 v7, v2;
	v7 =	vld [tilespmem:s1+$0x10]  }
0x1a5: {  	v1 =	vadd.f32 v3, v1;
	v3 =	vld [tilespmem:s1+$0x20]  }
0x1a6: {  	v2 =	vadd.f32 v4, v2;
	v4 =	vld [tilespmem:s1+$0x30]  }
0x1a7: {  	v1 =	vadd.f32 v5, v1;
	v5 =	vld [tilespmem:s1+$0x40]  }
0x1a8: {  	v2 =	vadd.f32 v6, v2;
	v6 =	vld [tilespmem:s1+$0x50]  }
0x1a9: {  	v1 =	vadd.f32 v7, v1;
	v7 =	vld [tilespmem:s1+$0x60]  }
0x1aa: {  	v2 =	vadd.f32 v3, v2;
	v3 =	vld [tilespmem:s1+$0x70]  }
0x1ab: {  	v1 =	vadd.f32 v4, v1;
	v4 =	vld [tilespmem:s1+$0x80]  }
0x1ac: {  	v2 =	vadd.f32 v5, v2;
	v5 =	vld [tilespmem:s1+$0x90]  }
0x1ad: {  	v1 =	vadd.f32 v6, v1;
	v6 =	vld [tilespmem:s1+$0xA0]  }
0x1ae: {  	v2 =	vadd.f32 v7, v2;
	v7 =	vld [tilespmem:s1+$0xB0]  }
0x1af: {  	v1 =	vadd.f32 v3, v1;
	v3 =	vld [tilespmem:s1+$0xC0]  }
0x1b0: {  	v2 =	vadd.f32 v4, v2;
	v4 =	vld [tilespmem:s1+$0xD0]  }
0x1b1: {  	v1 =	vadd.f32 v5, v1;
	v5 =	vld [tilespmem:s1+$0xE0]  }
0x1b2: {  	v2 =	vadd.f32 v6, v2;
	v6 =	vld [tilespmem:s1+$0xF0]  }
0x1b3: {  	v1 =	vadd.f32 v7, v1;
	v7 =	vld [tilespmem:s1+$0x100]  }
0x1b4: {  	v2 =	vadd.f32 v3, v2;
	v3 =	vld [tilespmem:s1+$0x110]  }
0x1b5: {  	v1 =	vadd.f32 v4, v1;
	v4 =	vld [tilespmem:s1+$0x120]  }
0x1b6: {  	v2 =	vadd.f32 v5, v2;
	v5 =	vld [tilespmem:s1+$0x130]  }
0x1b7: {  	v1 =	vadd.f32 v6, v1;
	v6 =	vld [tilespmem:s1+$0x140]  }
0x1b8: {  	v2 =	vadd.f32 v7, v2;
	v7 =	vld [tilespmem:s1+$0x150]  }
0x1b9: {  	v1 =	vadd.f32 v3, v1;
	v3 =	vld [tilespmem:s1+$0x160]  }
0x1ba: {  	v2 =	vadd.f32 v4, v2;
	v4 =	vld [tilespmem:s1+$0x170]  }
0x1bb: {  	v1 =	vadd.f32 v5, v1;
	v5 =	vld [tilespmem:s1+$0x180]  }
0x1bc: {  	v2 =	vadd.f32 v6, v2;
	v6 =	vld [tilespmem:s1+$0x190]  }
0x1bd: {  	v1 =	vadd.f32 v7, v1;
	v7 =	vld [tilespmem:s1+$0x1A0]  }
0x1be: {  	v2 =	vadd.f32 v3, v2;
	v3 =	vld [tilespmem:s1+$0x1B0]  }
0x1bf: {  	v1 =	vadd.f32 v4, v1;
	v4 =	vld [tilespmem:s1+$0x1C0]  }
0x1c0: {  	v2 =	vadd.f32 v5, v2;
	v5 =	vld [tilespmem:s1+$0x1D0]  }
0x1c1: {  	v1 =	vadd.f32 v6, v1;
	v6 =	vld [tilespmem:s1+$0x1E0]  }
0x1c2: {  	v2 =	vadd.f32 v7, v2;
	v7 =	vld [tilespmem:s1+$0x1F0]  }
0x1c3: {  	v1 =	vadd.f32 v3, v1;
	v3 =	vld [tilespmem:s1+$0x200]  }
0x1c4: {  	v2 =	vadd.f32 v4, v2;
	v4 =	vld [tilespmem:s1+$0x210]  }
0x1c5: {  	v1 =	vadd.f32 v5, v1;
	v5 =	vld [tilespmem:s1+$0x220]  }
0x1c6: {  	v2 =	vadd.f32 v6, v2;
	v6 =	vld [tilespmem:s1+$0x230]  }
0x1c7: {  	v1 =	vadd.f32 v7, v1;
	v7 =	vld [tilespmem:s1+$0x240]  }
0x1c8: {  	v2 =	vadd.f32 v3, v2;
	v3 =	vld [tilespmem:s1+$0x250]  }
0x1c9: {  	v1 =	vadd.f32 v4, v1;
	v4 =	vld [tilespmem:s1+$0x260]  }
0x1ca: {  	v2 =	vadd.f32 v5, v2;
	v5 =	vld [tilespmem:s1+$0x270]  }
0x1cb: {  	v1 =	vadd.f32 v6, v1;
	v6 =	vld [tilespmem:s1+$0x280]  }
0x1cc: {  	v2 =	vadd.f32 v7, v2;
	v7 =	vld [tilespmem:s1+$0x290]  }
0x1cd: {  	v1 =	vadd.f32 v3, v1;
	v3 =	vld [tilespmem:s1+$0x2A0]  }
0x1ce: {  	v2 =	vadd.f32 v4, v2;
	v4 =	vld [tilespmem:s1+$0x2B0]  }
0x1cf: {  	v1 =	vadd.f32 v5, v1;
	v5 =	vld [tilespmem:s1+$0x2C0]  }
0x1d0: {  	v2 =	vadd.f32 v6, v2;
	v6 =	vld [tilespmem:s1+$0x2D0]  }
0x1d1: {  	v1 =	vadd.f32 v7, v1;
	v7 =	vld [tilespmem:s1+$0x2E0]  }
0x1d2: {  	v2 =	vadd.f32 v3, v2;
	v3 =	vld [tilespmem:s1+$0x2F0]  }
0x1d3: {  	v1 =	vadd.f32 v4, v1;
	v4 =	vld [tilespmem:s1+$0x300]  }
0x1d4: {  	v2 =	vadd.f32 v5, v2;
	v5 =	vld [tilespmem:s1+$0x310]  }
0x1d5: {  	v1 =	vadd.f32 v6, v1  }
0x1d6: {  	v2 =	vadd.f32 v7, v2  }
0x1d7: {  	v1 =	vadd.f32 v3, v1  }
0x1d8: {  	v2 =	vadd.f32 v4, v2  }
0x1d9: {  	s13 =	sshra.s32 s0, $0x2;
	s0 =	smov.u32 s12;
	v1 =	vadd.f32 v5, v1  }
0x1da: {  	[tilespmem:v0+s13+$0xFFFFFFF0 ss:$0x1] =	vst.idx.msk $0xffff, v2  }
.Ltmp1:
0x1db: {  	s1 =	sadd.s32 $0x640, s1;
	[tilespmem:v0+s13+$0x0 ss:$0x1] =	vst.idx.msk $0xffff, v1;
	(pc) =	sbr.rel @p0 .LBB2_5-.Ltmp1, $4  }
0x1dc: {  	v1 =	vld [tilespmem:s1+$0xFFFFFD10]  }
0x1dd: {  	v2 =	vld [tilespmem:s1+$0xFFFFFD00]  }
0x1de: {  	v3 =	vld [tilespmem:s1+$0xFFFFFCE0]  }
0x1df: {  	s12 =	sadd.s32 $0x80, s12;
	v4 =	vld [tilespmem:s1+$0xFFFFFCF0]  }
0x1e0: {  	v5 =	vld [tilespmem:s1+$0xFFFFFD20]  }
0x1e1: {  	v6 =	vld [tilespmem:s1+$0xFFFFFD30]  }
0x1e2: {  	v7 =	vld [tilespmem:s1+$0xFFFFFD40]  }
0x1e3: {  	v26 =	vld [tilespmem:s1+$0xFFFFFD50];
	v2 =	vadd.f32 v2, v3  }
0x1e4: {  	v27 =	vld [tilespmem:s1+$0xFFFFFD60];
	v1 =	vadd.f32 v1, v4  }
0x1e5: {  	v28 =	vld [tilespmem:s1+$0xFFFFFD70];
	v2 =	vadd.f32 v5, v2  }
0x1e6: {  	v29 =	vld [tilespmem:s1+$0xFFFFFD80];
	v1 =	vadd.f32 v6, v1  }
0x1e7: {  	v30 =	vld [tilespmem:s1+$0xFFFFFD90];
	v2 =	vadd.f32 v7, v2  }
0x1e8: {  	v31 =	vld [tilespmem:s1+$0xFFFFFDA0];
	v1 =	vadd.f32 v26, v1  }
0x1e9: {  	v32 =	vld [tilespmem:s1+$0xFFFFFDB0];
	v2 =	vadd.f32 v27, v2  }
0x1ea: {  	v33 =	vld [tilespmem:s1+$0xFFFFFDC0];
	v1 =	vadd.f32 v28, v1  }
0x1eb: {  	v34 =	vld [tilespmem:s1+$0xFFFFFDD0];
	v2 =	vadd.f32 v29, v2  }
0x1ec: {  	v35 =	vld [tilespmem:s1+$0xFFFFFDE0];
	v1 =	vadd.f32 v30, v1  }
0x1ed: {  	v36 =	vld [tilespmem:s1+$0xFFFFFDF0];
	v2 =	vadd.f32 v31, v2  }
0x1ee: {  	v37 =	vld [tilespmem:s1+$0xFFFFFE00];
	v1 =	vadd.f32 v32, v1  }
0x1ef: {  	v38 =	vld [tilespmem:s1+$0xFFFFFE10];
	v2 =	vadd.f32 v33, v2  }
0x1f0: {  	v39 =	vld [tilespmem:s1+$0xFFFFFE20];
	v1 =	vadd.f32 v34, v1  }
0x1f1: {  	v40 =	vld [tilespmem:s1+$0xFFFFFE30];
	v2 =	vadd.f32 v35, v2  }
0x1f2: {  	v41 =	vld [tilespmem:s1+$0xFFFFFE40];
	v1 =	vadd.f32 v36, v1  }
0x1f3: {  	v42 =	vld [tilespmem:s1+$0xFFFFFE50];
	v2 =	vadd.f32 v37, v2  }
0x1f4: {  	v43 =	vld [tilespmem:s1+$0xFFFFFE60];
	v1 =	vadd.f32 v38, v1  }
0x1f5: {  	v44 =	vld [tilespmem:s1+$0xFFFFFE70];
	v2 =	vadd.f32 v39, v2  }
0x1f6: {  	v45 =	vld [tilespmem:s1+$0xFFFFFE80];
	v1 =	vadd.f32 v40, v1  }
0x1f7: {  	v46 =	vld [tilespmem:s1+$0xFFFFFE90];
	v2 =	vadd.f32 v41, v2  }
0x1f8: {  	v47 =	vld [tilespmem:s1+$0xFFFFFEA0];
	v1 =	vadd.f32 v42, v1  }
0x1f9: {  	v48 =	vld [tilespmem:s1+$0xFFFFFEB0];
	v2 =	vadd.f32 v43, v2  }
0x1fa: {  	v49 =	vld [tilespmem:s1+$0xFFFFFEC0];
	v1 =	vadd.f32 v44, v1  }
0x1fb: {  	v50 =	vld [tilespmem:s1+$0xFFFFFED0];
	v2 =	vadd.f32 v45, v2  }
0x1fc: {  	v51 =	vld [tilespmem:s1+$0xFFFFFEE0];
	v1 =	vadd.f32 v46, v1  }
0x1fd: {  	v52 =	vld [tilespmem:s1+$0xFFFFFEF0];
	v2 =	vadd.f32 v47, v2  }
0x1fe: {  	v53 =	vld [tilespmem:s1+$0xFFFFFF00];
	v1 =	vadd.f32 v48, v1  }
0x1ff: {  	v54 =	vld [tilespmem:s1+$0xFFFFFF10];
	v2 =	vadd.f32 v49, v2  }
0x200: {  	v55 =	vld [tilespmem:s1+$0xFFFFFF20];
	v1 =	vadd.f32 v50, v1  }
0x201: {  	v56 =	vld [tilespmem:s1+$0xFFFFFF30];
	v2 =	vadd.f32 v51, v2  }
0x202: {  	v57 =	vld [tilespmem:s1+$0xFFFFFF40];
	v1 =	vadd.f32 v52, v1  }
0x203: {  	v58 =	vld [tilespmem:s1+$0xFFFFFF50];
	v2 =	vadd.f32 v53, v2  }
0x204: {  	v59 =	vld [tilespmem:s1+$0xFFFFFF60];
	v1 =	vadd.f32 v54, v1  }
0x205: {  	v60 =	vld [tilespmem:s1+$0xFFFFFF70];
	v2 =	vadd.f32 v55, v2  }
0x206: {  	v61 =	vld [tilespmem:s1+$0xFFFFFF80];
	v1 =	vadd.f32 v56, v1  }
0x207: {  	v62 =	vld [tilespmem:s1+$0xFFFFFF90];
	v2 =	vadd.f32 v57, v2  }
0x208: {  	v63 =	vld [tilespmem:s1+$0xFFFFFFA0];
	v1 =	vadd.f32 v58, v1  }
0x209: {  	v9 =	vld [tilespmem:s1+$0xFFFFFFB0];
	v2 =	vadd.f32 v59, v2  }
0x20a: {  	v10 =	vld [tilespmem:s1+$0xFFFFFFC0];
	v1 =	vadd.f32 v60, v1  }
0x20b: {  	v11 =	vld [tilespmem:s1+$0xFFFFFFD0];
	v2 =	vadd.f32 v61, v2  }
0x20c: {  	v12 =	vld [tilespmem:s1+$0xFFFFFFE0];
	v1 =	vadd.f32 v62, v1  }
0x20d: {  	v13 =	vld [tilespmem:s1+$0xFFFFFFF0];
	v2 =	vadd.f32 v63, v2  }
0x20e: {  	v14 =	vld [tilespmem:s1+$0x0];
	v1 =	vadd.f32 v9, v1  }
0x20f: {  	v15 =	vld [tilespmem:s1+$0x10];
	v2 =	vadd.f32 v10, v2  }
0x210: {  	v16 =	vld [tilespmem:s1+$0x20];
	v1 =	vadd.f32 v11, v1  }
0x211: {  	v17 =	vld [tilespmem:s1+$0x30];
	v2 =	vadd.f32 v12, v2  }
0x212: {  	v18 =	vld [tilespmem:s1+$0x40];
	v1 =	vadd.f32 v13, v1  }
0x213: {  	v19 =	vld [tilespmem:s1+$0x50];
	v2 =	vadd.f32 v14, v2  }
0x214: {  	v20 =	vld [tilespmem:s1+$0x60];
	v1 =	vadd.f32 v15, v1  }
0x215: {  	v21 =	vld [tilespmem:s1+$0x70];
	v2 =	vadd.f32 v16, v2  }
0x216: {  	v22 =	vld [tilespmem:s1+$0x80];
	v1 =	vadd.f32 v17, v1  }
0x217: {  	v23 =	vld [tilespmem:s1+$0x90];
	v2 =	vadd.f32 v18, v2  }
0x218: {  	v24 =	vld [tilespmem:s1+$0xA0];
	v1 =	vadd.f32 v19, v1  }
0x219: {  	v25 =	vld [tilespmem:s1+$0xB0];
	v2 =	vadd.f32 v20, v2  }
0x21a: {  	v26 =	vld [tilespmem:s1+$0xC0];
	v1 =	vadd.f32 v21, v1  }
0x21b: {  	v27 =	vld [tilespmem:s1+$0xD0];
	v2 =	vadd.f32 v22, v2  }
0x21c: {  	v28 =	vld [tilespmem:s1+$0xE0];
	v1 =	vadd.f32 v23, v1  }
0x21d: {  	v29 =	vld [tilespmem:s1+$0xF0];
	v2 =	vadd.f32 v24, v2  }
0x21e: {  	v30 =	vld [tilespmem:s1+$0x100];
	v1 =	vadd.f32 v25, v1  }
0x21f: {  	v31 =	vld [tilespmem:s1+$0x110];
	v2 =	vadd.f32 v26, v2  }
0x220: {  	v32 =	vld [tilespmem:s1+$0x120];
	v1 =	vadd.f32 v27, v1  }
0x221: {  	v33 =	vld [tilespmem:s1+$0x130];
	v2 =	vadd.f32 v28, v2  }
0x222: {  	v34 =	vld [tilespmem:s1+$0x140];
	v1 =	vadd.f32 v29, v1  }
0x223: {  	v35 =	vld [tilespmem:s1+$0x150];
	v2 =	vadd.f32 v30, v2  }
0x224: {  	v36 =	vld [tilespmem:s1+$0x160];
	v1 =	vadd.f32 v31, v1  }
0x225: {  	v37 =	vld [tilespmem:s1+$0x170];
	v2 =	vadd.f32 v32, v2  }
0x226: {  	v38 =	vld [tilespmem:s1+$0x180];
	v1 =	vadd.f32 v33, v1  }
0x227: {  	v39 =	vld [tilespmem:s1+$0x190];
	v2 =	vadd.f32 v34, v2  }
0x228: {  	v40 =	vld [tilespmem:s1+$0x1A0];
	v1 =	vadd.f32 v35, v1  }
0x229: {  	v41 =	vld [tilespmem:s1+$0x1B0];
	v2 =	vadd.f32 v36, v2  }
0x22a: {  	v42 =	vld [tilespmem:s1+$0x1C0];
	v1 =	vadd.f32 v37, v1  }
0x22b: {  	v43 =	vld [tilespmem:s1+$0x1D0];
	v2 =	vadd.f32 v38, v2  }
0x22c: {  	v44 =	vld [tilespmem:s1+$0x1E0];
	v1 =	vadd.f32 v39, v1  }
0x22d: {  	v45 =	vld [tilespmem:s1+$0x1F0];
	v2 =	vadd.f32 v40, v2  }
0x22e: {  	v46 =	vld [tilespmem:s1+$0x200];
	v1 =	vadd.f32 v41, v1  }
0x22f: {  	v47 =	vld [tilespmem:s1+$0x210];
	v2 =	vadd.f32 v42, v2  }
0x230: {  	v48 =	vld [tilespmem:s1+$0x220];
	v1 =	vadd.f32 v43, v1  }
0x231: {  	v49 =	vld [tilespmem:s1+$0x230];
	v2 =	vadd.f32 v44, v2  }
0x232: {  	v50 =	vld [tilespmem:s1+$0x240];
	v1 =	vadd.f32 v45, v1  }
0x233: {  	v51 =	vld [tilespmem:s1+$0x250];
	v2 =	vadd.f32 v46, v2  }
0x234: {  	v52 =	vld [tilespmem:s1+$0x260];
	v1 =	vadd.f32 v47, v1  }
0x235: {  	v53 =	vld [tilespmem:s1+$0x270];
	v2 =	vadd.f32 v48, v2  }
0x236: {  	v54 =	vld [tilespmem:s1+$0x280];
	v1 =	vadd.f32 v49, v1  }
0x237: {  	v55 =	vld [tilespmem:s1+$0x290];
	v2 =	vadd.f32 v50, v2  }
0x238: {  	v56 =	vld [tilespmem:s1+$0x2A0];
	v1 =	vadd.f32 v51, v1  }
0x239: {  	v57 =	vld [tilespmem:s1+$0x2B0];
	v2 =	vadd.f32 v52, v2  }
0x23a: {  	v58 =	vld [tilespmem:s1+$0x2C0];
	v1 =	vadd.f32 v53, v1  }
0x23b: {  	v59 =	vld [tilespmem:s1+$0x2D0];
	v2 =	vadd.f32 v54, v2  }
0x23c: {  	v60 =	vld [tilespmem:s1+$0x2E0];
	v1 =	vadd.f32 v55, v1  }
0x23d: {  	v61 =	vld [tilespmem:s1+$0x2F0];
	v2 =	vadd.f32 v56, v2  }
0x23e: {  	v62 =	vld [tilespmem:s1+$0x300];
	v1 =	vadd.f32 v57, v1  }
0x23f: {  	v63 =	vld [tilespmem:s1+$0x310];
	v2 =	vadd.f32 v58, v2  }
0x240: {  	s8 =	sadd.s32 $0x1, s8;
	v1 =	vadd.f32 v59, v1  }
0x241: {  	p0 =	sne.s32 s8, $0x10;
	v2 =	vadd.f32 v60, v2  }
.Ltmp2:
0x242: {  	v1 =	vadd.f32 v61, v1;
	(pc) =	sbr.rel @p0 .LBB2_2-.Ltmp2, $4  }
0x243: {  	v2 =	vadd.f32 v62, v2  }
0x244: {  	s0 =	sshra.s32 s0, $0x2;
	v1 =	vadd.f32 v63, v1  }
0x245: {  	[tilespmem:v0+s0+$0xFFFFFFF0 ss:$0x1] =	vst.idx.msk $0xffff, v2  }
0x246: {  	s9 =	sadd.s32 $0x400, s9;
	s2 =	sadd.s32 $0x400, s2;
	[tilespmem:v0+s0+$0x0 ss:$0x1] =	vst.idx.msk $0xffff, v1  }
0x247: {  	s8 =	simm.s32 $0x0;
	s0 =	rddreg [dreg:$0x3];
	s1 =	simm.s32 $0xCE40  }
0x248: {  	[hbm4b:s0+s8] =	stream.linear.scatter [tilespmem:s1], [sflag:$0x3], $0x4000, $0x38;
	[tilespmem:$0x10E40] =	vst v63  }
0x249: {  	_ =	swait.ge [sflag:s10], $0x4000  }
0x24a: {  	s12 =	rddreg [dreg:$0x5]  }
0x24b: {  	s13 =	rddreg [dreg:$0x4];
	s1 =	sadd.s32 $0x1, s12  }
0x24c: {  	p0 =	sne.s32 s1, s13  }
.Ltmp3:
0x24d: {  	_ = 	snop;
	(pc) =	sbr.rel @p0 .LBB2_1-.Ltmp3, $3  }
0x24e: {  	_ =	sdelay $0x1  }
0x24f: {  	[sflag:s10] =	ssyncset.done $0x0  }
0x250: {  	[sflag:s10] =	ssyncadd.s32 $0xFFFFC000  }
0x251: {  	_ =	sfence.sel $0x180000  }
0x252: {  	[bflag:$0x0] =	sbarrier.arrive $0xFFFF  }
0x253: {  	_ =	strace $0x90000047  }
0x254: {  	s0 =	stileid.u32;
	[bflag:$0x2] =	sbarrier.arrive $0xFFFF  }
0x255: {  	p0 =	sne.s32 s0, $0x0;
	s0 =	rddreg [dreg:$0x1]  }
0x256: {  	s0 =	sadd.s32 @!p0 $0x100000, s0  }
0x257: {  	[sflag:s0] =	ssyncadd.tile.s32 @!p0 $0x1;
	_ =	shalt  }
.Lfunc_end2:
_tile_overlayer_lowered:
.L_overlay_start_2:
0x258: {  	(tag) =	ssettag $0x2  }
0x259: {  	s0 =	rddreg [dreg:$0x0];
	s2 =	stileid.u32  }
0x25a: {  	s1 =	rddreg [dreg:$0x1];
	p0 =	sne.s32 s2, $0x0  }
0x25b: {  	s3 =	rddreg [dreg:$0x2];
	[bflag:$0x3] =	sbarrier.arrive $0xFFFF;
	s2 =	simm.s32 @!p0 $0x1C03  }
0x25c: {  	[timem:s3], [sflag:s2] =	dma.local @!p0 [hbm:s0], s1  }
0x25d: {  	s0 =	simm.s32 @!p0 $0x3  }
0x25e: {  	_ =	swait.ge @!p0 [sflag:s0], s1  }
0x25f: {  	s1 =	ssub.s32 @!p0 $0x0, s1;
	[sflag:s0] =	ssyncset.done @!p0 $0x0  }
0x260: {  	[sflag:s0] =	ssyncadd.s32 @!p0 s1  }
0x261: {  	[bflag:$0x3] =	sbarrier.arrive $0xFFFF  }
0x262: {  	_ =	shalt  }

// kernel: kernel.7.cloned.1.call-start
scs
__scs_entry_jumppad:
0x0: {  	(pc) =	sbr.rel $0x88, $3  }
0x1: {  	(tag) =	ssettag $0x0;
	lr =	simm.s32 $0x1  }
0x2: {  	[smem:$0x3F9B] =	sst lr;
	_ =	strace $0xD0000000  }
0x3: {  	_ = 	snop  }
0x4: {  	_ = 	snop  }
0x5: {  	_ = 	snop  }
0x6: {  	_ = 	snop  }
0x7: {  	_ = 	snop  }
__scs_overlays_trampoline_lowered:
0x8: {  	[smem:$0x3FAA] =	sst s0  }
0x9: {  	[smem:$0x3FAB] =	sst s1  }
0xa: {  	[smem:$0x3FAC] =	sst s2  }
0xb: {  	[smem:$0x3FAD] =	sst s3  }
0xc: {  	[smem:$0x3FAE] =	sst s4  }
0xd: {  	[smem:$0x3FAF] =	sst s5  }
0xe: {  	[smem:$0x3FB0] =	sst s6  }
0xf: {  	[smem:$0x3FB1] =	sst s7  }
0x10: {  	[smem:$0x3FB2] =	sst s8  }
0x11: {  	[smem:$0x3FB3] =	sst s9;
	s0 =	simm.s32 @!p0 $0x0  }
0x12: {  	s1 =	sld [smem:$0x3F99];
	s0 =	simm.s32 @p0 $0x1  }
0x13: {  	[smem:$0x3FB4] =	sst s0;
	s0 =	simm.s32 @!p1 $0x0  }
0x14: {  	s2 =	sld [smem:$0x3F98];
	s0 =	simm.s32 @p1 $0x1  }
0x15: {  	[smem:$0x3FB5] =	sst s0;
	s0 =	simm.s32 @!p2 $0x0  }
0x16: {  	s3 =	sld [smem:$0x3FDB];
	s0 =	simm.s32 @p2 $0x1  }
0x17: {  	s4 =	simm.s32 $0x1BF5;
	[smem:$0x3FB7] =	sst s0  }
0x18: {  	s0 =	sld [smem:$0x3F9A];
	_ =	swait.ge [sflag:s4], $0x0  }
0x19: {  	s7 =	sld [smem:$0x3F9B]  }
0x1a: {  	s8 =	sadd.s32 $0xFFFFE003, lr  }
0x1b: {  	s9 =	sadd.s32 $0xFFFFFEF7, lr;
	s5 =	simm.s32 $0xFFFFFFFF;
	p2 =	slt.u32 s8, $0xFFFFF086  }
0x1c: {  	p1 =	slt.u32 s9, $0xF7A;
	s5 =	simm.s32 @!p2 $0x0  }
0x1d: {  	s5 =	simm.s32 @p1 $0x1;
	p0 =	seq.s32 s7, s2  }
0x1e: {  	s7 =	smul.u32 @!p0 $0xF7A, s2;
	p2 =	seq.s32 @!p0 s5, $0x0  }
0x1f: {  	s9 =	smul.u32 $0xF7A, s1;
	s8 =	simm.s32 @!p0 $0x1BF5;
	p2 =	por !p2, p0  }
0x20: {  	[sflag:s8] =	ssyncset.s32 @!p0 $0xFFFFF086;
	s6 =	sadd.s32 @!p0 s3, s7;
	s7 =	simm.s32 @!p0 $0x108  }
0x21: {  	s3 =	sadd.s32 s3, s9;
	s6 =	sadd.s32 @!p0 $0x88, s6;
	s7 =	simm.s32 @p2 $0x1082  }
0x22: {  	[simem:s7], [sflag:s8] =	dma.local @!p0 [hbm:s6], $0xF7A  }
0x23: {  	s9 =	sor.u32 $0xD0000000, s2;
	s6 =	simm.s32 $0x108;
	_ =	swait.ge @!p0 [sflag:s8], $0x0  }
0x24: {  	s3 =	sadd.s32 $0x88, s3;
	s6 =	simm.s32 @!p1 $0x1082;
	[sflag:s4] =	ssyncset.s32 $0xFFFFF086  }
0x25: {  	[simem:s6], [sflag:s4] =	dma.local [hbm:s3], $0xF7A  }
0x26: {  	[smem:$0x3F9B] =	sst s1;
	(tag) =	ssettag s2;
	_ =	strace s9  }
0x27: {  	s1 =	sld [smem:$0x3FAB]  }
0x28: {  	s2 =	sld [smem:$0x3FAC]  }
0x29: {  	s4 =	sld [smem:$0x3FAE]  }
0x2a: {  	p0 =	seq.s32 s5, $0x0;
	s5 =	sld [smem:$0x3FAF]  }
0x2b: {  	s6 =	sld [smem:$0x3FB0]  }
0x2c: {  	s7 =	sld [smem:$0x3FB1]  }
0x2d: {  	s3 =	simm.s32 $0x108;
	s8 =	sld [smem:$0x3FB2]  }
0x2e: {  	s3 =	simm.s32 @!p0 $0x1082;
	s9 =	sld [smem:$0x3FB3]  }
0x2f: {  	lr =	sadd.s32 s0, s3;
	s0 =	sld [smem:$0x3FAA]  }
0x30: {  	s3 =	sld [smem:$0x3FAD]  }
0x31: {  	[smem:$0x3FB6] =	sst s10  }
0x32: {  	s10 =	sld [smem:$0x3FB4];
	_ =	sdelay $0x3  }
0x33: {  	p0 =	seq.s32 s10, $0x1;
	s10 =	sld [smem:$0x3FB6];
	_ =	sdelay $0x3  }
0x34: {  	[smem:$0x3FB6] =	sst s10  }
0x35: {  	s10 =	sld [smem:$0x3FB5];
	_ =	sdelay $0x3  }
0x36: {  	p1 =	seq.s32 s10, $0x1;
	s10 =	sld [smem:$0x3FB6];
	_ =	sdelay $0x3  }
0x37: {  	[smem:$0x3FB6] =	sst s10  }
0x38: {  	s10 =	sld [smem:$0x3FB7]  }
0x39: {  	_ = 	snop;
	(pc) =	sbr.ind lr, $3  }
0x3a: {  	_ = 	snop  }
0x3b: {  	_ = 	snop  }
0x3c: {  	p2 =	seq.s32 s10, $0x1;
	s10 =	sld [smem:$0x3FB6]  }
0x3d: {  	_ =	shalt  }
0x3e: {  	_ =	shalt  }
0x3f: {  	_ =	shalt  }
0x40: {  	_ =	shalt  }
0x41: {  	_ =	shalt  }
0x42: {  	_ =	shalt  }
0x43: {  	_ =	shalt  }
0x44: {  	_ =	shalt  }
0x45: {  	_ =	shalt  }
0x46: {  	_ =	shalt  }
0x47: {  	_ =	shalt  }
0x48: {  	_ =	shalt  }
0x49: {  	_ =	shalt  }
0x4a: {  	_ =	shalt  }
0x4b: {  	_ =	shalt  }
0x4c: {  	_ =	shalt  }
0x4d: {  	_ =	shalt  }
0x4e: {  	_ =	shalt  }
0x4f: {  	_ =	shalt  }
0x50: {  	_ =	shalt  }
0x51: {  	_ =	shalt  }
0x52: {  	_ =	shalt  }
0x53: {  	_ =	shalt  }
0x54: {  	_ =	shalt  }
0x55: {  	_ =	shalt  }
0x56: {  	_ =	shalt  }
0x57: {  	_ =	shalt  }
0x58: {  	_ =	shalt  }
0x59: {  	_ =	shalt  }
0x5a: {  	_ =	shalt  }
0x5b: {  	_ =	shalt  }
0x5c: {  	_ =	shalt  }
0x5d: {  	_ =	shalt  }
0x5e: {  	_ =	shalt  }
0x5f: {  	_ =	shalt  }
0x60: {  	_ =	shalt  }
0x61: {  	_ =	shalt  }
0x62: {  	_ =	shalt  }
0x63: {  	_ =	shalt  }
0x64: {  	_ =	shalt  }
0x65: {  	_ =	shalt  }
0x66: {  	_ =	shalt  }
0x67: {  	_ =	shalt  }
0x68: {  	_ =	shalt  }
0x69: {  	_ =	shalt  }
0x6a: {  	_ =	shalt  }
0x6b: {  	_ =	shalt  }
0x6c: {  	_ =	shalt  }
0x6d: {  	_ =	shalt  }
0x6e: {  	_ =	shalt  }
0x6f: {  	_ =	shalt  }
0x70: {  	_ =	shalt  }
0x71: {  	_ =	shalt  }
0x72: {  	_ =	shalt  }
0x73: {  	_ =	shalt  }
0x74: {  	_ =	shalt  }
0x75: {  	_ =	shalt  }
0x76: {  	_ =	shalt  }
0x77: {  	_ =	shalt  }
0x78: {  	_ =	shalt  }
0x79: {  	_ =	shalt  }
0x7a: {  	_ =	shalt  }
0x7b: {  	_ =	shalt  }
0x7c: {  	_ =	shalt  }
0x7d: {  	_ =	shalt  }
0x7e: {  	_ =	shalt  }
0x7f: {  	_ =	shalt  }
0x80: {  	_ =	shalt  }
0x81: {  	_ =	shalt  }
0x82: {  	_ =	shalt  }
0x83: {  	_ =	shalt  }
0x84: {  	_ =	shalt  }
0x85: {  	_ =	shalt  }
0x86: {  	_ =	shalt  }
0x87: {  	_ =	shalt  }
.Lfunc_end0:
.L_simem_size_0:
called_computation.1_lowered:
.L_overlay_start_0:
0x88: {  	s2 =	sld [smem:$0x3FD9]  }
0x89: {  	s3 =	sld [smem:$0x3FFE];
	_ =	sdelay $0x1  }
0x8a: {  	s1 =	srdreg.scid  }
0x8b: {  	s0 =	sand.u32 $0x1, s1  }
0x8c: {  	s17 =	sshll.u32 s0, $0xA;
	s2 =	sadd.s32 s3, s2  }
0x8d: {  	s2 =	sadd.s32 s2, s17  }
0x8e: {  	[smem:$0x3FC2] =	sst s2  }
0x8f: {  	_ = 	snop  }
0x90: {  	s2 =	sld [smem:$0x3FC6]  }
0x91: {  	s18 =	sld [smem:$0x3FC5]  }
0x92: {  	s4 =	sld [smem:$0x3FD0];
	(tm) =	ssettm $0x1  }
0x93: {  	s5 =	sld [smem:$0x3FFB];
	_ =	sdelay $0x3  }
0x94: {  	_ =	strace s5  }
0x95: {  	s5 =	sld [smem:$0x3FFC];
	_ =	sdelay $0x3  }
0x96: {  	_ =	strace s5  }
0x97: {  	s5 =	sld [smem:$0x3FFD];
	_ =	sdelay $0x3  }
0x98: {  	_ =	strace s5  }
0x99: {  	_ =	strace $0x8FFFFFFF  }
0x9a: {  	s19 =	sld [smem:$0x3FDB];
	_ =	sdelay $0x1  }
0x9b: {  	s6 =	simm.s32 $_scs_section_size  }
0x9c: {  	s7 =	simm.s32 $_size__tile_overlayer_lowered;
	s8 =	simm.s32 $_tile_overlayer_lowered  }
0x9d: {  	s22 =	simm.s32 $0x1BFF;
	s21 =	sshll.u32 s8, $0x1;
	s5 =	sadd.s32 s6, s19  }
0x9e: {  	s9 =	simm.s32 $0x0;
	s20 =	sshll.u32 s7, $0x1;
	s7 =	sadd.s32 s21, s5  }
0x9f: {  	[timem:s9], [sflag:s22] =	dma.local [hbm:s7], s20  }
0xa0: {  	_ =	swait.ge [sflag:s22], s20  }
0xa1: {  	s6 =	ssub.s32 $0x0, s20;
	[sflag:s22] =	ssyncset.done $0x0  }
0xa2: {  	[sflag:s22] =	ssyncadd.s32 s6;
	_ =	sdelay $0x1  }
0xa3: {  	s23 =	simm.s32 $0x1B8B  }
0xa4: {  	_ =	swait.ge [sflag:s23], $0x1  }
0xa5: {  	[sflag:s23] =	ssyncset.done $0x0  }
0xa6: {  	s25 =	simm.s32 $0x1B8E;
	s24 =	sld [smem:$0x3FFE];
	[sflag:s23] =	ssyncadd.s32 $0xFFFFFFFF  }
0xa7: {  	s26 =	simm.s32 $execute0_lowered;
	[smem:$0x3FD2] =	sst s25  }
0xa8: {  	s7 =	sshll.u32 s26, $0x1;
	_ =	strace $0x80000049;
	[dreg:$0x1] =	wrdreg $0xFFFFFFFF  }
0xa9: {  	s28 =	simm.s32 $_size_execute0_lowered;
	s5 =	sadd.s32 s5, s7;
	[dreg:$0x0] =	wrdreg $0x0  }
0xaa: {  	s7 =	sshll.u32 s28, $0x1;
	[dreg:$0x2] =	wrdreg s5  }
0xab: {  	[dreg:$0x3] =	wrdreg s7  }
0xac: {  	[dreg:$0x4] =	wrdreg $0xC0  }
0xad: {  	_ =	task [dreg:s9], $0x5FFFF  }
0xae: {  	[dreg:$0x1] =	wrdreg $0xFFFFFFFF  }
0xaf: {  	[dreg:$0x0] =	wrdreg $0x60  }
0xb0: {  	[dreg:$0x2] =	wrdreg s24  }
0xb1: {  	[dreg:$0x3] =	wrdreg s2  }
0xb2: {  	[dreg:$0x4] =	wrdreg s18  }
0xb3: {  	[dreg:$0x5] =	wrdreg s4  }
0xb4: {  	[dreg:$0x6] =	wrdreg $0x9  }
0xb5: {  	_ =	task.clear_ibuf [dreg:s9], $0x7FFFF;
	_ =	strace $0x90000049  }
0xb6: {  	s29 =	simm.s32 $0x9;
	_ =	strace $0x8000004B  }
0xb7: {  	_ =	swait.ge [sflag:s29], $0x1  }
0xb8: {  	[sflag:s29] =	ssyncadd.s32 $0xFFFFFFFF  }
0xb9: {  	_ =	strace $0x9000004B  }
0xba: {  	_ =	sfence  }
0xbb: {  	s30 =	sld [smem:$0x0];
	_ =	sdelay $0x2  }
0xbc: {  	s31 =	sshll.u32 s1, $0xD;
	s1 =	sshrl.u32 s1, $0x2  }
0xbd: {  	s3 =	sand.u32 $0x4000, s31;
	s1 =	sadd.s32 s1, s30  }
0xbe: {  	s0 =	sor.u32 s3, s0;
	s1 =	sshll.u32 s1, $0x11  }
0xbf: {  	s0 =	sor.u32 s1, s0  }
0xc0: {  	s0 =	sadd.s32 $0x8F2B, s0  }
0xc1: {  	[sflag:s0] =	ssyncadd.remote.s32 $0x1  }
0xc2: {  	_ =	sfence.sel $0xFFFF  }
0xc3: {  	[dreg:$0x0] =	wrdreg $0xFFFFFFFF;
	(pc) =	sbr.abs _section_cstart, $3  }
0xc4: {  	[dreg:$0x1] =	wrdreg $0xFFFFFFFF  }
0xc5: {  	_ =	task.clear_ibuf [dreg:s9], $0x2FFFF;
	_ =	strace $0x9FFFFFFF  }
0xc6: {  	(tm) =	ssettm $0x7FFFFFFF  }
0xc7: {  	_ =	shalt  }
tec
execute0_lowered:
.L_overlay_start_1:
0x0: {  	(tag) =	ssettag $0x1  }
0x1: {  	s0 =	rddreg [dreg:$0x0]  }
0x2: {  	s1 =	rddreg [dreg:$0x1]  }
0x3: {  	s6 =	rddreg [dreg:$0x2]  }
0x4: {  	s8 =	rddreg [dreg:$0x3];
	s3 =	srdreg.scid;
	s2 =	simm.s32 $0x0  }
0x5: {  	s4 =	stileid.u32;
	s11 =	simm.s32 $0x200;
	s12 =	simm.s32 $0x80  }
0x6: {  	s15 =	simm.s32 $0x5400;
	s16 =	simm.s32 $0x100;
	s17 =	simm.s32 $0x2400  }
0x7: {  	s18 =	simm.s32 $0x300;
	s19 =	simm.s32 $0x6400;
	s20 =	simm.s32 $0x180  }
0x8: {  	s21 =	simm.s32 $0x3400;
	s22 =	simm.s32 $0x380;
	s23 =	simm.s32 $0x7400  }
0x9: {  	v0 =	vlaneseq.u32;
	s24 =	simm.s32 $0x1;
	s25 =	simm.s32 $0xC400;
	s26 =	simm.s32 $0xC500  }
0xa: {  	s28 =	simm.s32 $0x0;
	s5 =	sand.u32 $0x1, s3;
	[smem:$0x7FF] =	sst s2;
	v0 =	vmul.u32 $0x10, v0  }
0xb: {  	s4 =	sshll.u32 s4, $0xA;
	s3 =	sadd.s32 $0x3FA400, s0;
	s7 =	sshll.u32 s5, $0x9  }
0xc: {  	_ =	strace $0x8000004A;
	s5 =	ssub.s32 $0x2, s5;
	s7 =	sor.u32 s7, s4;
	v1 =	vor.u32 $0x1, v0;
	v2 =	vor.u32 $0x2, v0;
	v3 =	vor.u32 $0x3, v0  }
0xd: {  	s4 =	sadd.s32 $0x29A00, s0;
	s31 =	sshrl.u32 s5, $0x1;
	v4 =	vor.u32 $0x4, v0;
	v5 =	vor.u32 $0x5, v0;
	v6 =	vor.u32 $0x6, v0;
	s9 =	sshll.u32 s7, $0x2  }
0xe: {  	v7 =	vor.u32 $0x7, v0;
	v8 =	vor.u32 $0x8, v0;
	v9 =	vor.u32 $0x9, v0;
	s10 =	sshrl.u32 s7, $0x3;
	s0 =	sadd.s32 s9, s0;
	s9 =	ssub.s32 s5, s31  }
0xf: {  	v10 =	vor.u32 $0xA, v0;
	v11 =	vor.u32 $0xB, v0;
	v12 =	vor.u32 $0xC, v0;
	s5 =	sadd.s32 s1, s10;
	s6 =	sadd.s32 s6, s10;
	s8 =	sadd.s32 s8, s10  }
0x10: {  	v13 =	vor.u32 $0xD, v0;
	v14 =	vor.u32 $0xE, v0;
	v15 =	vor.u32 $0xF, v0;
	s10 =	simm.s32 $0x2;
	s7 =	sadd.s32 $0x19A00, s0;
	s9 =	smax.u32 s9, $0x1  }
.LBB2_1:
0x11: {  	[tilespmem:s2], [sflag:$0x2] =	stream.linear.gather [hbm4b:s5+s2], $0x200, $0x38;
	[tilespmem:$0xC700] =	vst v63  }
0x12: {  	_ =	swait.ge [sflag:s10], $0x200  }
0x13: {  	[sflag:s10] =	ssyncset.done $0x0  }
0x14: {  	[sflag:s10] =	ssyncadd.s32 $0xFFFFFE00  }
0x15: {  	[tilespmem:s11], [sflag:$0x2] =	stream.linear.gather [hbm4b:s6+s2], $0x200, $0x38;
	[tilespmem:$0xC700] =	vst v63  }
0x16: {  	_ =	swait.ge [sflag:s10], $0x200  }
0x17: {  	[sflag:s10] =	ssyncset.done $0x0  }
0x18: {  	s29 =	simm.s32 $0x8400;
	[sflag:s10] =	ssyncadd.s32 $0xFFFFFE00  }
0x19: {  	[tilespmem:s29], [sflag:$0x1] =	stream.linear.gather [hbm4b:s7+s2], $0x4000, $0x38;
	[tilespmem:$0xC700] =	vst v63  }
0x1a: {  	s30 =	simm.s32 $0x400  }
0x1b: {  	[tilespmem:s30], [sflag:$0x1] =	stream.indirect.gather [hbm4b:s3+s12], $0x20, s2, s12, $0xb8;
	[tilespmem:$0xC700] =	vst v63  }
0x1c: {  	s31 =	simm.s32 $0x4400  }
0x1d: {  	[tilespmem:s31], [sflag:$0x1] =	stream.indirect.gather [hbm4b:s4+s12], $0x20, s11, s12, $0xb8;
	[tilespmem:$0xC700] =	vst v63  }
0x1e: {  	s0 =	simm.s32 $0x1400  }
0x1f: {  	[tilespmem:s0], [sflag:$0x1] =	stream.indirect.gather [hbm4b:s3+s12], $0x20, s12, s12, $0xb8;
	[tilespmem:$0xC700] =	vst v63  }
0x20: {  	s14 =	simm.s32 $0x280  }
0x21: {  	[tilespmem:s15], [sflag:$0x1] =	stream.indirect.gather [hbm4b:s4+s12], $0x20, s14, s12, $0xb8;
	[tilespmem:$0xC700] =	vst v63  }
0x22: {  	_ = 	snop  }
0x23: {  	[tilespmem:s17], [sflag:$0x1] =	stream.indirect.gather [hbm4b:s3+s12], $0x20, s16, s12, $0xb8;
	[tilespmem:$0xC700] =	vst v63  }
0x24: {  	_ = 	snop  }
0x25: {  	[tilespmem:s19], [sflag:$0x1] =	stream.indirect.gather [hbm4b:s4+s12], $0x20, s18, s12, $0xb8;
	[tilespmem:$0xC700] =	vst v63  }
0x26: {  	_ = 	snop  }
0x27: {  	[tilespmem:s21], [sflag:$0x1] =	stream.indirect.gather [hbm4b:s3+s12], $0x20, s20, s12, $0xb8;
	[tilespmem:$0xC700] =	vst v63  }
0x28: {  	_ = 	snop  }
0x29: {  	[tilespmem:s23], [sflag:$0x1] =	stream.indirect.gather [hbm4b:s4+s12], $0x20, s22, s12, $0xb8;
	[tilespmem:$0xC700] =	vst v63  }
0x2a: {  	_ =	swait.ge [sflag:s24], $0x4000  }
0x2b: {  	[sflag:s24] =	ssyncset.done $0x0  }
0x2c: {  	[sflag:s24] =	ssyncadd.s32 $0xFFFFC000  }
0x2d: {  	_ =	swait.ge [sflag:s24], $0x1000  }
0x2e: {  	[sflag:s24] =	ssyncset.done $0x0  }
0x2f: {  	[sflag:s24] =	ssyncadd.s32 $0xFFFFF000  }
0x30: {  	_ =	swait.ge [sflag:s24], $0x1000  }
0x31: {  	[sflag:s24] =	ssyncset.done $0x0  }
0x32: {  	[sflag:s24] =	ssyncadd.s32 $0xFFFFF000  }
0x33: {  	_ =	swait.ge [sflag:s24], $0x1000  }
0x34: {  	[sflag:s24] =	ssyncset.done $0x0  }
0x35: {  	[sflag:s24] =	ssyncadd.s32 $0xFFFFF000  }
0x36: {  	_ =	swait.ge [sflag:s24], $0x1000  }
0x37: {  	[sflag:s24] =	ssyncset.done $0x0  }
0x38: {  	[sflag:s24] =	ssyncadd.s32 $0xFFFFF000  }
0x39: {  	_ =	swait.ge [sflag:s24], $0x1000  }
0x3a: {  	[sflag:s24] =	ssyncset.done $0x0  }
0x3b: {  	[sflag:s24] =	ssyncadd.s32 $0xFFFFF000  }
0x3c: {  	_ =	swait.ge [sflag:s24], $0x1000  }
0x3d: {  	[sflag:s24] =	ssyncset.done $0x0  }
0x3e: {  	[sflag:s24] =	ssyncadd.s32 $0xFFFFF000  }
0x3f: {  	_ =	swait.ge [sflag:s24], $0x1000  }
0x40: {  	[sflag:s24] =	ssyncset.done $0x0  }
0x41: {  	[sflag:s24] =	ssyncadd.s32 $0xFFFFF000  }
0x42: {  	_ =	swait.ge [sflag:s24], $0x1000  }
0x43: {  	[sflag:s24] =	ssyncset.done $0x0  }
0x44: {  	s0 =	simm.s32 $0x0;
	[sflag:s24] =	ssyncadd.s32 $0xFFFFF000  }
.LBB2_2:
0x45: {  	v16 =	vmov s29  }
0x46: {  	v18 =	vmov s30;
	_ =	sdelay $0x2  }
0x47: {  	v17 =	vmov s31;
	s1 =	simm.s32 $0x0  }
0x48: {  	v19 =	vld.idx.msk [tilespmem:v16+s1+$0x0 ss:$0x1], $0xffff  }
0x49: {  	v20 =	vld.idx.msk [tilespmem:v18+s1+$0x0 ss:$0x1], $0xffff  }
0x4a: {  	v21 =	vld.idx.msk [tilespmem:v18+s1+$0x10 ss:$0x1], $0xffff  }
0x4b: {  	v22 =	vld.idx.msk [tilespmem:v16+s1+$0x10 ss:$0x1], $0xffff  }
0x4c: {  	v23 =	vld.idx.msk [tilespmem:v17+s1+$0x0 ss:$0x1], $0xffff  }
0x4d: {  	v24 =	vld.idx.msk [tilespmem:v17+s1+$0x10 ss:$0x1], $0xffff;
	_ =	sdelay $0x2  }
0x4e: {  	v19 =	vadd.f32 v19, v20;
	v20 =	vadd.f32 v22, v21;
	_ =	sdelay $0x1  }
0x4f: {  	v19 =	vmul.f32 v23, v19;
	v20 =	vmul.f32 v24, v20;
	_ =	sdelay $0x1  }
0x50: {  	v19 =	vadd.f32 v20, v19  }
0x51: {  	s1 =	simm.s32 $0xC400  }
0x52: {  	s14 =	simm.s32 $0x20;
	[tilespmem:s1+$0x0] =	vst v19  }
0x53: {  	v19 =	vld.idx.msk [tilespmem:v16+s14+$0x0 ss:$0x1], $0xffff  }
0x54: {  	v20 =	vld.idx.msk [tilespmem:v18+s14+$0x0 ss:$0x1], $0xffff  }
0x55: {  	s13 =	simm.s32 $0x100;
	v21 =	vld.idx.msk [tilespmem:v18+s14+$0x10 ss:$0x1], $0xffff  }
.LBB2_3:
0x56: {  	p0 =	sne.s32 s13, $0x780;
	v22 =	vld.idx.msk [tilespmem:v16+s14+$0x10 ss:$0x1], $0xffff  }
0x57: {  	v23 =	vld.idx.msk [tilespmem:v17+s14+$0x0 ss:$0x1], $0xffff  }
0x58: {  	v24 =	vld.idx.msk [tilespmem:v17+s14+$0x10 ss:$0x1], $0xffff;
	_ =	sdelay $0x3  }
0x59: {  	v19 =	vadd.f32 v19, v20;
	v20 =	vadd.f32 v22, v21;
	_ =	sdelay $0x1  }
0x5a: {  	v19 =	vmul.f32 v23, v19;
	v20 =	vmul.f32 v24, v20;
	_ =	sdelay $0x1  }
0x5b: {  	v19 =	vadd.f32 v20, v19  }
.Ltmp0:
0x5c: {  	s1 =	sadd.s32 $0x10, s1;
	(pc) =	sbr.rel @p0 .LBB2_3-.Ltmp0, $4  }
0x5d: {  	s14 =	sshra.s32 s13, $0x2;
	[tilespmem:s1+$0x0] =	vst v19  }
0x5e: {  	v19 =	vld.idx.msk [tilespmem:v16+s14+$0x0 ss:$0x1], $0xffff  }
0x5f: {  	v20 =	vld.idx.msk [tilespmem:v18+s14+$0x0 ss:$0x1], $0xffff  }
0x60: {  	s13 =	sadd.s32 $0x80, s13;
	v21 =	vld.idx.msk [tilespmem:v18+s14+$0x10 ss:$0x1], $0xffff  }
0x61: {  	_ =	sdelay $0x3  }
0x62: {  	v16 =	vld.idx.msk [tilespmem:v16+s14+$0x10 ss:$0x1], $0xffff  }
0x63: {  	v18 =	vld.idx.msk [tilespmem:v17+s14+$0x0 ss:$0x1], $0xffff  }
0x64: {  	v17 =	vld.idx.msk [tilespmem:v17+s14+$0x10 ss:$0x1], $0xffff;
	_ =	sdelay $0x2  }
0x65: {  	v19 =	vadd.f32 v19, v20;
	v16 =	vadd.f32 v16, v21;
	_ =	sdelay $0x1  }
0x66: {  	v18 =	vmul.f32 v18, v19;
	v16 =	vmul.f32 v17, v16;
	_ =	sdelay $0x1  }
0x67: {  	v16 =	vadd.f32 v16, v18  }
0x68: {  	s1 =	sadd.s32 $0x10, s1  }
0x69: {  	[tilespmem:s1+$0x0] =	vst v16  }
0x6a: {  	v16 =	vld.idx.msk [tilespmem:v0+s25+$0x0], $0xffff;
	_ =	sdelay $0x1  }
0x6b: {  	v17 =	vld.idx.msk [tilespmem:v1+s25+$0x0], $0xffff;
	_ =	sdelay $0x1  }
0x6c: {  	v54 =	vld.idx.msk [tilespmem:v2+s25+$0x0], $0xffff  }
0x6d: {  	v16 =	vadd.f32 $0.0e+00, v16  }
0x6e: {  	v55 =	vld.idx.msk [tilespmem:v3+s25+$0x0], $0xffff  }
0x6f: {  	v16 =	vadd.f32 v17, v16  }
0x70: {  	v17 =	vld.idx.msk [tilespmem:v4+s25+$0x0], $0xffff  }
0x71: {  	v16 =	vadd.f32 v54, v16  }
0x72: {  	v56 =	vld.idx.msk [tilespmem:v5+s25+$0x0], $0xffff  }
0x73: {  	v16 =	vadd.f32 v55, v16  }
0x74: {  	v57 =	vld.idx.msk [tilespmem:v6+s25+$0x0], $0xffff  }
0x75: {  	v16 =	vadd.f32 v17, v16  }
0x76: {  	v17 =	vld.idx.msk [tilespmem:v7+s25+$0x0], $0xffff  }
0x77: {  	v16 =	vadd.f32 v56, v16  }
0x78: {  	v58 =	vld.idx.msk [tilespmem:v8+s25+$0x0], $0xffff  }
0x79: {  	v16 =	vadd.f32 v57, v16  }
0x7a: {  	v59 =	vld.idx.msk [tilespmem:v9+s25+$0x0], $0xffff  }
0x7b: {  	v16 =	vadd.f32 v17, v16  }
0x7c: {  	v17 =	vld.idx.msk [tilespmem:v10+s25+$0x0], $0xffff  }
0x7d: {  	v16 =	vadd.f32 v58, v16  }
0x7e: {  	v60 =	vld.idx.msk [tilespmem:v11+s25+$0x0], $0xffff  }
0x7f: {  	v16 =	vadd.f32 v59, v16  }
0x80: {  	v61 =	vld.idx.msk [tilespmem:v12+s25+$0x0], $0xffff  }
0x81: {  	v16 =	vadd.f32 v17, v16  }
0x82: {  	v17 =	vld.idx.msk [tilespmem:v13+s25+$0x0], $0xffff  }
0x83: {  	v16 =	vadd.f32 v60, v16  }
0x84: {  	v62 =	vld.idx.msk [tilespmem:v14+s25+$0x0], $0xffff  }
0x85: {  	v16 =	vadd.f32 v61, v16  }
0x86: {  	v63 =	vld.idx.msk [tilespmem:v15+s25+$0x0], $0xffff  }
0x87: {  	v16 =	vadd.f32 v17, v16;
	_ =	sdelay $0x1  }
0x88: {  	v16 =	vadd.f32 v62, v16;
	_ =	sdelay $0x1  }
0x89: {  	v16 =	vadd.f32 v63, v16;
	_ =	sdelay $0x1  }
0x8a: {  	v16 =	vsub.f32 $0.0e+00, v16;
	_ =	sdelay $0x1  }
0x8b: {  	v16 =	vmul.f32 $1.442695020e+00, v16;
	_ =	sdelay $0x1  }
0x8c: {  	(erf) = vpow2.f32 v16;
	_ =	sdelay $0x8  }
0x8d: {  	v16 =	vpop (erf)  }
0x8e: {  	v16 =	vadd.f32 $1.000000000e+00, v16;
	_ =	sdelay $0x1  }
0x8f: {  	(erf) = vrcp.f32 v16;
	_ =	sdelay $0x3  }
0x90: {  	s14 =	sshll.u32 s0, $0x4;
	s0 =	sadd.s32 $0x1, s0  }
0x91: {  	p0 =	sne.s32 s0, $0x20  }
.Ltmp1:
0x92: {  	_ = 	snop;
	(pc) =	sbr.rel @p0 .LBB2_2-.Ltmp1, $3  }
0x93: {  	_ =	sdelay $0x1  }
0x94: {  	s1 =	sand.u32 $0x3FFFFFF0, s14;
	v16 =	vpop (erf)  }
0x95: {  	s30 =	sadd.s32 $0x200, s30;
	s29 =	sadd.s32 $0x200, s29;
	s31 =	sadd.s32 $0x200, s31;
	[tilespmem:s1+$0xC500] =	vst v16  }
0x96: {  	s28 =	sadd.s32 $0x1, s28  }
0x97: {  	p0 =	sne.s32 s28, s9  }
.Ltmp2:
0x98: {  	_ = 	snop;
	(pc) =	sbr.rel @p0 .LBB2_1-.Ltmp2, $4  }
0x99: {  	[hbm4b:s8+s2] =	stream.linear.scatter [tilespmem:s26], [sflag:$0x2], $0x200, $0x38;
	[tilespmem:$0xC700] =	vst v63  }
0x9a: {  	_ =	swait.ge [sflag:s10], $0x200  }
0x9b: {  	[sflag:s10] =	ssyncset.done $0x0  }
0x9c: {  	[sflag:s10] =	ssyncadd.s32 $0xFFFFFE00  }
0x9d: {  	_ =	sfence.sel $0x180000  }
0x9e: {  	[bflag:$0x0] =	sbarrier.arrive $0xFFFF  }
0x9f: {  	_ =	strace $0x9000004A  }
0xa0: {  	s0 =	stileid.u32;
	[bflag:$0x2] =	sbarrier.arrive $0xFFFF  }
0xa1: {  	p0 =	sne.s32 s0, $0x0;
	s0 =	rddreg [dreg:$0x4]  }
0xa2: {  	s0 =	sadd.s32 @!p0 $0x100000, s0  }
0xa3: {  	[sflag:s0] =	ssyncadd.tile.s32 @!p0 $0x1;
	_ =	shalt  }
.Lfunc_end2:
_tile_overlayer_lowered:
.L_overlay_start_2:
0xa4: {  	(tag) =	ssettag $0x2  }
0xa5: {  	s0 =	rddreg [dreg:$0x0];
	s2 =	stileid.u32  }
0xa6: {  	s1 =	rddreg [dreg:$0x1];
	p0 =	sne.s32 s2, $0x0  }
0xa7: {  	s3 =	rddreg [dreg:$0x2];
	[bflag:$0x3] =	sbarrier.arrive $0xFFFF;
	s2 =	simm.s32 @!p0 $0x1C02  }
0xa8: {  	[timem:s3], [sflag:s2] =	dma.local @!p0 [hbm:s0], s1  }
0xa9: {  	s0 =	simm.s32 @!p0 $0x2  }
0xaa: {  	_ =	swait.ge @!p0 [sflag:s0], s1  }
0xab: {  	s1 =	ssub.s32 @!p0 $0x0, s1;
	[sflag:s0] =	ssyncset.done @!p0 $0x0  }
0xac: {  	[sflag:s0] =	ssyncadd.s32 @!p0 s1  }
0xad: {  	[bflag:$0x3] =	sbarrier.arrive $0xFFFF  }
0xae: {  	_ =	shalt  }

</sc_bundles>
